<compile_context>
chip_gen: v7x
topology: tpu7x:2x2x1
jax: 0.10.2.dev20260603
libtpu: 0.0.44.dev20260713+nightly
codegen_flags: <defaults>
</compile_context>

<pallas_src>
import functools

import jax
import jax.numpy as jnp
from jax import lax
from jax.experimental import pallas as pl
from jax.experimental.pallas import tpu as pltpu
from jax.experimental.pallas import tpu_sc as plsc

NC = 2
NS = 16


def _pad_up(n, m):
    return ((n + m - 1) // m) * m


def _pick_prows(rpt, maxrows):
    for p in range(maxrows - maxrows % 16, 15, -16):
        if rpt % p == 0:
            return p
    return 16


def _pick_div(cpw, cap):
    for s in range(min(cap, cpw), 0, -1):
        if cpw % s == 0:
            return s
    return 1



def _mega_call(xp1, src3, dst3, npad):
    C = xp1.shape[2]
    nrow = src3.shape[0]
    bt = src3.shape[2]
    cpwd = nrow // NS
    cpwp = nrow // (NC * NS)
    rpt = npad // NS
    SG = _pick_div(cpwp, 10)
    GK = 5 if SG % 5 == 0 else (2 if SG % 2 == 0 else 1)
    prows = _pick_prows(rpt, 112)
    npc = rpt // prows

    @functools.partial(
        pl.kernel,
        out_type=[
            jax.ShapeDtypeStruct((NC, 1, npad, C), jnp.float32),
            jax.ShapeDtypeStruct((NC, 1, npad, C), jnp.float32),
            jax.ShapeDtypeStruct((npad,), jnp.float32),
        ],
        mesh=plsc.VectorSubcoreMesh(core_axis_name="c", subcore_axis_name="s"),
        compiler_params=pltpu.CompilerParams(use_tc_tiling_on_sc=False,
                                             needs_layout_passes=False),
        scratch_types=[
            pltpu.VMEM((1, bt, 1), jnp.float32),
            pltpu.VMEM((1, prows, 1), jnp.float32),
            pltpu.VMEM((SG, 1, bt), jnp.int32),
            pltpu.VMEM((SG, 1, bt), jnp.int32),
            pltpu.VMEM((GK, 1, bt, C), jnp.float32),
            pltpu.VMEM((1, prows, C), jnp.float32),
            pltpu.VMEM((1, prows, C), jnp.float32),
            pltpu.VMEM((prows,), jnp.float32),
            pltpu.VMEM_SHARED((1, npad, 1), jnp.float32),
            pltpu.VMEM_SHARED((1, npad, C), jnp.float32),
            pltpu.SemaphoreType.DMA,
            pltpu.SemaphoreType.DMA,
        ],
    )
    def k(x_hbm, src_hbm, dst_hbm, y1_hbm, p1_hbm, dinv_hbm,
          ones_v, deg3_v, src_v, dst_v, rows_v, xb_v, yb_v, dv_v,
          deg_sh, acc_sh, sem, ssem):
        c = lax.axis_index("c")
        s = lax.axis_index("s")

        iot = lax.iota(jnp.int32, 16)
        rowi = iot >> 2
        coli = iot & 3
        z16 = jnp.zeros((16,), jnp.int32)
        ones16 = jnp.full((16,), 1.0, jnp.float32)
        zero16 = jnp.zeros((16,), jnp.float32)
        for g in range(bt // 16):
            plsc.store_scatter(ones_v, [z16, iot + g * 16, z16], ones16)

        @pl.loop(0, prows // 16)
        def _(i):
            plsc.store_scatter(deg3_v, [z16, iot + i * 16, z16], zero16)

        @pl.loop(0, npc)
        def _(p):
            pltpu.sync_copy(deg3_v,
                            deg_sh.at[:, pl.ds(s * rpt + p * prows, prows)])
        plsc.subcore_barrier()

        @pl.loop(0, cpwd // SG)
        def _(gr):
            pltpu.sync_copy(dst_hbm.at[pl.ds(s * cpwd + gr * SG, SG)], dst_v)
            sd = [pltpu.async_copy(ones_v, deg_sh.at[dst_v.at[g]],
                                   sem, add=True)
                  for g in range(SG)]
            for d in sd:
                d.wait()

        plsc.subcore_barrier()


        @pl.loop(0, npc)
        def _(p):
            r0 = s * rpt + p * prows
            pltpu.sync_copy(deg_sh.at[:, pl.ds(r0, prows)], deg3_v)
            pltpu.sync_copy(x_hbm.at[:, pl.ds(r0, prows)], xb_v)

            @pl.loop(0, prows // 16)
            def _(i):
                d = plsc.load_gather(deg3_v, [z16, iot + i * 16, z16]) + 1.0
                bits = plsc.bitcast(d, jnp.int32)
                y0 = plsc.bitcast(jnp.int32(0x5F3759DF) - (bits >> 1),
                                  jnp.float32)
                for _ in range(3):
                    y0 = y0 * (1.5 - 0.5 * d * y0 * y0)
                dv_v[pl.ds(i * 16, 16)] = y0

            @pl.when(c == 0)
            def _():
                pltpu.sync_copy(dv_v, dinv_hbm.at[pl.ds(r0, prows)])

            @pl.loop(0, prows // 4)
            def _(g):
                ri = rowi + g * 4
                xv = plsc.load_gather(xb_v, [z16, ri, coli])
                dvr = plsc.load_gather(dv_v, [ri])
                plsc.store_scatter(yb_v, [z16, ri, coli], xv * dvr)

            pltpu.sync_copy(yb_v, y1_hbm.at[c, :, pl.ds(r0, prows)])
            pltpu.sync_copy(yb_v, acc_sh.at[:, pl.ds(r0, prows)])

        plsc.subcore_barrier()

        ysrc = y1_hbm.at[c]
        base = (c * NS + s) * cpwp

        @pl.loop(0, cpwp // SG)
        def _(sg):
            j0 = base + sg * SG
            pltpu.sync_copy(src_hbm.at[pl.ds(j0, SG)], src_v)
            pltpu.sync_copy(dst_hbm.at[pl.ds(j0, SG)], dst_v)

            @pl.loop(0, SG // GK)
            def _(gr):
                b0 = gr * GK
                gd = [pltpu.async_copy(ysrc.at[src_v.at[b0 + b]],
                                       rows_v.at[b], sem)
                      for b in range(GK)]
                sd = []
                for b in range(GK):
                    gd[b].wait()
                    sd.append(pltpu.async_copy(rows_v.at[b],
                                               acc_sh.at[dst_v.at[b0 + b]],
                                               ssem, add=True))
                for d in sd:
                    d.wait()

        plsc.subcore_barrier()

        @pl.loop(0, npc)
        def _(p):
            r0 = s * rpt + p * prows
            pltpu.sync_copy(acc_sh.at[:, pl.ds(r0, prows)], yb_v)
            pltpu.sync_copy(yb_v, p1_hbm.at[c, :, pl.ds(r0, prows)])

    return k(xp1, src3, dst3)

def _propagate_head_call(y, src3, dst3, dinv, b2s, n, npad):
    nrow = src3.shape[0]
    bt = src3.shape[2]
    HC = y.shape[3]
    rpt = npad // NS
    cpw = nrow // NS
    SG = _pick_div(cpw, 10)
    GK = 5 if SG % 5 == 0 else (2 if SG % 2 == 0 else 1)
    prows = _pick_prows(rpt, 112)
    npc = rpt // prows

    @functools.partial(
        pl.kernel,
        out_type=jax.ShapeDtypeStruct((NC, HC), jnp.float32),
        mesh=plsc.VectorSubcoreMesh(core_axis_name="c", subcore_axis_name="s"),
        compiler_params=pltpu.CompilerParams(use_tc_tiling_on_sc=False,
                                             needs_layout_passes=False),
        scratch_types=[
            pltpu.VMEM((SG, 1, bt), jnp.int32),
            pltpu.VMEM((SG, 1, bt), jnp.int32),
            pltpu.VMEM((GK, 1, bt, HC), jnp.float32),
            pltpu.VMEM((1, prows, HC), jnp.float32),
            pltpu.VMEM((prows,), jnp.float32),
            pltpu.VMEM((HC,), jnp.float32),
            pltpu.VMEM((NS, HC), jnp.float32),
            pltpu.VMEM_SHARED((1, npad, HC), jnp.float32),
            pltpu.VMEM_SHARED((NS, HC), jnp.float32),
            pltpu.SemaphoreType.DMA,
            pltpu.SemaphoreType.DMA,
        ],
    )
    def k(y_hbm, src_hbm, dst_hbm, dinv_hbm, b2_hbm, out_hbm,
          src_v, dst_v, rows_v, tmp_v, dinv_v, b16_v, headv,
          acc_sh, head_sh, sem, ssem):
        c = lax.axis_index("c")
        s = lax.axis_index("s")
        base = s * cpw
        ysrc = y_hbm.at[c]

        @pl.loop(0, npc)
        def _(p):
            r0 = s * rpt + p * prows
            pltpu.sync_copy(ysrc.at[:, pl.ds(r0, prows)], tmp_v)
            pltpu.sync_copy(tmp_v, acc_sh.at[:, pl.ds(r0, prows)])

        pltpu.sync_copy(b2_hbm.at[c], b16_v)
        plsc.subcore_barrier()

        @pl.loop(0, cpw // SG)
        def _(sg):
            j0 = base + sg * SG
            pltpu.sync_copy(src_hbm.at[pl.ds(j0, SG)], src_v)
            pltpu.sync_copy(dst_hbm.at[pl.ds(j0, SG)], dst_v)

            @pl.loop(0, SG // GK)
            def _(gr):
                b0 = gr * GK
                gd = [pltpu.async_copy(ysrc.at[src_v.at[b0 + b]],
                                       rows_v.at[b], sem)
                      for b in range(GK)]
                sd = []
                for b in range(GK):
                    gd[b].wait()
                    sd.append(pltpu.async_copy(rows_v.at[b],
                                               acc_sh.at[dst_v.at[b0 + b]],
                                               ssem, add=True))
                for d in sd:
                    d.wait()

        plsc.subcore_barrier()

        b2v = b16_v[...]

        def piece(p, accv):
            r0 = s * rpt + p * prows
            pltpu.sync_copy(acc_sh.at[:, pl.ds(r0, prows)], tmp_v)
            pltpu.sync_copy(dinv_hbm.at[pl.ds(r0, prows)], dinv_v)

            def rowf(r, a):
                row = tmp_v[0, r]
                dv = plsc.load_gather(dinv_v,
                                      [jnp.zeros((16,), jnp.int32) + r])
                o = jnp.maximum(row * dv + b2v, 0.0)
                return a + jnp.where(r0 + r < n, o, 0.0)

            return pl.loop(0, prows, init_carry=accv)(rowf)

        accv = pl.loop(0, npc,
                       init_carry=jnp.zeros((16,), jnp.float32))(piece)
        b16_v[...] = accv
        pltpu.sync_copy(b16_v, head_sh.at[s])
        plsc.subcore_barrier()

        @pl.when(s == 0)
        def _():
            pltpu.sync_copy(head_sh, headv)

            def red(i, a):
                return a + headv[i]

            tot = pl.loop(1, NS, init_carry=headv[0])(red)
            b16_v[...] = tot
            pltpu.sync_copy(b16_v, out_hbm.at[c])

    return k(y, src3, dst3, dinv, b2s)




def _t2_call(p1, y1, dinv, W1, b1, W2, npad, bn):
    def body(p_ref, y1_ref, dinv_ref, w1_ref, b1_ref, w2_ref, y2_ref):
        agg = p_ref[0] + p_ref[1] - y1_ref[...]
        dinv = dinv_ref[...]
        z = jnp.dot(agg * dinv, w1_ref[...],
                    preferred_element_type=jnp.float32) + b1_ref[...]
        h1 = jnp.maximum(z, 0.0)
        y2 = jnp.dot(h1, w2_ref[...],
                     preferred_element_type=jnp.float32) * dinv
        y2_ref[0] = y2[:, :16]
        y2_ref[1] = y2[:, 16:]

    grid = npad // bn
    return pl.pallas_call(
        body,
        grid=(grid,),
        in_specs=[
            pl.BlockSpec((2, bn, 4), lambda i: (0, i, 0)),
            pl.BlockSpec((bn, 4), lambda i: (i, 0)),
            pl.BlockSpec((bn, 1), lambda i: (i, 0)),
            pl.BlockSpec((4, 64), lambda i: (0, 0)),
            pl.BlockSpec((1, 64), lambda i: (0, 0)),
            pl.BlockSpec((64, 32), lambda i: (0, 0)),
        ],
        out_specs=pl.BlockSpec((2, bn, 16), lambda i: (0, i, 0)),
        out_shape=jax.ShapeDtypeStruct((2, npad, 16), jnp.float32),
    )(p1, y1, dinv, W1, b1, W2)


def _head_call(head, Wfc, bfc, n):
    def body(h_ref, wfc_ref, bfc_ref, out_ref):
        g = jnp.concatenate([h_ref[0:1, :], h_ref[1:2, :]],
                            axis=1) / jnp.float32(n)
        logit = jnp.dot(g, wfc_ref[...],
                        preferred_element_type=jnp.float32) + bfc_ref[...]
        out_ref[...] = 1.0 / (1.0 + jnp.exp(-logit))

    return pl.pallas_call(
        body,
        out_shape=jax.ShapeDtypeStruct((1, 1), jnp.float32),
    )(head, Wfc, bfc)



def kernel(x, edge_index, W1, b1, W2, b2, Wfc, bfc):
    n = x.shape[0]
    e = edge_index.shape[1]
    BT = 512
    npad = _pad_up(n, NC * NS * 8)
    epad = _pad_up(e, BT * NC * NS * 10)
    bn = npad // 16

    src = edge_index[0]
    dst = edge_index[1]
    if epad != e:
        pad = epad - e
        src = jnp.concatenate([src, jnp.zeros((pad,), jnp.int32)])
        dst = jnp.concatenate([dst, jnp.full((pad,), npad - 1, jnp.int32)])
    src3 = src.reshape(-1, 1, BT)
    dst3 = dst.reshape(-1, 1, BT)
    xp = jnp.pad(x, ((0, npad - n), (0, 0)))

    y1c, p1, dinv1 = _mega_call(xp.reshape(1, npad, 4), src3, dst3,
                                npad)
    y2 = _t2_call(p1.reshape(NC, npad, 4), y1c[0].reshape(npad, 4),
                  dinv1.reshape(npad, 1), W1,
                  b1.reshape(1, -1), W2, npad, bn)
    head = _propagate_head_call(y2.reshape(NC, 1, npad, 16), src3, dst3,
                                dinv1, b2.reshape(NC, 16),
                                n, npad)
    out = _head_call(head, Wfc, bfc.reshape(1, 1), n)
    return out.reshape((1,))

# --- scband reference (transcript-rebuilt; emitter-appended) ---
"""Pipeline reference for scband-gcn-24232205484380 (READ-ONLY COPY).

The authoritative reference and input builder live on the scoring server;
editing this copy changes nothing except your own understanding.
"""

import jax, jax.numpy as jnp
import numpy as np

N = 50000
E = 800000

def setup_inputs(seed: int = 0) -> dict:
    key = jax.random.key(seed)
    ks = jax.random.split(key, 8)
    x = jax.random.normal(ks[0], (N, 4), dtype=jnp.float32)
    rng = np.random.default_rng(0)
    edge_index = jnp.asarray(rng.integers(0, N, size=(2, E)), dtype=jnp.int32)
    W1 = jax.random.normal(ks[1], (4, 64), dtype=jnp.float32) * 0.1
    b1 = jnp.zeros((64,), dtype=jnp.float32)
    W2 = jax.random.normal(ks[2], (64, 32), dtype=jnp.float32) * 0.1
    b2 = jnp.zeros((32,), dtype=jnp.float32)
    Wfc = jax.random.normal(ks[3], (32, 1), dtype=jnp.float32) * 0.1
    bfc = jnp.zeros((1,), dtype=jnp.float32)
    return {"x": x, "edge_index": edge_index, "W1": W1, "b1": b1, "W2": W2, "b2": b2, "Wfc": Wfc, "bfc": bfc}

def gcn_conv(x, edge_index, W, b):
    n = x.shape[0]
    loop = jnp.arange(n, dtype=edge_index.dtype)
    src = jnp.concatenate([edge_index[0], loop])
    dst = jnp.concatenate([edge_index[1], loop])
    deg = jax.ops.segment_sum(jnp.ones_like(dst, dtype=x.dtype), dst, num_segments=n)
    dinv = jnp.where(deg > 0, 1.0 / jnp.sqrt(deg), 0.0)
    norm = dinv[src] * dinv[dst]
    h = x @ W
    msg = h[src] * norm[:, None]
    out = jax.ops.segment_sum(msg, dst, num_segments=n)
    return out + b

def reference(x, edge_index, W1, b1, W2, b2, Wfc, bfc):
    h = jax.nn.relu(gcn_conv(x, edge_index, W1, b1))
    h = jax.nn.relu(gcn_conv(h, edge_index, W2, b2))
    g = jnp.mean(h, axis=0)
    return jax.nn.sigmoid(g @ Wfc + bfc)

if __name__ == "__main__":
    import jax
    _d = setup_inputs()
    print(jax.jit(kernel)(*tuple(_d.values())))

</pallas_src>

<mosaic_0001>
#map = affine_map<(d0, d1) -> (0, 0, 0, 0)>
#map1 = affine_map<(d0, d1) -> (0, 0, 0)>
#map2 = affine_map<(d0, d1) -> (0)>
#map3 = affine_map<(d0, d1) -> (0, 0)>
module attributes {stable_mosaic.version = 14 : i64} {
  func.func @k(%arg0: i32, %arg1: i32, %arg2: memref<2x1x50176x16xf32, #tpu.memory_space<hbm>>, %arg3: memref<1600x1x512xi32, #tpu.memory_space<hbm>>, %arg4: memref<1600x1x512xi32, #tpu.memory_space<hbm>>, %arg5: memref<50176xf32, #tpu.memory_space<hbm>>, %arg6: memref<2x16xf32, #tpu.memory_space<hbm>>, %arg7: memref<2x16xf32, #tpu.memory_space<hbm>>, %arg8: memref<10x1x512xi32, #tpu.memory_space<vmem>>, %arg9: memref<10x1x512xi32, #tpu.memory_space<vmem>>, %arg10: memref<5x1x512x16xf32, #tpu.memory_space<vmem>>, %arg11: memref<1x112x16xf32, #tpu.memory_space<vmem>>, %arg12: memref<112xf32, #tpu.memory_space<vmem>>, %arg13: memref<16xf32, #tpu.memory_space<vmem>>, %arg14: memref<16x16xf32, #tpu.memory_space<vmem>>, %arg15: memref<1x50176x16xf32, #tpu.memory_space<vmem_shared>>, %arg16: memref<16x16xf32, #tpu.memory_space<vmem_shared>>, %arg17: memref<!tpu.dma_semaphore, #tpu.memory_space<semaphore_mem>>, %arg18: memref<!tpu.dma_semaphore, #tpu.memory_space<semaphore_mem>>) attributes {dimension_semantics = [#tpu.dimension_semantics<core_parallel>, #tpu.dimension_semantics<subcore_parallel>], iteration_bounds = array<i64: 2, 16>, scalar_prefetch = 0 : i64, scratch_operands = 11 : i64, tpu.core_type = #tpu.core_type<sc_vector_subcore>, window_params = [{transform_indices = #map}, {transform_indices = #map1}, {transform_indices = #map1}, {transform_indices = #map2}, {transform_indices = #map3}, {transform_indices = #map3}]} {
    %mul3A = arith.constant 100 : i32
    %mul3A_0 = arith.muli %arg1, %mul3A : i32
    %scan3A = arith.constant 0 : i32
    %scan3A_1 = arith.constant 28 : i32
    %scan3A_2 = arith.addi %scan3A, %scan3A_1 : i32
    %scan3A_3 = arith.constant 1 : i32
    scf.for %scan3A_23 = %scan3A to %scan3A_2 step %scan3A_3  : i32 {
      %mul3A_24 = arith.constant 1 : i32
      %mul3A_25 = arith.muli %scan3A_23, %mul3A_24 : i32
      %add3A = arith.constant 0 : i32
      %add3A_26 = arith.addi %add3A, %mul3A_25 : i32
      %mul3A_27 = arith.constant 3136 : i32
      %mul3A_28 = arith.muli %arg1, %mul3A_27 : i32
      %mul3A_29 = arith.constant 112 : i32
      %mul3A_30 = arith.muli %add3A_26, %mul3A_29 : i32
      %add3A_31 = arith.addi %mul3A_28, %mul3A_30 : i32
      "tpu.region"() ({
        %run_scoped3A = tpu.sem_alloc : memref<!tpu.dma_semaphore, #tpu.memory_space<semaphore_mem>>
        %dma_start3A = arith.constant 0 : i32
        %dma_start3A_32 = arith.constant 0 : i32
        %dma_start3A_33 = arith.constant 0 : i32
        %dma_start3A_34 = tpu.memref_slice %arg2[%arg0, %dma_start3A, %dma_start3A_32, %dma_start3A_33] : memref<2x1x50176x16xf32, #tpu.memory_space<hbm>> -> memref<1x1x50176x16xf32, #tpu.memory_space<hbm>>
        %dma_start3A_35 = tpu.memref_squeeze %dma_start3A_34 : memref<1x1x50176x16xf32, #tpu.memory_space<hbm>> -> memref<1x50176x16xf32, #tpu.memory_space<hbm>>
        %dma_start3A_36 = arith.constant 0 : i32
        %dma_start3A_37 = arith.constant 0 : i32
        %dma_start3A_38 = tpu.memref_slice %dma_start3A_35[%dma_start3A_36, %add3A_31, %dma_start3A_37] : memref<1x50176x16xf32, #tpu.memory_space<hbm>> -> memref<1x112x16xf32, #tpu.memory_space<hbm>>
        %dma_start3A_39 = arith.constant 0 : i32
        %dma_start3A_40 = arith.constant 0 : i32
        %dma_start3A_41 = arith.constant 0 : i32
        %dma_start3A_42 = tpu.memref_slice %arg2[%arg0, %dma_start3A_39, %dma_start3A_40, %dma_start3A_41] : memref<2x1x50176x16xf32, #tpu.memory_space<hbm>> -> memref<1x1x50176x16xf32, #tpu.memory_space<hbm>>
        %dma_start3A_43 = tpu.memref_squeeze %dma_start3A_42 : memref<1x1x50176x16xf32, #tpu.memory_space<hbm>> -> memref<1x50176x16xf32, #tpu.memory_space<hbm>>
        %dma_start3A_44 = arith.constant 0 : i32
        %dma_start3A_45 = arith.constant 0 : i32
        %dma_start3A_46 = tpu.memref_slice %dma_start3A_43[%dma_start3A_44, %add3A_31, %dma_start3A_45] : memref<1x50176x16xf32, #tpu.memory_space<hbm>> -> memref<1x112x16xf32, #tpu.memory_space<hbm>>
        tpu.enqueue_dma source(%dma_start3A_46 : memref<1x112x16xf32, #tpu.memory_space<hbm>>) target(%arg11 : memref<1x112x16xf32, #tpu.memory_space<vmem>>) target_semaphore(%run_scoped3A : memref<!tpu.dma_semaphore, #tpu.memory_space<semaphore_mem>>)
        %dma_wait3A = arith.constant 0 : i32
        %dma_wait3A_47 = arith.constant 0 : i32
        %dma_wait3A_48 = arith.constant 0 : i32
        %dma_wait3A_49 = tpu.memref_slice %arg2[%arg0, %dma_wait3A, %dma_wait3A_47, %dma_wait3A_48] : memref<2x1x50176x16xf32, #tpu.memory_space<hbm>> -> memref<1x1x50176x16xf32, #tpu.memory_space<hbm>>
        %dma_wait3A_50 = tpu.memref_squeeze %dma_wait3A_49 : memref<1x1x50176x16xf32, #tpu.memory_space<hbm>> -> memref<1x50176x16xf32, #tpu.memory_space<hbm>>
        %dma_wait3A_51 = arith.constant 0 : i32
        %dma_wait3A_52 = arith.constant 0 : i32
        %dma_wait3A_53 = tpu.memref_slice %dma_wait3A_50[%dma_wait3A_51, %add3A_31, %dma_wait3A_52] : memref<1x50176x16xf32, #tpu.memory_space<hbm>> -> memref<1x112x16xf32, #tpu.memory_space<hbm>>
        %dma_wait3A_54 = arith.constant 0 : i32
        %dma_wait3A_55 = arith.constant 0 : i32
        %dma_wait3A_56 = arith.constant 0 : i32
        %dma_wait3A_57 = tpu.memref_slice %arg2[%arg0, %dma_wait3A_54, %dma_wait3A_55, %dma_wait3A_56] : memref<2x1x50176x16xf32, #tpu.memory_space<hbm>> -> memref<1x1x50176x16xf32, #tpu.memory_space<hbm>>
        %dma_wait3A_58 = tpu.memref_squeeze %dma_wait3A_57 : memref<1x1x50176x16xf32, #tpu.memory_space<hbm>> -> memref<1x50176x16xf32, #tpu.memory_space<hbm>>
        %dma_wait3A_59 = arith.constant 0 : i32
        %dma_wait3A_60 = arith.constant 0 : i32
        %dma_wait3A_61 = tpu.memref_slice %dma_wait3A_58[%dma_wait3A_59, %add3A_31, %dma_wait3A_60] : memref<1x50176x16xf32, #tpu.memory_space<hbm>> -> memref<1x112x16xf32, #tpu.memory_space<hbm>>
        tpu.wait_dma2 semaphore(%run_scoped3A : memref<!tpu.dma_semaphore, #tpu.memory_space<semaphore_mem>>) src(%dma_wait3A_61 : memref<1x112x16xf32, #tpu.memory_space<hbm>>) dst(%arg11 : memref<1x112x16xf32, #tpu.memory_space<vmem>>)
        tpu.yield
      }) : () -> ()
      "tpu.region"() ({
        %run_scoped3A = tpu.sem_alloc : memref<!tpu.dma_semaphore, #tpu.memory_space<semaphore_mem>>
        %dma_start3A = arith.constant 0 : i32
        %dma_start3A_32 = arith.constant 0 : i32
        %dma_start3A_33 = tpu.memref_slice %arg15[%dma_start3A, %add3A_31, %dma_start3A_32] : memref<1x50176x16xf32, #tpu.memory_space<vmem_shared>> -> memref<1x112x16xf32, #tpu.memory_space<vmem_shared>>
        %dma_start3A_34 = arith.constant 0 : i32
        %dma_start3A_35 = arith.constant 0 : i32
        %dma_start3A_36 = tpu.memref_slice %arg15[%dma_start3A_34, %add3A_31, %dma_start3A_35] : memref<1x50176x16xf32, #tpu.memory_space<vmem_shared>> -> memref<1x112x16xf32, #tpu.memory_space<vmem_shared>>
        tpu.enqueue_dma source(%arg11 : memref<1x112x16xf32, #tpu.memory_space<vmem>>) target(%dma_start3A_36 : memref<1x112x16xf32, #tpu.memory_space<vmem_shared>>) target_semaphore(%run_scoped3A : memref<!tpu.dma_semaphore, #tpu.memory_space<semaphore_mem>>)
        %dma_wait3A = arith.constant 0 : i32
        %dma_wait3A_37 = arith.constant 0 : i32
        %dma_wait3A_38 = tpu.memref_slice %arg15[%dma_wait3A, %add3A_31, %dma_wait3A_37] : memref<1x50176x16xf32, #tpu.memory_space<vmem_shared>> -> memref<1x112x16xf32, #tpu.memory_space<vmem_shared>>
        %dma_wait3A_39 = arith.constant 0 : i32
        %dma_wait3A_40 = arith.constant 0 : i32
        %dma_wait3A_41 = tpu.memref_slice %arg15[%dma_wait3A_39, %add3A_31, %dma_wait3A_40] : memref<1x50176x16xf32, #tpu.memory_space<vmem_shared>> -> memref<1x112x16xf32, #tpu.memory_space<vmem_shared>>
        tpu.wait_dma2 semaphore(%run_scoped3A : memref<!tpu.dma_semaphore, #tpu.memory_space<semaphore_mem>>) src(%arg11 : memref<1x112x16xf32, #tpu.memory_space<vmem>>) dst(%dma_wait3A_41 : memref<1x112x16xf32, #tpu.memory_space<vmem_shared>>)
        tpu.yield
      }) : () -> ()
    }
    %scan3A_4 = arith.constant 28 : i32
    "tpu.region"() ({
      %run_scoped3A = tpu.sem_alloc : memref<!tpu.dma_semaphore, #tpu.memory_space<semaphore_mem>>
      %dma_start3A = arith.constant 0 : i32
      %dma_start3A_23 = tpu.memref_slice %arg6[%arg0, %dma_start3A] : memref<2x16xf32, #tpu.memory_space<hbm>> -> memref<1x16xf32, #tpu.memory_space<hbm>>
      %dma_start3A_24 = tpu.memref_squeeze %dma_start3A_23 : memref<1x16xf32, #tpu.memory_space<hbm>> -> memref<16xf32, #tpu.memory_space<hbm>>
      %dma_start3A_25 = arith.constant 0 : i32
      %dma_start3A_26 = tpu.memref_slice %arg6[%arg0, %dma_start3A_25] : memref<2x16xf32, #tpu.memory_space<hbm>> -> memref<1x16xf32, #tpu.memory_space<hbm>>
      %dma_start3A_27 = tpu.memref_squeeze %dma_start3A_26 : memref<1x16xf32, #tpu.memory_space<hbm>> -> memref<16xf32, #tpu.memory_space<hbm>>
      tpu.enqueue_dma source(%dma_start3A_27 : memref<16xf32, #tpu.memory_space<hbm>>) target(%arg13 : memref<16xf32, #tpu.memory_space<vmem>>) target_semaphore(%run_scoped3A : memref<!tpu.dma_semaphore, #tpu.memory_space<semaphore_mem>>)
      %dma_wait3A = arith.constant 0 : i32
      %dma_wait3A_28 = tpu.memref_slice %arg6[%arg0, %dma_wait3A] : memref<2x16xf32, #tpu.memory_space<hbm>> -> memref<1x16xf32, #tpu.memory_space<hbm>>
      %dma_wait3A_29 = tpu.memref_squeeze %dma_wait3A_28 : memref<1x16xf32, #tpu.memory_space<hbm>> -> memref<16xf32, #tpu.memory_space<hbm>>
      %dma_wait3A_30 = arith.constant 0 : i32
      %dma_wait3A_31 = tpu.memref_slice %arg6[%arg0, %dma_wait3A_30] : memref<2x16xf32, #tpu.memory_space<hbm>> -> memref<1x16xf32, #tpu.memory_space<hbm>>
      %dma_wait3A_32 = tpu.memref_squeeze %dma_wait3A_31 : memref<1x16xf32, #tpu.memory_space<hbm>> -> memref<16xf32, #tpu.memory_space<hbm>>
      tpu.wait_dma2 semaphore(%run_scoped3A : memref<!tpu.dma_semaphore, #tpu.memory_space<semaphore_mem>>) src(%dma_wait3A_32 : memref<16xf32, #tpu.memory_space<hbm>>) dst(%arg13 : memref<16xf32, #tpu.memory_space<vmem>>)
      tpu.yield
    }) : () -> ()
    %barrier3A = arith.constant 0 : index
    tpu.barrier barrier_id(%barrier3A)
    %scan3A_5 = arith.constant 0 : i32
    %scan3A_6 = arith.constant 10 : i32
    %scan3A_7 = arith.addi %scan3A_5, %scan3A_6 : i32
    %scan3A_8 = arith.constant 1 : i32
    scf.for %scan3A_23 = %scan3A_5 to %scan3A_7 step %scan3A_8  : i32 {
      %mul3A_24 = arith.constant 1 : i32
      %mul3A_25 = arith.muli %scan3A_23, %mul3A_24 : i32
      %add3A = arith.constant 0 : i32
      %add3A_26 = arith.addi %add3A, %mul3A_25 : i32
      %mul3A_27 = arith.constant 10 : i32
      %mul3A_28 = arith.muli %add3A_26, %mul3A_27 : i32
      %add3A_29 = arith.addi %mul3A_0, %mul3A_28 : i32
      "tpu.region"() ({
        %run_scoped3A = tpu.sem_alloc : memref<!tpu.dma_semaphore, #tpu.memory_space<semaphore_mem>>
        %dma_start3A = arith.constant 0 : i32
        %dma_start3A_35 = arith.constant 0 : i32
        %dma_start3A_36 = tpu.memref_slice %arg3[%add3A_29, %dma_start3A, %dma_start3A_35] : memref<1600x1x512xi32, #tpu.memory_space<hbm>> -> memref<10x1x512xi32, #tpu.memory_space<hbm>>
        %dma_start3A_37 = arith.constant 0 : i32
        %dma_start3A_38 = arith.constant 0 : i32
        %dma_start3A_39 = tpu.memref_slice %arg3[%add3A_29, %dma_start3A_37, %dma_start3A_38] : memref<1600x1x512xi32, #tpu.memory_space<hbm>> -> memref<10x1x512xi32, #tpu.memory_space<hbm>>
        tpu.enqueue_dma source(%dma_start3A_39 : memref<10x1x512xi32, #tpu.memory_space<hbm>>) target(%arg8 : memref<10x1x512xi32, #tpu.memory_space<vmem>>) target_semaphore(%run_scoped3A : memref<!tpu.dma_semaphore, #tpu.memory_space<semaphore_mem>>)
        %dma_wait3A = arith.constant 0 : i32
        %dma_wait3A_40 = arith.constant 0 : i32
        %dma_wait3A_41 = tpu.memref_slice %arg3[%add3A_29, %dma_wait3A, %dma_wait3A_40] : memref<1600x1x512xi32, #tpu.memory_space<hbm>> -> memref<10x1x512xi32, #tpu.memory_space<hbm>>
        %dma_wait3A_42 = arith.constant 0 : i32
        %dma_wait3A_43 = arith.constant 0 : i32
        %dma_wait3A_44 = tpu.memref_slice %arg3[%add3A_29, %dma_wait3A_42, %dma_wait3A_43] : memref<1600x1x512xi32, #tpu.memory_space<hbm>> -> memref<10x1x512xi32, #tpu.memory_space<hbm>>
        tpu.wait_dma2 semaphore(%run_scoped3A : memref<!tpu.dma_semaphore, #tpu.memory_space<semaphore_mem>>) src(%dma_wait3A_44 : memref<10x1x512xi32, #tpu.memory_space<hbm>>) dst(%arg8 : memref<10x1x512xi32, #tpu.memory_space<vmem>>)
        tpu.yield
      }) : () -> ()
      "tpu.region"() ({
        %run_scoped3A = tpu.sem_alloc : memref<!tpu.dma_semaphore, #tpu.memory_space<semaphore_mem>>
        %dma_start3A = arith.constant 0 : i32
        %dma_start3A_35 = arith.constant 0 : i32
        %dma_start3A_36 = tpu.memref_slice %arg4[%add3A_29, %dma_start3A, %dma_start3A_35] : memref<1600x1x512xi32, #tpu.memory_space<hbm>> -> memref<10x1x512xi32, #tpu.memory_space<hbm>>
        %dma_start3A_37 = arith.constant 0 : i32
        %dma_start3A_38 = arith.constant 0 : i32
        %dma_start3A_39 = tpu.memref_slice %arg4[%add3A_29, %dma_start3A_37, %dma_start3A_38] : memref<1600x1x512xi32, #tpu.memory_space<hbm>> -> memref<10x1x512xi32, #tpu.memory_space<hbm>>
        tpu.enqueue_dma source(%dma_start3A_39 : memref<10x1x512xi32, #tpu.memory_space<hbm>>) target(%arg9 : memref<10x1x512xi32, #tpu.memory_space<vmem>>) target_semaphore(%run_scoped3A : memref<!tpu.dma_semaphore, #tpu.memory_space<semaphore_mem>>)
        %dma_wait3A = arith.constant 0 : i32
        %dma_wait3A_40 = arith.constant 0 : i32
        %dma_wait3A_41 = tpu.memref_slice %arg4[%add3A_29, %dma_wait3A, %dma_wait3A_40] : memref<1600x1x512xi32, #tpu.memory_space<hbm>> -> memref<10x1x512xi32, #tpu.memory_space<hbm>>
        %dma_wait3A_42 = arith.constant 0 : i32
        %dma_wait3A_43 = arith.constant 0 : i32
        %dma_wait3A_44 = tpu.memref_slice %arg4[%add3A_29, %dma_wait3A_42, %dma_wait3A_43] : memref<1600x1x512xi32, #tpu.memory_space<hbm>> -> memref<10x1x512xi32, #tpu.memory_space<hbm>>
        tpu.wait_dma2 semaphore(%run_scoped3A : memref<!tpu.dma_semaphore, #tpu.memory_space<semaphore_mem>>) src(%dma_wait3A_44 : memref<10x1x512xi32, #tpu.memory_space<hbm>>) dst(%arg9 : memref<10x1x512xi32, #tpu.memory_space<vmem>>)
        tpu.yield
      }) : () -> ()
      %scan3A_30 = arith.constant 0 : i32
      %scan3A_31 = arith.constant 2 : i32
      %scan3A_32 = arith.addi %scan3A_30, %scan3A_31 : i32
      %scan3A_33 = arith.constant 1 : i32
      scf.for %scan3A_35 = %scan3A_30 to %scan3A_32 step %scan3A_33  : i32 {
        %mul3A_36 = arith.constant 1 : i32
        %mul3A_37 = arith.muli %scan3A_35, %mul3A_36 : i32
        %add3A_38 = arith.constant 0 : i32
        %add3A_39 = arith.addi %add3A_38, %mul3A_37 : i32
        %mul3A_40 = arith.constant 5 : i32
        %mul3A_41 = arith.muli %add3A_39, %mul3A_40 : i32
        %add3A_42 = arith.constant 0 : i32
        %add3A_43 = arith.addi %mul3A_41, %add3A_42 : i32
        %dma_start3A = arith.constant 0 : i32
        %dma_start3A_44 = arith.constant 0 : i32
        %dma_start3A_45 = arith.constant 0 : i32
        %dma_start3A_46 = arith.constant 0 : i32
        %dma_start3A_47 = tpu.memref_slice %arg10[%dma_start3A, %dma_start3A_44, %dma_start3A_45, %dma_start3A_46] : memref<5x1x512x16xf32, #tpu.memory_space<vmem>> -> memref<1x1x512x16xf32, #tpu.memory_space<vmem>>
        %dma_start3A_48 = tpu.memref_squeeze %dma_start3A_47 : memref<1x1x512x16xf32, #tpu.memory_space<vmem>> -> memref<1x512x16xf32, #tpu.memory_space<vmem>>
        %dma_start3A_49 = arith.constant 0 : i32
        %dma_start3A_50 = arith.constant 0 : i32
        %dma_start3A_51 = tpu.memref_slice %arg8[%add3A_43, %dma_start3A_49, %dma_start3A_50] : memref<10x1x512xi32, #tpu.memory_space<vmem>> -> memref<1x1x512xi32, #tpu.memory_space<vmem>>
        %dma_start3A_52 = tpu.memref_squeeze %dma_start3A_51 : memref<1x1x512xi32, #tpu.memory_space<vmem>> -> memref<1x512xi32, #tpu.memory_space<vmem>>
        %dma_start3A_53 = arith.constant 0 : i32
        %dma_start3A_54 = arith.constant 0 : i32
        %dma_start3A_55 = arith.constant 0 : i32
        %dma_start3A_56 = tpu.memref_slice %arg2[%arg0, %dma_start3A_53, %dma_start3A_54, %dma_start3A_55] : memref<2x1x50176x16xf32, #tpu.memory_space<hbm>> -> memref<1x1x50176x16xf32, #tpu.memory_space<hbm>>
        %dma_start3A_57 = tpu.memref_squeeze %dma_start3A_56 : memref<1x1x50176x16xf32, #tpu.memory_space<hbm>> -> memref<1x50176x16xf32, #tpu.memory_space<hbm>>
        %dma_start3A_58 = arith.constant 0 : i32
        %dma_start3A_59 = arith.constant 0 : i32
        %dma_start3A_60 = arith.constant 0 : i32
        %dma_start3A_61 = tpu.memref_slice %dma_start3A_57[%dma_start3A_58, %dma_start3A_59, %dma_start3A_60] : memref<1x50176x16xf32, #tpu.memory_space<hbm>> -> memref<1x50176x16xf32, #tpu.memory_space<hbm>>
        tpu.enqueue_indirect_dma source(%dma_start3A_61 : memref<1x50176x16xf32, #tpu.memory_space<hbm>>) target(%dma_start3A_48 : memref<1x512x16xf32, #tpu.memory_space<vmem>>) offsets(%dma_start3A_52 : memref<1x512xi32, #tpu.memory_space<vmem>>) semaphore(%arg17 : memref<!tpu.dma_semaphore, #tpu.memory_space<semaphore_mem>>)
        %add3A_62 = arith.constant 1 : i32
        %add3A_63 = arith.addi %mul3A_41, %add3A_62 : i32
        %dma_start3A_64 = arith.constant 1 : i32
        %dma_start3A_65 = arith.constant 0 : i32
        %dma_start3A_66 = arith.constant 0 : i32
        %dma_start3A_67 = arith.constant 0 : i32
        %dma_start3A_68 = tpu.memref_slice %arg10[%dma_start3A_64, %dma_start3A_65, %dma_start3A_66, %dma_start3A_67] : memref<5x1x512x16xf32, #tpu.memory_space<vmem>> -> memref<1x1x512x16xf32, #tpu.memory_space<vmem>>
        %dma_start3A_69 = tpu.memref_squeeze %dma_start3A_68 : memref<1x1x512x16xf32, #tpu.memory_space<vmem>> -> memref<1x512x16xf32, #tpu.memory_space<vmem>>
        %dma_start3A_70 = arith.constant 0 : i32
        %dma_start3A_71 = arith.constant 0 : i32
        %dma_start3A_72 = tpu.memref_slice %arg8[%add3A_63, %dma_start3A_70, %dma_start3A_71] : memref<10x1x512xi32, #tpu.memory_space<vmem>> -> memref<1x1x512xi32, #tpu.memory_space<vmem>>
        %dma_start3A_73 = tpu.memref_squeeze %dma_start3A_72 : memref<1x1x512xi32, #tpu.memory_space<vmem>> -> memref<1x512xi32, #tpu.memory_space<vmem>>
        %dma_start3A_74 = arith.constant 0 : i32
        %dma_start3A_75 = arith.constant 0 : i32
        %dma_start3A_76 = arith.constant 0 : i32
        %dma_start3A_77 = tpu.memref_slice %arg2[%arg0, %dma_start3A_74, %dma_start3A_75, %dma_start3A_76] : memref<2x1x50176x16xf32, #tpu.memory_space<hbm>> -> memref<1x1x50176x16xf32, #tpu.memory_space<hbm>>
        %dma_start3A_78 = tpu.memref_squeeze %dma_start3A_77 : memref<1x1x50176x16xf32, #tpu.memory_space<hbm>> -> memref<1x50176x16xf32, #tpu.memory_space<hbm>>
        %dma_start3A_79 = arith.constant 0 : i32
        %dma_start3A_80 = arith.constant 0 : i32
        %dma_start3A_81 = arith.constant 0 : i32
        %dma_start3A_82 = tpu.memref_slice %dma_start3A_78[%dma_start3A_79, %dma_start3A_80, %dma_start3A_81] : memref<1x50176x16xf32, #tpu.memory_space<hbm>> -> memref<1x50176x16xf32, #tpu.memory_space<hbm>>
        tpu.enqueue_indirect_dma source(%dma_start3A_82 : memref<1x50176x16xf32, #tpu.memory_space<hbm>>) target(%dma_start3A_69 : memref<1x512x16xf32, #tpu.memory_space<vmem>>) offsets(%dma_start3A_73 : memref<1x512xi32, #tpu.memory_space<vmem>>) semaphore(%arg17 : memref<!tpu.dma_semaphore, #tpu.memory_space<semaphore_mem>>)
        %add3A_83 = arith.constant 2 : i32
        %add3A_84 = arith.addi %mul3A_41, %add3A_83 : i32
        %dma_start3A_85 = arith.constant 2 : i32
        %dma_start3A_86 = arith.constant 0 : i32
        %dma_start3A_87 = arith.constant 0 : i32
        %dma_start3A_88 = arith.constant 0 : i32
        %dma_start3A_89 = tpu.memref_slice %arg10[%dma_start3A_85, %dma_start3A_86, %dma_start3A_87, %dma_start3A_88] : memref<5x1x512x16xf32, #tpu.memory_space<vmem>> -> memref<1x1x512x16xf32, #tpu.memory_space<vmem>>
        %dma_start3A_90 = tpu.memref_squeeze %dma_start3A_89 : memref<1x1x512x16xf32, #tpu.memory_space<vmem>> -> memref<1x512x16xf32, #tpu.memory_space<vmem>>
        %dma_start3A_91 = arith.constant 0 : i32
        %dma_start3A_92 = arith.constant 0 : i32
        %dma_start3A_93 = tpu.memref_slice %arg8[%add3A_84, %dma_start3A_91, %dma_start3A_92] : memref<10x1x512xi32, #tpu.memory_space<vmem>> -> memref<1x1x512xi32, #tpu.memory_space<vmem>>
        %dma_start3A_94 = tpu.memref_squeeze %dma_start3A_93 : memref<1x1x512xi32, #tpu.memory_space<vmem>> -> memref<1x512xi32, #tpu.memory_space<vmem>>
        %dma_start3A_95 = arith.constant 0 : i32
        %dma_start3A_96 = arith.constant 0 : i32
        %dma_start3A_97 = arith.constant 0 : i32
        %dma_start3A_98 = tpu.memref_slice %arg2[%arg0, %dma_start3A_95, %dma_start3A_96, %dma_start3A_97] : memref<2x1x50176x16xf32, #tpu.memory_space<hbm>> -> memref<1x1x50176x16xf32, #tpu.memory_space<hbm>>
        %dma_start3A_99 = tpu.memref_squeeze %dma_start3A_98 : memref<1x1x50176x16xf32, #tpu.memory_space<hbm>> -> memref<1x50176x16xf32, #tpu.memory_space<hbm>>
        %dma_start3A_100 = arith.constant 0 : i32
        %dma_start3A_101 = arith.constant 0 : i32
        %dma_start3A_102 = arith.constant 0 : i32
        %dma_start3A_103 = tpu.memref_slice %dma_start3A_99[%dma_start3A_100, %dma_start3A_101, %dma_start3A_102] : memref<1x50176x16xf32, #tpu.memory_space<hbm>> -> memref<1x50176x16xf32, #tpu.memory_space<hbm>>
        tpu.enqueue_indirect_dma source(%dma_start3A_103 : memref<1x50176x16xf32, #tpu.memory_space<hbm>>) target(%dma_start3A_90 : memref<1x512x16xf32, #tpu.memory_space<vmem>>) offsets(%dma_start3A_94 : memref<1x512xi32, #tpu.memory_space<vmem>>) semaphore(%arg17 : memref<!tpu.dma_semaphore, #tpu.memory_space<semaphore_mem>>)
        %add3A_104 = arith.constant 3 : i32
        %add3A_105 = arith.addi %mul3A_41, %add3A_104 : i32
        %dma_start3A_106 = arith.constant 3 : i32
        %dma_start3A_107 = arith.constant 0 : i32
        %dma_start3A_108 = arith.constant 0 : i32
        %dma_start3A_109 = arith.constant 0 : i32
        %dma_start3A_110 = tpu.memref_slice %arg10[%dma_start3A_106, %dma_start3A_107, %dma_start3A_108, %dma_start3A_109] : memref<5x1x512x16xf32, #tpu.memory_space<vmem>> -> memref<1x1x512x16xf32, #tpu.memory_space<vmem>>
        %dma_start3A_111 = tpu.memref_squeeze %dma_start3A_110 : memref<1x1x512x16xf32, #tpu.memory_space<vmem>> -> memref<1x512x16xf32, #tpu.memory_space<vmem>>
        %dma_start3A_112 = arith.constant 0 : i32
        %dma_start3A_113 = arith.constant 0 : i32
        %dma_start3A_114 = tpu.memref_slice %arg8[%add3A_105, %dma_start3A_112, %dma_start3A_113] : memref<10x1x512xi32, #tpu.memory_space<vmem>> -> memref<1x1x512xi32, #tpu.memory_space<vmem>>
        %dma_start3A_115 = tpu.memref_squeeze %dma_start3A_114 : memref<1x1x512xi32, #tpu.memory_space<vmem>> -> memref<1x512xi32, #tpu.memory_space<vmem>>
        %dma_start3A_116 = arith.constant 0 : i32
        %dma_start3A_117 = arith.constant 0 : i32
        %dma_start3A_118 = arith.constant 0 : i32
        %dma_start3A_119 = tpu.memref_slice %arg2[%arg0, %dma_start3A_116, %dma_start3A_117, %dma_start3A_118] : memref<2x1x50176x16xf32, #tpu.memory_space<hbm>> -> memref<1x1x50176x16xf32, #tpu.memory_space<hbm>>
        %dma_start3A_120 = tpu.memref_squeeze %dma_start3A_119 : memref<1x1x50176x16xf32, #tpu.memory_space<hbm>> -> memref<1x50176x16xf32, #tpu.memory_space<hbm>>
        %dma_start3A_121 = arith.constant 0 : i32
        %dma_start3A_122 = arith.constant 0 : i32
        %dma_start3A_123 = arith.constant 0 : i32
        %dma_start3A_124 = tpu.memref_slice %dma_start3A_120[%dma_start3A_121, %dma_start3A_122, %dma_start3A_123] : memref<1x50176x16xf32, #tpu.memory_space<hbm>> -> memref<1x50176x16xf32, #tpu.memory_space<hbm>>
        tpu.enqueue_indirect_dma source(%dma_start3A_124 : memref<1x50176x16xf32, #tpu.memory_space<hbm>>) target(%dma_start3A_111 : memref<1x512x16xf32, #tpu.memory_space<vmem>>) offsets(%dma_start3A_115 : memref<1x512xi32, #tpu.memory_space<vmem>>) semaphore(%arg17 : memref<!tpu.dma_semaphore, #tpu.memory_space<semaphore_mem>>)
        %add3A_125 = arith.constant 4 : i32
        %add3A_126 = arith.addi %mul3A_41, %add3A_125 : i32
        %dma_start3A_127 = arith.constant 4 : i32
        %dma_start3A_128 = arith.constant 0 : i32
        %dma_start3A_129 = arith.constant 0 : i32
        %dma_start3A_130 = arith.constant 0 : i32
        %dma_start3A_131 = tpu.memref_slice %arg10[%dma_start3A_127, %dma_start3A_128, %dma_start3A_129, %dma_start3A_130] : memref<5x1x512x16xf32, #tpu.memory_space<vmem>> -> memref<1x1x512x16xf32, #tpu.memory_space<vmem>>
        %dma_start3A_132 = tpu.memref_squeeze %dma_start3A_131 : memref<1x1x512x16xf32, #tpu.memory_space<vmem>> -> memref<1x512x16xf32, #tpu.memory_space<vmem>>
        %dma_start3A_133 = arith.constant 0 : i32
        %dma_start3A_134 = arith.constant 0 : i32
        %dma_start3A_135 = tpu.memref_slice %arg8[%add3A_126, %dma_start3A_133, %dma_start3A_134] : memref<10x1x512xi32, #tpu.memory_space<vmem>> -> memref<1x1x512xi32, #tpu.memory_space<vmem>>
        %dma_start3A_136 = tpu.memref_squeeze %dma_start3A_135 : memref<1x1x512xi32, #tpu.memory_space<vmem>> -> memref<1x512xi32, #tpu.memory_space<vmem>>
        %dma_start3A_137 = arith.constant 0 : i32
        %dma_start3A_138 = arith.constant 0 : i32
        %dma_start3A_139 = arith.constant 0 : i32
        %dma_start3A_140 = tpu.memref_slice %arg2[%arg0, %dma_start3A_137, %dma_start3A_138, %dma_start3A_139] : memref<2x1x50176x16xf32, #tpu.memory_space<hbm>> -> memref<1x1x50176x16xf32, #tpu.memory_space<hbm>>
        %dma_start3A_141 = tpu.memref_squeeze %dma_start3A_140 : memref<1x1x50176x16xf32, #tpu.memory_space<hbm>> -> memref<1x50176x16xf32, #tpu.memory_space<hbm>>
        %dma_start3A_142 = arith.constant 0 : i32
        %dma_start3A_143 = arith.constant 0 : i32
        %dma_start3A_144 = arith.constant 0 : i32
        %dma_start3A_145 = tpu.memref_slice %dma_start3A_141[%dma_start3A_142, %dma_start3A_143, %dma_start3A_144] : memref<1x50176x16xf32, #tpu.memory_space<hbm>> -> memref<1x50176x16xf32, #tpu.memory_space<hbm>>
        tpu.enqueue_indirect_dma source(%dma_start3A_145 : memref<1x50176x16xf32, #tpu.memory_space<hbm>>) target(%dma_start3A_132 : memref<1x512x16xf32, #tpu.memory_space<vmem>>) offsets(%dma_start3A_136 : memref<1x512xi32, #tpu.memory_space<vmem>>) semaphore(%arg17 : memref<!tpu.dma_semaphore, #tpu.memory_space<semaphore_mem>>)
        %dma_wait3A = arith.constant 0 : i32
        %dma_wait3A_146 = arith.constant 0 : i32
        %dma_wait3A_147 = arith.constant 0 : i32
        %dma_wait3A_148 = arith.constant 0 : i32
        %dma_wait3A_149 = tpu.memref_slice %arg10[%dma_wait3A, %dma_wait3A_146, %dma_wait3A_147, %dma_wait3A_148] : memref<5x1x512x16xf32, #tpu.memory_space<vmem>> -> memref<1x1x512x16xf32, #tpu.memory_space<vmem>>
        %dma_wait3A_150 = tpu.memref_squeeze %dma_wait3A_149 : memref<1x1x512x16xf32, #tpu.memory_space<vmem>> -> memref<1x512x16xf32, #tpu.memory_space<vmem>>
        %dma_wait3A_151 = arith.constant 0 : i32
        %dma_wait3A_152 = arith.constant 0 : i32
        %dma_wait3A_153 = tpu.memref_slice %arg8[%add3A_43, %dma_wait3A_151, %dma_wait3A_152] : memref<10x1x512xi32, #tpu.memory_space<vmem>> -> memref<1x1x512xi32, #tpu.memory_space<vmem>>
        %dma_wait3A_154 = tpu.memref_squeeze %dma_wait3A_153 : memref<1x1x512xi32, #tpu.memory_space<vmem>> -> memref<1x512xi32, #tpu.memory_space<vmem>>
        %dma_wait3A_155 = arith.constant 0 : i32
        %dma_wait3A_156 = arith.constant 0 : i32
        %dma_wait3A_157 = arith.constant 0 : i32
        %dma_wait3A_158 = tpu.memref_slice %arg2[%arg0, %dma_wait3A_155, %dma_wait3A_156, %dma_wait3A_157] : memref<2x1x50176x16xf32, #tpu.memory_space<hbm>> -> memref<1x1x50176x16xf32, #tpu.memory_space<hbm>>
        %dma_wait3A_159 = tpu.memref_squeeze %dma_wait3A_158 : memref<1x1x50176x16xf32, #tpu.memory_space<hbm>> -> memref<1x50176x16xf32, #tpu.memory_space<hbm>>
        %dma_wait3A_160 = arith.constant 0 : i32
        %dma_wait3A_161 = arith.constant 0 : i32
        %dma_wait3A_162 = arith.constant 0 : i32
        %dma_wait3A_163 = tpu.memref_slice %dma_wait3A_159[%dma_wait3A_160, %dma_wait3A_161, %dma_wait3A_162] : memref<1x50176x16xf32, #tpu.memory_space<hbm>> -> memref<1x50176x16xf32, #tpu.memory_space<hbm>>
        tpu.wait_indirect_dma semaphore(%arg17 : memref<!tpu.dma_semaphore, #tpu.memory_space<semaphore_mem>>) src(%dma_wait3A_163 : memref<1x50176x16xf32, #tpu.memory_space<hbm>>) dst(%dma_wait3A_150 : memref<1x512x16xf32, #tpu.memory_space<vmem>>)
        %add3A_164 = arith.constant 0 : i32
        %add3A_165 = arith.addi %mul3A_41, %add3A_164 : i32
        %dma_start3A_166 = arith.constant 0 : i32
        %dma_start3A_167 = arith.constant 0 : i32
        %dma_start3A_168 = arith.constant 0 : i32
        %dma_start3A_169 = arith.constant 0 : i32
        %dma_start3A_170 = tpu.memref_slice %arg10[%dma_start3A_166, %dma_start3A_167, %dma_start3A_168, %dma_start3A_169] : memref<5x1x512x16xf32, #tpu.memory_space<vmem>> -> memref<1x1x512x16xf32, #tpu.memory_space<vmem>>
        %dma_start3A_171 = tpu.memref_squeeze %dma_start3A_170 : memref<1x1x512x16xf32, #tpu.memory_space<vmem>> -> memref<1x512x16xf32, #tpu.memory_space<vmem>>
        %dma_start3A_172 = arith.constant 0 : i32
        %dma_start3A_173 = arith.constant 0 : i32
        %dma_start3A_174 = tpu.memref_slice %arg9[%add3A_165, %dma_start3A_172, %dma_start3A_173] : memref<10x1x512xi32, #tpu.memory_space<vmem>> -> memref<1x1x512xi32, #tpu.memory_space<vmem>>
        %dma_start3A_175 = tpu.memref_squeeze %dma_start3A_174 : memref<1x1x512xi32, #tpu.memory_space<vmem>> -> memref<1x512xi32, #tpu.memory_space<vmem>>
        %dma_start3A_176 = arith.constant 0 : i32
        %dma_start3A_177 = arith.constant 0 : i32
        %dma_start3A_178 = arith.constant 0 : i32
        %dma_start3A_179 = tpu.memref_slice %arg15[%dma_start3A_176, %dma_start3A_177, %dma_start3A_178] : memref<1x50176x16xf32, #tpu.memory_space<vmem_shared>> -> memref<1x50176x16xf32, #tpu.memory_space<vmem_shared>>
        tpu.enqueue_indirect_dma source(%dma_start3A_171 : memref<1x512x16xf32, #tpu.memory_space<vmem>>) target(%dma_start3A_179 : memref<1x50176x16xf32, #tpu.memory_space<vmem_shared>>) offsets(%dma_start3A_175 : memref<1x512xi32, #tpu.memory_space<vmem>>) semaphore(%arg18 : memref<!tpu.dma_semaphore, #tpu.memory_space<semaphore_mem>>) {add = true}
        %dma_wait3A_180 = arith.constant 1 : i32
        %dma_wait3A_181 = arith.constant 0 : i32
        %dma_wait3A_182 = arith.constant 0 : i32
        %dma_wait3A_183 = arith.constant 0 : i32
        %dma_wait3A_184 = tpu.memref_slice %arg10[%dma_wait3A_180, %dma_wait3A_181, %dma_wait3A_182, %dma_wait3A_183] : memref<5x1x512x16xf32, #tpu.memory_space<vmem>> -> memref<1x1x512x16xf32, #tpu.memory_space<vmem>>
        %dma_wait3A_185 = tpu.memref_squeeze %dma_wait3A_184 : memref<1x1x512x16xf32, #tpu.memory_space<vmem>> -> memref<1x512x16xf32, #tpu.memory_space<vmem>>
        %dma_wait3A_186 = arith.constant 0 : i32
        %dma_wait3A_187 = arith.constant 0 : i32
        %dma_wait3A_188 = tpu.memref_slice %arg8[%add3A_63, %dma_wait3A_186, %dma_wait3A_187] : memref<10x1x512xi32, #tpu.memory_space<vmem>> -> memref<1x1x512xi32, #tpu.memory_space<vmem>>
        %dma_wait3A_189 = tpu.memref_squeeze %dma_wait3A_188 : memref<1x1x512xi32, #tpu.memory_space<vmem>> -> memref<1x512xi32, #tpu.memory_space<vmem>>
        %dma_wait3A_190 = arith.constant 0 : i32
        %dma_wait3A_191 = arith.constant 0 : i32
        %dma_wait3A_192 = arith.constant 0 : i32
        %dma_wait3A_193 = tpu.memref_slice %arg2[%arg0, %dma_wait3A_190, %dma_wait3A_191, %dma_wait3A_192] : memref<2x1x50176x16xf32, #tpu.memory_space<hbm>> -> memref<1x1x50176x16xf32, #tpu.memory_space<hbm>>
        %dma_wait3A_194 = tpu.memref_squeeze %dma_wait3A_193 : memref<1x1x50176x16xf32, #tpu.memory_space<hbm>> -> memref<1x50176x16xf32, #tpu.memory_space<hbm>>
        %dma_wait3A_195 = arith.constant 0 : i32
        %dma_wait3A_196 = arith.constant 0 : i32
        %dma_wait3A_197 = arith.constant 0 : i32
        %dma_wait3A_198 = tpu.memref_slice %dma_wait3A_194[%dma_wait3A_195, %dma_wait3A_196, %dma_wait3A_197] : memref<1x50176x16xf32, #tpu.memory_space<hbm>> -> memref<1x50176x16xf32, #tpu.memory_space<hbm>>
        tpu.wait_indirect_dma semaphore(%arg17 : memref<!tpu.dma_semaphore, #tpu.memory_space<semaphore_mem>>) src(%dma_wait3A_198 : memref<1x50176x16xf32, #tpu.memory_space<hbm>>) dst(%dma_wait3A_185 : memref<1x512x16xf32, #tpu.memory_space<vmem>>)
        %add3A_199 = arith.constant 1 : i32
        %add3A_200 = arith.addi %mul3A_41, %add3A_199 : i32
        %dma_start3A_201 = arith.constant 1 : i32
        %dma_start3A_202 = arith.constant 0 : i32
        %dma_start3A_203 = arith.constant 0 : i32
        %dma_start3A_204 = arith.constant 0 : i32
        %dma_start3A_205 = tpu.memref_slice %arg10[%dma_start3A_201, %dma_start3A_202, %dma_start3A_203, %dma_start3A_204] : memref<5x1x512x16xf32, #tpu.memory_space<vmem>> -> memref<1x1x512x16xf32, #tpu.memory_space<vmem>>
        %dma_start3A_206 = tpu.memref_squeeze %dma_start3A_205 : memref<1x1x512x16xf32, #tpu.memory_space<vmem>> -> memref<1x512x16xf32, #tpu.memory_space<vmem>>
        %dma_start3A_207 = arith.constant 0 : i32
        %dma_start3A_208 = arith.constant 0 : i32
        %dma_start3A_209 = tpu.memref_slice %arg9[%add3A_200, %dma_start3A_207, %dma_start3A_208] : memref<10x1x512xi32, #tpu.memory_space<vmem>> -> memref<1x1x512xi32, #tpu.memory_space<vmem>>
        %dma_start3A_210 = tpu.memref_squeeze %dma_start3A_209 : memref<1x1x512xi32, #tpu.memory_space<vmem>> -> memref<1x512xi32, #tpu.memory_space<vmem>>
        %dma_start3A_211 = arith.constant 0 : i32
        %dma_start3A_212 = arith.constant 0 : i32
        %dma_start3A_213 = arith.constant 0 : i32
        %dma_start3A_214 = tpu.memref_slice %arg15[%dma_start3A_211, %dma_start3A_212, %dma_start3A_213] : memref<1x50176x16xf32, #tpu.memory_space<vmem_shared>> -> memref<1x50176x16xf32, #tpu.memory_space<vmem_shared>>
        tpu.enqueue_indirect_dma source(%dma_start3A_206 : memref<1x512x16xf32, #tpu.memory_space<vmem>>) target(%dma_start3A_214 : memref<1x50176x16xf32, #tpu.memory_space<vmem_shared>>) offsets(%dma_start3A_210 : memref<1x512xi32, #tpu.memory_space<vmem>>) semaphore(%arg18 : memref<!tpu.dma_semaphore, #tpu.memory_space<semaphore_mem>>) {add = true}
        %dma_wait3A_215 = arith.constant 2 : i32
        %dma_wait3A_216 = arith.constant 0 : i32
        %dma_wait3A_217 = arith.constant 0 : i32
        %dma_wait3A_218 = arith.constant 0 : i32
        %dma_wait3A_219 = tpu.memref_slice %arg10[%dma_wait3A_215, %dma_wait3A_216, %dma_wait3A_217, %dma_wait3A_218] : memref<5x1x512x16xf32, #tpu.memory_space<vmem>> -> memref<1x1x512x16xf32, #tpu.memory_space<vmem>>
        %dma_wait3A_220 = tpu.memref_squeeze %dma_wait3A_219 : memref<1x1x512x16xf32, #tpu.memory_space<vmem>> -> memref<1x512x16xf32, #tpu.memory_space<vmem>>
        %dma_wait3A_221 = arith.constant 0 : i32
        %dma_wait3A_222 = arith.constant 0 : i32
        %dma_wait3A_223 = tpu.memref_slice %arg8[%add3A_84, %dma_wait3A_221, %dma_wait3A_222] : memref<10x1x512xi32, #tpu.memory_space<vmem>> -> memref<1x1x512xi32, #tpu.memory_space<vmem>>
        %dma_wait3A_224 = tpu.memref_squeeze %dma_wait3A_223 : memref<1x1x512xi32, #tpu.memory_space<vmem>> -> memref<1x512xi32, #tpu.memory_space<vmem>>
        %dma_wait3A_225 = arith.constant 0 : i32
        %dma_wait3A_226 = arith.constant 0 : i32
        %dma_wait3A_227 = arith.constant 0 : i32
        %dma_wait3A_228 = tpu.memref_slice %arg2[%arg0, %dma_wait3A_225, %dma_wait3A_226, %dma_wait3A_227] : memref<2x1x50176x16xf32, #tpu.memory_space<hbm>> -> memref<1x1x50176x16xf32, #tpu.memory_space<hbm>>
        %dma_wait3A_229 = tpu.memref_squeeze %dma_wait3A_228 : memref<1x1x50176x16xf32, #tpu.memory_space<hbm>> -> memref<1x50176x16xf32, #tpu.memory_space<hbm>>
        %dma_wait3A_230 = arith.constant 0 : i32
        %dma_wait3A_231 = arith.constant 0 : i32
        %dma_wait3A_232 = arith.constant 0 : i32
        %dma_wait3A_233 = tpu.memref_slice %dma_wait3A_229[%dma_wait3A_230, %dma_wait3A_231, %dma_wait3A_232] : memref<1x50176x16xf32, #tpu.memory_space<hbm>> -> memref<1x50176x16xf32, #tpu.memory_space<hbm>>
        tpu.wait_indirect_dma semaphore(%arg17 : memref<!tpu.dma_semaphore, #tpu.memory_space<semaphore_mem>>) src(%dma_wait3A_233 : memref<1x50176x16xf32, #tpu.memory_space<hbm>>) dst(%dma_wait3A_220 : memref<1x512x16xf32, #tpu.memory_space<vmem>>)
        %add3A_234 = arith.constant 2 : i32
        %add3A_235 = arith.addi %mul3A_41, %add3A_234 : i32
        %dma_start3A_236 = arith.constant 2 : i32
        %dma_start3A_237 = arith.constant 0 : i32
        %dma_start3A_238 = arith.constant 0 : i32
        %dma_start3A_239 = arith.constant 0 : i32
        %dma_start3A_240 = tpu.memref_slice %arg10[%dma_start3A_236, %dma_start3A_237, %dma_start3A_238, %dma_start3A_239] : memref<5x1x512x16xf32, #tpu.memory_space<vmem>> -> memref<1x1x512x16xf32, #tpu.memory_space<vmem>>
        %dma_start3A_241 = tpu.memref_squeeze %dma_start3A_240 : memref<1x1x512x16xf32, #tpu.memory_space<vmem>> -> memref<1x512x16xf32, #tpu.memory_space<vmem>>
        %dma_start3A_242 = arith.constant 0 : i32
        %dma_start3A_243 = arith.constant 0 : i32
        %dma_start3A_244 = tpu.memref_slice %arg9[%add3A_235, %dma_start3A_242, %dma_start3A_243] : memref<10x1x512xi32, #tpu.memory_space<vmem>> -> memref<1x1x512xi32, #tpu.memory_space<vmem>>
        %dma_start3A_245 = tpu.memref_squeeze %dma_start3A_244 : memref<1x1x512xi32, #tpu.memory_space<vmem>> -> memref<1x512xi32, #tpu.memory_space<vmem>>
        %dma_start3A_246 = arith.constant 0 : i32
        %dma_start3A_247 = arith.constant 0 : i32
        %dma_start3A_248 = arith.constant 0 : i32
        %dma_start3A_249 = tpu.memref_slice %arg15[%dma_start3A_246, %dma_start3A_247, %dma_start3A_248] : memref<1x50176x16xf32, #tpu.memory_space<vmem_shared>> -> memref<1x50176x16xf32, #tpu.memory_space<vmem_shared>>
        tpu.enqueue_indirect_dma source(%dma_start3A_241 : memref<1x512x16xf32, #tpu.memory_space<vmem>>) target(%dma_start3A_249 : memref<1x50176x16xf32, #tpu.memory_space<vmem_shared>>) offsets(%dma_start3A_245 : memref<1x512xi32, #tpu.memory_space<vmem>>) semaphore(%arg18 : memref<!tpu.dma_semaphore, #tpu.memory_space<semaphore_mem>>) {add = true}
        %dma_wait3A_250 = arith.constant 3 : i32
        %dma_wait3A_251 = arith.constant 0 : i32
        %dma_wait3A_252 = arith.constant 0 : i32
        %dma_wait3A_253 = arith.constant 0 : i32
        %dma_wait3A_254 = tpu.memref_slice %arg10[%dma_wait3A_250, %dma_wait3A_251, %dma_wait3A_252, %dma_wait3A_253] : memref<5x1x512x16xf32, #tpu.memory_space<vmem>> -> memref<1x1x512x16xf32, #tpu.memory_space<vmem>>
        %dma_wait3A_255 = tpu.memref_squeeze %dma_wait3A_254 : memref<1x1x512x16xf32, #tpu.memory_space<vmem>> -> memref<1x512x16xf32, #tpu.memory_space<vmem>>
        %dma_wait3A_256 = arith.constant 0 : i32
        %dma_wait3A_257 = arith.constant 0 : i32
        %dma_wait3A_258 = tpu.memref_slice %arg8[%add3A_105, %dma_wait3A_256, %dma_wait3A_257] : memref<10x1x512xi32, #tpu.memory_space<vmem>> -> memref<1x1x512xi32, #tpu.memory_space<vmem>>
        %dma_wait3A_259 = tpu.memref_squeeze %dma_wait3A_258 : memref<1x1x512xi32, #tpu.memory_space<vmem>> -> memref<1x512xi32, #tpu.memory_space<vmem>>
        %dma_wait3A_260 = arith.constant 0 : i32
        %dma_wait3A_261 = arith.constant 0 : i32
        %dma_wait3A_262 = arith.constant 0 : i32
        %dma_wait3A_263 = tpu.memref_slice %arg2[%arg0, %dma_wait3A_260, %dma_wait3A_261, %dma_wait3A_262] : memref<2x1x50176x16xf32, #tpu.memory_space<hbm>> -> memref<1x1x50176x16xf32, #tpu.memory_space<hbm>>
        %dma_wait3A_264 = tpu.memref_squeeze %dma_wait3A_263 : memref<1x1x50176x16xf32, #tpu.memory_space<hbm>> -> memref<1x50176x16xf32, #tpu.memory_space<hbm>>
        %dma_wait3A_265 = arith.constant 0 : i32
        %dma_wait3A_266 = arith.constant 0 : i32
        %dma_wait3A_267 = arith.constant 0 : i32
        %dma_wait3A_268 = tpu.memref_slice %dma_wait3A_264[%dma_wait3A_265, %dma_wait3A_266, %dma_wait3A_267] : memref<1x50176x16xf32, #tpu.memory_space<hbm>> -> memref<1x50176x16xf32, #tpu.memory_space<hbm>>
        tpu.wait_indirect_dma semaphore(%arg17 : memref<!tpu.dma_semaphore, #tpu.memory_space<semaphore_mem>>) src(%dma_wait3A_268 : memref<1x50176x16xf32, #tpu.memory_space<hbm>>) dst(%dma_wait3A_255 : memref<1x512x16xf32, #tpu.memory_space<vmem>>)
        %add3A_269 = arith.constant 3 : i32
        %add3A_270 = arith.addi %mul3A_41, %add3A_269 : i32
        %dma_start3A_271 = arith.constant 3 : i32
        %dma_start3A_272 = arith.constant 0 : i32
        %dma_start3A_273 = arith.constant 0 : i32
        %dma_start3A_274 = arith.constant 0 : i32
        %dma_start3A_275 = tpu.memref_slice %arg10[%dma_start3A_271, %dma_start3A_272, %dma_start3A_273, %dma_start3A_274] : memref<5x1x512x16xf32, #tpu.memory_space<vmem>> -> memref<1x1x512x16xf32, #tpu.memory_space<vmem>>
        %dma_start3A_276 = tpu.memref_squeeze %dma_start3A_275 : memref<1x1x512x16xf32, #tpu.memory_space<vmem>> -> memref<1x512x16xf32, #tpu.memory_space<vmem>>
        %dma_start3A_277 = arith.constant 0 : i32
        %dma_start3A_278 = arith.constant 0 : i32
        %dma_start3A_279 = tpu.memref_slice %arg9[%add3A_270, %dma_start3A_277, %dma_start3A_278] : memref<10x1x512xi32, #tpu.memory_space<vmem>> -> memref<1x1x512xi32, #tpu.memory_space<vmem>>
        %dma_start3A_280 = tpu.memref_squeeze %dma_start3A_279 : memref<1x1x512xi32, #tpu.memory_space<vmem>> -> memref<1x512xi32, #tpu.memory_space<vmem>>
        %dma_start3A_281 = arith.constant 0 : i32
        %dma_start3A_282 = arith.constant 0 : i32
        %dma_start3A_283 = arith.constant 0 : i32
        %dma_start3A_284 = tpu.memref_slice %arg15[%dma_start3A_281, %dma_start3A_282, %dma_start3A_283] : memref<1x50176x16xf32, #tpu.memory_space<vmem_shared>> -> memref<1x50176x16xf32, #tpu.memory_space<vmem_shared>>
        tpu.enqueue_indirect_dma source(%dma_start3A_276 : memref<1x512x16xf32, #tpu.memory_space<vmem>>) target(%dma_start3A_284 : memref<1x50176x16xf32, #tpu.memory_space<vmem_shared>>) offsets(%dma_start3A_280 : memref<1x512xi32, #tpu.memory_space<vmem>>) semaphore(%arg18 : memref<!tpu.dma_semaphore, #tpu.memory_space<semaphore_mem>>) {add = true}
        %dma_wait3A_285 = arith.constant 4 : i32
        %dma_wait3A_286 = arith.constant 0 : i32
        %dma_wait3A_287 = arith.constant 0 : i32
        %dma_wait3A_288 = arith.constant 0 : i32
        %dma_wait3A_289 = tpu.memref_slice %arg10[%dma_wait3A_285, %dma_wait3A_286, %dma_wait3A_287, %dma_wait3A_288] : memref<5x1x512x16xf32, #tpu.memory_space<vmem>> -> memref<1x1x512x16xf32, #tpu.memory_space<vmem>>
        %dma_wait3A_290 = tpu.memref_squeeze %dma_wait3A_289 : memref<1x1x512x16xf32, #tpu.memory_space<vmem>> -> memref<1x512x16xf32, #tpu.memory_space<vmem>>
        %dma_wait3A_291 = arith.constant 0 : i32
        %dma_wait3A_292 = arith.constant 0 : i32
        %dma_wait3A_293 = tpu.memref_slice %arg8[%add3A_126, %dma_wait3A_291, %dma_wait3A_292] : memref<10x1x512xi32, #tpu.memory_space<vmem>> -> memref<1x1x512xi32, #tpu.memory_space<vmem>>
        %dma_wait3A_294 = tpu.memref_squeeze %dma_wait3A_293 : memref<1x1x512xi32, #tpu.memory_space<vmem>> -> memref<1x512xi32, #tpu.memory_space<vmem>>
        %dma_wait3A_295 = arith.constant 0 : i32
        %dma_wait3A_296 = arith.constant 0 : i32
        %dma_wait3A_297 = arith.constant 0 : i32
        %dma_wait3A_298 = tpu.memref_slice %arg2[%arg0, %dma_wait3A_295, %dma_wait3A_296, %dma_wait3A_297] : memref<2x1x50176x16xf32, #tpu.memory_space<hbm>> -> memref<1x1x50176x16xf32, #tpu.memory_space<hbm>>
        %dma_wait3A_299 = tpu.memref_squeeze %dma_wait3A_298 : memref<1x1x50176x16xf32, #tpu.memory_space<hbm>> -> memref<1x50176x16xf32, #tpu.memory_space<hbm>>
        %dma_wait3A_300 = arith.constant 0 : i32
        %dma_wait3A_301 = arith.constant 0 : i32
        %dma_wait3A_302 = arith.constant 0 : i32
        %dma_wait3A_303 = tpu.memref_slice %dma_wait3A_299[%dma_wait3A_300, %dma_wait3A_301, %dma_wait3A_302] : memref<1x50176x16xf32, #tpu.memory_space<hbm>> -> memref<1x50176x16xf32, #tpu.memory_space<hbm>>
        tpu.wait_indirect_dma semaphore(%arg17 : memref<!tpu.dma_semaphore, #tpu.memory_space<semaphore_mem>>) src(%dma_wait3A_303 : memref<1x50176x16xf32, #tpu.memory_space<hbm>>) dst(%dma_wait3A_290 : memref<1x512x16xf32, #tpu.memory_space<vmem>>)
        %add3A_304 = arith.constant 4 : i32
        %add3A_305 = arith.addi %mul3A_41, %add3A_304 : i32
        %dma_start3A_306 = arith.constant 4 : i32
        %dma_start3A_307 = arith.constant 0 : i32
        %dma_start3A_308 = arith.constant 0 : i32
        %dma_start3A_309 = arith.constant 0 : i32
        %dma_start3A_310 = tpu.memref_slice %arg10[%dma_start3A_306, %dma_start3A_307, %dma_start3A_308, %dma_start3A_309] : memref<5x1x512x16xf32, #tpu.memory_space<vmem>> -> memref<1x1x512x16xf32, #tpu.memory_space<vmem>>
        %dma_start3A_311 = tpu.memref_squeeze %dma_start3A_310 : memref<1x1x512x16xf32, #tpu.memory_space<vmem>> -> memref<1x512x16xf32, #tpu.memory_space<vmem>>
        %dma_start3A_312 = arith.constant 0 : i32
        %dma_start3A_313 = arith.constant 0 : i32
        %dma_start3A_314 = tpu.memref_slice %arg9[%add3A_305, %dma_start3A_312, %dma_start3A_313] : memref<10x1x512xi32, #tpu.memory_space<vmem>> -> memref<1x1x512xi32, #tpu.memory_space<vmem>>
        %dma_start3A_315 = tpu.memref_squeeze %dma_start3A_314 : memref<1x1x512xi32, #tpu.memory_space<vmem>> -> memref<1x512xi32, #tpu.memory_space<vmem>>
        %dma_start3A_316 = arith.constant 0 : i32
        %dma_start3A_317 = arith.constant 0 : i32
        %dma_start3A_318 = arith.constant 0 : i32
        %dma_start3A_319 = tpu.memref_slice %arg15[%dma_start3A_316, %dma_start3A_317, %dma_start3A_318] : memref<1x50176x16xf32, #tpu.memory_space<vmem_shared>> -> memref<1x50176x16xf32, #tpu.memory_space<vmem_shared>>
        tpu.enqueue_indirect_dma source(%dma_start3A_311 : memref<1x512x16xf32, #tpu.memory_space<vmem>>) target(%dma_start3A_319 : memref<1x50176x16xf32, #tpu.memory_space<vmem_shared>>) offsets(%dma_start3A_315 : memref<1x512xi32, #tpu.memory_space<vmem>>) semaphore(%arg18 : memref<!tpu.dma_semaphore, #tpu.memory_space<semaphore_mem>>) {add = true}
        %dma_wait3A_320 = arith.constant 0 : i32
        %dma_wait3A_321 = arith.constant 0 : i32
        %dma_wait3A_322 = arith.constant 0 : i32
        %dma_wait3A_323 = arith.constant 0 : i32
        %dma_wait3A_324 = tpu.memref_slice %arg10[%dma_wait3A_320, %dma_wait3A_321, %dma_wait3A_322, %dma_wait3A_323] : memref<5x1x512x16xf32, #tpu.memory_space<vmem>> -> memref<1x1x512x16xf32, #tpu.memory_space<vmem>>
        %dma_wait3A_325 = tpu.memref_squeeze %dma_wait3A_324 : memref<1x1x512x16xf32, #tpu.memory_space<vmem>> -> memref<1x512x16xf32, #tpu.memory_space<vmem>>
        %dma_wait3A_326 = arith.constant 0 : i32
        %dma_wait3A_327 = arith.constant 0 : i32
        %dma_wait3A_328 = tpu.memref_slice %arg9[%add3A_165, %dma_wait3A_326, %dma_wait3A_327] : memref<10x1x512xi32, #tpu.memory_space<vmem>> -> memref<1x1x512xi32, #tpu.memory_space<vmem>>
        %dma_wait3A_329 = tpu.memref_squeeze %dma_wait3A_328 : memref<1x1x512xi32, #tpu.memory_space<vmem>> -> memref<1x512xi32, #tpu.memory_space<vmem>>
        %dma_wait3A_330 = arith.constant 0 : i32
        %dma_wait3A_331 = arith.constant 0 : i32
        %dma_wait3A_332 = arith.constant 0 : i32
        %dma_wait3A_333 = tpu.memref_slice %arg15[%dma_wait3A_330, %dma_wait3A_331, %dma_wait3A_332] : memref<1x50176x16xf32, #tpu.memory_space<vmem_shared>> -> memref<1x50176x16xf32, #tpu.memory_space<vmem_shared>>
        tpu.wait_indirect_dma semaphore(%arg18 : memref<!tpu.dma_semaphore, #tpu.memory_space<semaphore_mem>>) src(%dma_wait3A_325 : memref<1x512x16xf32, #tpu.memory_space<vmem>>) dst(%dma_wait3A_333 : memref<1x50176x16xf32, #tpu.memory_space<vmem_shared>>)
        %dma_wait3A_334 = arith.constant 1 : i32
        %dma_wait3A_335 = arith.constant 0 : i32
        %dma_wait3A_336 = arith.constant 0 : i32
        %dma_wait3A_337 = arith.constant 0 : i32
        %dma_wait3A_338 = tpu.memref_slice %arg10[%dma_wait3A_334, %dma_wait3A_335, %dma_wait3A_336, %dma_wait3A_337] : memref<5x1x512x16xf32, #tpu.memory_space<vmem>> -> memref<1x1x512x16xf32, #tpu.memory_space<vmem>>
        %dma_wait3A_339 = tpu.memref_squeeze %dma_wait3A_338 : memref<1x1x512x16xf32, #tpu.memory_space<vmem>> -> memref<1x512x16xf32, #tpu.memory_space<vmem>>
        %dma_wait3A_340 = arith.constant 0 : i32
        %dma_wait3A_341 = arith.constant 0 : i32
        %dma_wait3A_342 = tpu.memref_slice %arg9[%add3A_200, %dma_wait3A_340, %dma_wait3A_341] : memref<10x1x512xi32, #tpu.memory_space<vmem>> -> memref<1x1x512xi32, #tpu.memory_space<vmem>>
        %dma_wait3A_343 = tpu.memref_squeeze %dma_wait3A_342 : memref<1x1x512xi32, #tpu.memory_space<vmem>> -> memref<1x512xi32, #tpu.memory_space<vmem>>
        %dma_wait3A_344 = arith.constant 0 : i32
        %dma_wait3A_345 = arith.constant 0 : i32
        %dma_wait3A_346 = arith.constant 0 : i32
        %dma_wait3A_347 = tpu.memref_slice %arg15[%dma_wait3A_344, %dma_wait3A_345, %dma_wait3A_346] : memref<1x50176x16xf32, #tpu.memory_space<vmem_shared>> -> memref<1x50176x16xf32, #tpu.memory_space<vmem_shared>>
        tpu.wait_indirect_dma semaphore(%arg18 : memref<!tpu.dma_semaphore, #tpu.memory_space<semaphore_mem>>) src(%dma_wait3A_339 : memref<1x512x16xf32, #tpu.memory_space<vmem>>) dst(%dma_wait3A_347 : memref<1x50176x16xf32, #tpu.memory_space<vmem_shared>>)
        %dma_wait3A_348 = arith.constant 2 : i32
        %dma_wait3A_349 = arith.constant 0 : i32
        %dma_wait3A_350 = arith.constant 0 : i32
        %dma_wait3A_351 = arith.constant 0 : i32
        %dma_wait3A_352 = tpu.memref_slice %arg10[%dma_wait3A_348, %dma_wait3A_349, %dma_wait3A_350, %dma_wait3A_351] : memref<5x1x512x16xf32, #tpu.memory_space<vmem>> -> memref<1x1x512x16xf32, #tpu.memory_space<vmem>>
        %dma_wait3A_353 = tpu.memref_squeeze %dma_wait3A_352 : memref<1x1x512x16xf32, #tpu.memory_space<vmem>> -> memref<1x512x16xf32, #tpu.memory_space<vmem>>
        %dma_wait3A_354 = arith.constant 0 : i32
        %dma_wait3A_355 = arith.constant 0 : i32
        %dma_wait3A_356 = tpu.memref_slice %arg9[%add3A_235, %dma_wait3A_354, %dma_wait3A_355] : memref<10x1x512xi32, #tpu.memory_space<vmem>> -> memref<1x1x512xi32, #tpu.memory_space<vmem>>
        %dma_wait3A_357 = tpu.memref_squeeze %dma_wait3A_356 : memref<1x1x512xi32, #tpu.memory_space<vmem>> -> memref<1x512xi32, #tpu.memory_space<vmem>>
        %dma_wait3A_358 = arith.constant 0 : i32
        %dma_wait3A_359 = arith.constant 0 : i32
        %dma_wait3A_360 = arith.constant 0 : i32
        %dma_wait3A_361 = tpu.memref_slice %arg15[%dma_wait3A_358, %dma_wait3A_359, %dma_wait3A_360] : memref<1x50176x16xf32, #tpu.memory_space<vmem_shared>> -> memref<1x50176x16xf32, #tpu.memory_space<vmem_shared>>
        tpu.wait_indirect_dma semaphore(%arg18 : memref<!tpu.dma_semaphore, #tpu.memory_space<semaphore_mem>>) src(%dma_wait3A_353 : memref<1x512x16xf32, #tpu.memory_space<vmem>>) dst(%dma_wait3A_361 : memref<1x50176x16xf32, #tpu.memory_space<vmem_shared>>)
        %dma_wait3A_362 = arith.constant 3 : i32
        %dma_wait3A_363 = arith.constant 0 : i32
        %dma_wait3A_364 = arith.constant 0 : i32
        %dma_wait3A_365 = arith.constant 0 : i32
        %dma_wait3A_366 = tpu.memref_slice %arg10[%dma_wait3A_362, %dma_wait3A_363, %dma_wait3A_364, %dma_wait3A_365] : memref<5x1x512x16xf32, #tpu.memory_space<vmem>> -> memref<1x1x512x16xf32, #tpu.memory_space<vmem>>
        %dma_wait3A_367 = tpu.memref_squeeze %dma_wait3A_366 : memref<1x1x512x16xf32, #tpu.memory_space<vmem>> -> memref<1x512x16xf32, #tpu.memory_space<vmem>>
        %dma_wait3A_368 = arith.constant 0 : i32
        %dma_wait3A_369 = arith.constant 0 : i32
        %dma_wait3A_370 = tpu.memref_slice %arg9[%add3A_270, %dma_wait3A_368, %dma_wait3A_369] : memref<10x1x512xi32, #tpu.memory_space<vmem>> -> memref<1x1x512xi32, #tpu.memory_space<vmem>>
        %dma_wait3A_371 = tpu.memref_squeeze %dma_wait3A_370 : memref<1x1x512xi32, #tpu.memory_space<vmem>> -> memref<1x512xi32, #tpu.memory_space<vmem>>
        %dma_wait3A_372 = arith.constant 0 : i32
        %dma_wait3A_373 = arith.constant 0 : i32
        %dma_wait3A_374 = arith.constant 0 : i32
        %dma_wait3A_375 = tpu.memref_slice %arg15[%dma_wait3A_372, %dma_wait3A_373, %dma_wait3A_374] : memref<1x50176x16xf32, #tpu.memory_space<vmem_shared>> -> memref<1x50176x16xf32, #tpu.memory_space<vmem_shared>>
        tpu.wait_indirect_dma semaphore(%arg18 : memref<!tpu.dma_semaphore, #tpu.memory_space<semaphore_mem>>) src(%dma_wait3A_367 : memref<1x512x16xf32, #tpu.memory_space<vmem>>) dst(%dma_wait3A_375 : memref<1x50176x16xf32, #tpu.memory_space<vmem_shared>>)
        %dma_wait3A_376 = arith.constant 4 : i32
        %dma_wait3A_377 = arith.constant 0 : i32
        %dma_wait3A_378 = arith.constant 0 : i32
        %dma_wait3A_379 = arith.constant 0 : i32
        %dma_wait3A_380 = tpu.memref_slice %arg10[%dma_wait3A_376, %dma_wait3A_377, %dma_wait3A_378, %dma_wait3A_379] : memref<5x1x512x16xf32, #tpu.memory_space<vmem>> -> memref<1x1x512x16xf32, #tpu.memory_space<vmem>>
        %dma_wait3A_381 = tpu.memref_squeeze %dma_wait3A_380 : memref<1x1x512x16xf32, #tpu.memory_space<vmem>> -> memref<1x512x16xf32, #tpu.memory_space<vmem>>
        %dma_wait3A_382 = arith.constant 0 : i32
        %dma_wait3A_383 = arith.constant 0 : i32
        %dma_wait3A_384 = tpu.memref_slice %arg9[%add3A_305, %dma_wait3A_382, %dma_wait3A_383] : memref<10x1x512xi32, #tpu.memory_space<vmem>> -> memref<1x1x512xi32, #tpu.memory_space<vmem>>
        %dma_wait3A_385 = tpu.memref_squeeze %dma_wait3A_384 : memref<1x1x512xi32, #tpu.memory_space<vmem>> -> memref<1x512xi32, #tpu.memory_space<vmem>>
        %dma_wait3A_386 = arith.constant 0 : i32
        %dma_wait3A_387 = arith.constant 0 : i32
        %dma_wait3A_388 = arith.constant 0 : i32
        %dma_wait3A_389 = tpu.memref_slice %arg15[%dma_wait3A_386, %dma_wait3A_387, %dma_wait3A_388] : memref<1x50176x16xf32, #tpu.memory_space<vmem_shared>> -> memref<1x50176x16xf32, #tpu.memory_space<vmem_shared>>
        tpu.wait_indirect_dma semaphore(%arg18 : memref<!tpu.dma_semaphore, #tpu.memory_space<semaphore_mem>>) src(%dma_wait3A_381 : memref<1x512x16xf32, #tpu.memory_space<vmem>>) dst(%dma_wait3A_389 : memref<1x50176x16xf32, #tpu.memory_space<vmem_shared>>)
      }
      %scan3A_34 = arith.constant 2 : i32
    }
    %scan3A_9 = arith.constant 10 : i32
    %barrier3A_10 = arith.constant 0 : index
    tpu.barrier barrier_id(%barrier3A_10)
    %get3A = arith.constant 0 : index
    %get3A_11 = tpu.vector_load %arg13[%get3A] {strides = array<i32>} : memref<16xf32, #tpu.memory_space<vmem>>, vector<16xf32>,
    %broadcast_in_dim3A = arith.constant 0.000000e+00 : f32
    %broadcast_in_dim3A_12 = vector.broadcast %broadcast_in_dim3A : f32 to vector<16xf32>
    %scan3A_13 = arith.constant 0 : i32
    %scan3A_14 = arith.constant 28 : i32
    %scan3A_15 = arith.addi %scan3A_13, %scan3A_14 : i32
    %scan3A_16 = arith.constant 1 : i32
    %scan3A_17 = scf.for %scan3A_23 = %scan3A_13 to %scan3A_15 step %scan3A_16 iter_args(%scan3A_24 = %broadcast_in_dim3A_12) -> (vector<16xf32>)  : i32 {
      %mul3A_25 = arith.constant 1 : i32
      %mul3A_26 = arith.muli %scan3A_23, %mul3A_25 : i32
      %add3A = arith.constant 0 : i32
      %add3A_27 = arith.addi %add3A, %mul3A_26 : i32
      %mul3A_28 = arith.constant 3136 : i32
      %mul3A_29 = arith.muli %arg1, %mul3A_28 : i32
      %mul3A_30 = arith.constant 112 : i32
      %mul3A_31 = arith.muli %add3A_27, %mul3A_30 : i32
      %add3A_32 = arith.addi %mul3A_29, %mul3A_31 : i32
      "tpu.region"() ({
        %run_scoped3A = tpu.sem_alloc : memref<!tpu.dma_semaphore, #tpu.memory_space<semaphore_mem>>
        %dma_start3A = arith.constant 0 : i32
        %dma_start3A_39 = arith.constant 0 : i32
        %dma_start3A_40 = tpu.memref_slice %arg15[%dma_start3A, %add3A_32, %dma_start3A_39] : memref<1x50176x16xf32, #tpu.memory_space<vmem_shared>> -> memref<1x112x16xf32, #tpu.memory_space<vmem_shared>>
        %dma_start3A_41 = arith.constant 0 : i32
        %dma_start3A_42 = arith.constant 0 : i32
        %dma_start3A_43 = tpu.memref_slice %arg15[%dma_start3A_41, %add3A_32, %dma_start3A_42] : memref<1x50176x16xf32, #tpu.memory_space<vmem_shared>> -> memref<1x112x16xf32, #tpu.memory_space<vmem_shared>>
        tpu.enqueue_dma source(%dma_start3A_43 : memref<1x112x16xf32, #tpu.memory_space<vmem_shared>>) target(%arg11 : memref<1x112x16xf32, #tpu.memory_space<vmem>>) target_semaphore(%run_scoped3A : memref<!tpu.dma_semaphore, #tpu.memory_space<semaphore_mem>>)
        %dma_wait3A = arith.constant 0 : i32
        %dma_wait3A_44 = arith.constant 0 : i32
        %dma_wait3A_45 = tpu.memref_slice %arg15[%dma_wait3A, %add3A_32, %dma_wait3A_44] : memref<1x50176x16xf32, #tpu.memory_space<vmem_shared>> -> memref<1x112x16xf32, #tpu.memory_space<vmem_shared>>
        %dma_wait3A_46 = arith.constant 0 : i32
        %dma_wait3A_47 = arith.constant 0 : i32
        %dma_wait3A_48 = tpu.memref_slice %arg15[%dma_wait3A_46, %add3A_32, %dma_wait3A_47] : memref<1x50176x16xf32, #tpu.memory_space<vmem_shared>> -> memref<1x112x16xf32, #tpu.memory_space<vmem_shared>>
        tpu.wait_dma2 semaphore(%run_scoped3A : memref<!tpu.dma_semaphore, #tpu.memory_space<semaphore_mem>>) src(%dma_wait3A_48 : memref<1x112x16xf32, #tpu.memory_space<vmem_shared>>) dst(%arg11 : memref<1x112x16xf32, #tpu.memory_space<vmem>>)
        tpu.yield
      }) : () -> ()
      "tpu.region"() ({
        %run_scoped3A = tpu.sem_alloc : memref<!tpu.dma_semaphore, #tpu.memory_space<semaphore_mem>>
        %dma_start3A = tpu.memref_slice %arg5[%add3A_32] : memref<50176xf32, #tpu.memory_space<hbm>> -> memref<112xf32, #tpu.memory_space<hbm>>
        %dma_start3A_39 = tpu.memref_slice %arg5[%add3A_32] : memref<50176xf32, #tpu.memory_space<hbm>> -> memref<112xf32, #tpu.memory_space<hbm>>
        tpu.enqueue_dma source(%dma_start3A_39 : memref<112xf32, #tpu.memory_space<hbm>>) target(%arg12 : memref<112xf32, #tpu.memory_space<vmem>>) target_semaphore(%run_scoped3A : memref<!tpu.dma_semaphore, #tpu.memory_space<semaphore_mem>>)
        %dma_wait3A = tpu.memref_slice %arg5[%add3A_32] : memref<50176xf32, #tpu.memory_space<hbm>> -> memref<112xf32, #tpu.memory_space<hbm>>
        %dma_wait3A_40 = tpu.memref_slice %arg5[%add3A_32] : memref<50176xf32, #tpu.memory_space<hbm>> -> memref<112xf32, #tpu.memory_space<hbm>>
        tpu.wait_dma2 semaphore(%run_scoped3A : memref<!tpu.dma_semaphore, #tpu.memory_space<semaphore_mem>>) src(%dma_wait3A_40 : memref<112xf32, #tpu.memory_space<hbm>>) dst(%arg12 : memref<112xf32, #tpu.memory_space<vmem>>)
        tpu.yield
      }) : () -> ()
      %scan3A_33 = arith.constant 0 : i32
      %scan3A_34 = arith.constant 112 : i32
      %scan3A_35 = arith.addi %scan3A_33, %scan3A_34 : i32
      %scan3A_36 = arith.constant 1 : i32
      %scan3A_37 = scf.for %scan3A_39 = %scan3A_33 to %scan3A_35 step %scan3A_36 iter_args(%scan3A_40 = %scan3A_24) -> (vector<16xf32>)  : i32 {
        %mul3A_41 = arith.constant 1 : i32
        %mul3A_42 = arith.muli %scan3A_39, %mul3A_41 : i32
        %add3A_43 = arith.constant 0 : i32
        %add3A_44 = arith.addi %add3A_43, %mul3A_42 : i32
        %get3A_45 = arith.constant 0 : i32
        %get3A_46 = arith.index_cast %get3A_45 : i32 to index
        %get3A_47 = arith.index_cast %add3A_44 : i32 to index
        %get3A_48 = arith.constant 0 : index
        %get3A_49 = tpu.vector_load %arg11[%get3A_46, %get3A_47, %get3A_48] {strides = array<i32>} : memref<1x112x16xf32, #tpu.memory_space<vmem>>, vector<16xf32>,
        %broadcast_in_dim3A_50 = arith.constant 0 : i32
        %broadcast_in_dim3A_51 = vector.broadcast %broadcast_in_dim3A_50 : i32 to vector<16xi32>
        %add3A_52 = vector.broadcast %add3A_44 : i32 to vector<16xi32>
        %add3A_53 = arith.addi %broadcast_in_dim3A_51, %add3A_52 : vector<16xi32>
        %gather3A = tpu.vector_load_idx %arg12[%add3A_53] : memref<112xf32, #tpu.memory_space<vmem>>[vector<16xi32>], vector<16xf32>,
        %mul3A_54 = arith.mulf %get3A_49, %gather3A : vector<16xf32>
        %add3A_55 = arith.addf %mul3A_54, %get3A_11 : vector<16xf32>
        %max3A = arith.constant 0.000000e+00 : f32
        %max3A_56 = vector.broadcast %max3A : f32 to vector<16xf32>
        %max3A_57 = arith.maximumf %add3A_55, %max3A_56 : vector<16xf32>
        %add3A_58 = arith.addi %add3A_32, %add3A_44 : i32
        %lt3A = arith.constant 50000 : i32
        %lt3A_59 = arith.cmpi slt, %add3A_58, %lt3A : i32
        %jit3A = arith.constant 0.000000e+00 : f32
        %broadcast_in_dim3A_60 = vector.broadcast %jit3A : f32 to vector<16xf32>
        %select_n3A = arith.select %lt3A_59, %max3A_57, %broadcast_in_dim3A_60 : vector<16xf32>
        %add3A_61 = arith.addf %scan3A_40, %select_n3A : vector<16xf32>
        scf.yield %add3A_61 : vector<16xf32>
      }
      %scan3A_38 = arith.constant 112 : i32
      scf.yield %scan3A_37 : vector<16xf32>
    }
    %scan3A_18 = arith.constant 28 : i32
    %swap3A = arith.constant 0 : index
    %swap3A_19 = tpu.vector_load %arg13[%swap3A] {strides = array<i32>} : memref<16xf32, #tpu.memory_space<vmem>>, vector<16xf32>,
    tpu.vector_store %arg13[%swap3A], %scan3A_17 {strides = array<i32>} : memref<16xf32, #tpu.memory_space<vmem>>, vector<16xf32>,
    "tpu.region"() ({
      %run_scoped3A = tpu.sem_alloc : memref<!tpu.dma_semaphore, #tpu.memory_space<semaphore_mem>>
      %dma_start3A = arith.constant 0 : i32
      %dma_start3A_23 = tpu.memref_slice %arg16[%arg1, %dma_start3A] : memref<16x16xf32, #tpu.memory_space<vmem_shared>> -> memref<1x16xf32, #tpu.memory_space<vmem_shared>>
      %dma_start3A_24 = tpu.memref_squeeze %dma_start3A_23 : memref<1x16xf32, #tpu.memory_space<vmem_shared>> -> memref<16xf32, #tpu.memory_space<vmem_shared>>
      %dma_start3A_25 = arith.constant 0 : i32
      %dma_start3A_26 = tpu.memref_slice %arg16[%arg1, %dma_start3A_25] : memref<16x16xf32, #tpu.memory_space<vmem_shared>> -> memref<1x16xf32, #tpu.memory_space<vmem_shared>>
      %dma_start3A_27 = tpu.memref_squeeze %dma_start3A_26 : memref<1x16xf32, #tpu.memory_space<vmem_shared>> -> memref<16xf32, #tpu.memory_space<vmem_shared>>
      tpu.enqueue_dma source(%arg13 : memref<16xf32, #tpu.memory_space<vmem>>) target(%dma_start3A_27 : memref<16xf32, #tpu.memory_space<vmem_shared>>) target_semaphore(%run_scoped3A : memref<!tpu.dma_semaphore, #tpu.memory_space<semaphore_mem>>)
      %dma_wait3A = arith.constant 0 : i32
      %dma_wait3A_28 = tpu.memref_slice %arg16[%arg1, %dma_wait3A] : memref<16x16xf32, #tpu.memory_space<vmem_shared>> -> memref<1x16xf32, #tpu.memory_space<vmem_shared>>
      %dma_wait3A_29 = tpu.memref_squeeze %dma_wait3A_28 : memref<1x16xf32, #tpu.memory_space<vmem_shared>> -> memref<16xf32, #tpu.memory_space<vmem_shared>>
      %dma_wait3A_30 = arith.constant 0 : i32
      %dma_wait3A_31 = tpu.memref_slice %arg16[%arg1, %dma_wait3A_30] : memref<16x16xf32, #tpu.memory_space<vmem_shared>> -> memref<1x16xf32, #tpu.memory_space<vmem_shared>>
      %dma_wait3A_32 = tpu.memref_squeeze %dma_wait3A_31 : memref<1x16xf32, #tpu.memory_space<vmem_shared>> -> memref<16xf32, #tpu.memory_space<vmem_shared>>
      tpu.wait_dma2 semaphore(%run_scoped3A : memref<!tpu.dma_semaphore, #tpu.memory_space<semaphore_mem>>) src(%arg13 : memref<16xf32, #tpu.memory_space<vmem>>) dst(%dma_wait3A_32 : memref<16xf32, #tpu.memory_space<vmem_shared>>)
      tpu.yield
    }) : () -> ()
    %barrier3A_20 = arith.constant 0 : index
    tpu.barrier barrier_id(%barrier3A_20)
    %eq3A = arith.constant 0 : i32
    %eq3A_21 = arith.cmpi eq, %arg1, %eq3A : i32
    %convert_element_type3A = arith.extui %eq3A_21 : i1 to i32
    %cond3A = arith.constant 0 : i32
    %cond3A_22 = arith.cmpi ne, %convert_element_type3A, %cond3A : i32
    scf.if %cond3A_22 {
      "tpu.region"() ({
        %run_scoped3A = tpu.sem_alloc : memref<!tpu.dma_semaphore, #tpu.memory_space<semaphore_mem>>
        tpu.enqueue_dma source(%arg16 : memref<16x16xf32, #tpu.memory_space<vmem_shared>>) target(%arg14 : memref<16x16xf32, #tpu.memory_space<vmem>>) target_semaphore(%run_scoped3A : memref<!tpu.dma_semaphore, #tpu.memory_space<semaphore_mem>>)
        tpu.wait_dma2 semaphore(%run_scoped3A : memref<!tpu.dma_semaphore, #tpu.memory_space<semaphore_mem>>) src(%arg16 : memref<16x16xf32, #tpu.memory_space<vmem_shared>>) dst(%arg14 : memref<16x16xf32, #tpu.memory_space<vmem>>)
        tpu.yield
      }) : () -> ()
      %get3A_23 = arith.constant 0 : i32
      %get3A_24 = arith.index_cast %get3A_23 : i32 to index
      %get3A_25 = arith.constant 0 : index
      %get3A_26 = tpu.vector_load %arg14[%get3A_24, %get3A_25] {strides = array<i32>} : memref<16x16xf32, #tpu.memory_space<vmem>>, vector<16xf32>,
      %scan3A_27 = arith.constant 0 : i32
      %scan3A_28 = arith.constant 15 : i32
      %scan3A_29 = arith.addi %scan3A_27, %scan3A_28 : i32
      %scan3A_30 = arith.constant 1 : i32
      %scan3A_31 = scf.for %scan3A_35 = %scan3A_27 to %scan3A_29 step %scan3A_30 iter_args(%scan3A_36 = %get3A_26) -> (vector<16xf32>)  : i32 {
        %mul3A_37 = arith.constant 1 : i32
        %mul3A_38 = arith.muli %scan3A_35, %mul3A_37 : i32
        %add3A = arith.constant 1 : i32
        %add3A_39 = arith.addi %add3A, %mul3A_38 : i32
        %get3A_40 = arith.index_cast %add3A_39 : i32 to index
        %get3A_41 = arith.constant 0 : index
        %get3A_42 = tpu.vector_load %arg14[%get3A_40, %get3A_41] {strides = array<i32>} : memref<16x16xf32, #tpu.memory_space<vmem>>, vector<16xf32>,
        %add3A_43 = arith.addf %scan3A_36, %get3A_42 : vector<16xf32>
        scf.yield %add3A_43 : vector<16xf32>
      }
      %scan3A_32 = arith.constant 15 : i32
      %swap3A_33 = arith.constant 0 : index
      %swap3A_34 = tpu.vector_load %arg13[%swap3A_33] {strides = array<i32>} : memref<16xf32, #tpu.memory_space<vmem>>, vector<16xf32>,
      tpu.vector_store %arg13[%swap3A_33], %scan3A_31 {strides = array<i32>} : memref<16xf32, #tpu.memory_space<vmem>>, vector<16xf32>,
      "tpu.region"() ({
        %run_scoped3A = tpu.sem_alloc : memref<!tpu.dma_semaphore, #tpu.memory_space<semaphore_mem>>
        %dma_start3A = arith.constant 0 : i32
        %dma_start3A_35 = tpu.memref_slice %arg7[%arg0, %dma_start3A] : memref<2x16xf32, #tpu.memory_space<hbm>> -> memref<1x16xf32, #tpu.memory_space<hbm>>
        %dma_start3A_36 = tpu.memref_squeeze %dma_start3A_35 : memref<1x16xf32, #tpu.memory_space<hbm>> -> memref<16xf32, #tpu.memory_space<hbm>>
        %dma_start3A_37 = arith.constant 0 : i32
        %dma_start3A_38 = tpu.memref_slice %arg7[%arg0, %dma_start3A_37] : memref<2x16xf32, #tpu.memory_space<hbm>> -> memref<1x16xf32, #tpu.memory_space<hbm>>
        %dma_start3A_39 = tpu.memref_squeeze %dma_start3A_38 : memref<1x16xf32, #tpu.memory_space<hbm>> -> memref<16xf32, #tpu.memory_space<hbm>>
        tpu.enqueue_dma source(%arg13 : memref<16xf32, #tpu.memory_space<vmem>>) target(%dma_start3A_39 : memref<16xf32, #tpu.memory_space<hbm>>) target_semaphore(%run_scoped3A : memref<!tpu.dma_semaphore, #tpu.memory_space<semaphore_mem>>)
        %dma_wait3A = arith.constant 0 : i32
        %dma_wait3A_40 = tpu.memref_slice %arg7[%arg0, %dma_wait3A] : memref<2x16xf32, #tpu.memory_space<hbm>> -> memref<1x16xf32, #tpu.memory_space<hbm>>
        %dma_wait3A_41 = tpu.memref_squeeze %dma_wait3A_40 : memref<1x16xf32, #tpu.memory_space<hbm>> -> memref<16xf32, #tpu.memory_space<hbm>>
        %dma_wait3A_42 = arith.constant 0 : i32
        %dma_wait3A_43 = tpu.memref_slice %arg7[%arg0, %dma_wait3A_42] : memref<2x16xf32, #tpu.memory_space<hbm>> -> memref<1x16xf32, #tpu.memory_space<hbm>>
        %dma_wait3A_44 = tpu.memref_squeeze %dma_wait3A_43 : memref<1x16xf32, #tpu.memory_space<hbm>> -> memref<16xf32, #tpu.memory_space<hbm>>
        tpu.wait_dma2 semaphore(%run_scoped3A : memref<!tpu.dma_semaphore, #tpu.memory_space<semaphore_mem>>) src(%arg13 : memref<16xf32, #tpu.memory_space<vmem>>) dst(%dma_wait3A_44 : memref<16xf32, #tpu.memory_space<hbm>>)
        tpu.yield
      }) : () -> ()
    } else {
    }
    return
  }
}

#map = affine_map<(d0, d1) -> (0, 0, 0)>
#map1 = affine_map<(d0, d1) -> (0, 0, 0, 0)>
#map2 = affine_map<(d0, d1) -> (0)>
module attributes {stable_mosaic.version = 14 : i64} {
  func.func @k(%arg0: i32, %arg1: i32, %arg2: memref<1x50176x4xf32, #tpu.memory_space<hbm>>, %arg3: memref<1600x1x512xi32, #tpu.memory_space<hbm>>, %arg4: memref<1600x1x512xi32, #tpu.memory_space<hbm>>, %arg5: memref<2x1x50176x4xf32, #tpu.memory_space<hbm>>, %arg6: memref<2x1x50176x4xf32, #tpu.memory_space<hbm>>, %arg7: memref<50176xf32, #tpu.memory_space<hbm>>, %arg8: memref<1x512x1xf32, #tpu.memory_space<vmem>>, %arg9: memref<1x112x1xf32, #tpu.memory_space<vmem>>, %arg10: memref<10x1x512xi32, #tpu.memory_space<vmem>>, %arg11: memref<10x1x512xi32, #tpu.memory_space<vmem>>, %arg12: memref<5x1x512x4xf32, #tpu.memory_space<vmem>>, %arg13: memref<1x112x4xf32, #tpu.memory_space<vmem>>, %arg14: memref<1x112x4xf32, #tpu.memory_space<vmem>>, %arg15: memref<112xf32, #tpu.memory_space<vmem>>, %arg16: memref<1x50176x1xf32, #tpu.memory_space<vmem_shared>>, %arg17: memref<1x50176x4xf32, #tpu.memory_space<vmem_shared>>, %arg18: memref<!tpu.dma_semaphore, #tpu.memory_space<semaphore_mem>>, %arg19: memref<!tpu.dma_semaphore, #tpu.memory_space<semaphore_mem>>) attributes {dimension_semantics = [#tpu.dimension_semantics<core_parallel>, #tpu.dimension_semantics<subcore_parallel>], iteration_bounds = array<i64: 2, 16>, scalar_prefetch = 0 : i64, scratch_operands = 12 : i64, tpu.core_type = #tpu.core_type<sc_vector_subcore>, window_params = [{transform_indices = #map}, {transform_indices = #map}, {transform_indices = #map}, {transform_indices = #map1}, {transform_indices = #map1}, {transform_indices = #map2}]} {
    %iota3A = tpu.iota {dimensions = array<i32: 0>} : vector<16xi32>
    %shift_right_arithmetic3A = arith.constant 2 : i32
    %shift_right_arithmetic3A_0 = vector.broadcast %shift_right_arithmetic3A : i32 to vector<16xi32>
    %shift_right_arithmetic3A_1 = arith.shrsi %iota3A, %shift_right_arithmetic3A_0 : vector<16xi32>
    %and3A = arith.constant 3 : i32
    %and3A_2 = vector.broadcast %and3A : i32 to vector<16xi32>
    %and3A_3 = arith.andi %iota3A, %and3A_2 : vector<16xi32>
    %broadcast_in_dim3A = arith.constant 0 : i32
    %broadcast_in_dim3A_4 = vector.broadcast %broadcast_in_dim3A : i32 to vector<16xi32>
    %broadcast_in_dim3A_5 = arith.constant 1.000000e+00 : f32
    %broadcast_in_dim3A_6 = vector.broadcast %broadcast_in_dim3A_5 : f32 to vector<16xf32>
    %broadcast_in_dim3A_7 = arith.constant 0.000000e+00 : f32
    %broadcast_in_dim3A_8 = vector.broadcast %broadcast_in_dim3A_7 : f32 to vector<16xf32>
    %add3A = arith.constant 0 : i32
    %add3A_9 = vector.broadcast %add3A : i32 to vector<16xi32>
    %add3A_10 = arith.addi %iota3A, %add3A_9 : vector<16xi32>
    tpu.vector_store_idx %arg8[%broadcast_in_dim3A_4, %add3A_10, %broadcast_in_dim3A_4], %broadcast_in_dim3A_6 : memref<1x512x1xf32, #tpu.memory_space<vmem>>[vector<16xi32>, vector<16xi32>, vector<16xi32>], vector<16xf32>,
    %add3A_11 = arith.constant 16 : i32
    %add3A_12 = vector.broadcast %add3A_11 : i32 to vector<16xi32>
    %add3A_13 = arith.addi %iota3A, %add3A_12 : vector<16xi32>
    tpu.vector_store_idx %arg8[%broadcast_in_dim3A_4, %add3A_13, %broadcast_in_dim3A_4], %broadcast_in_dim3A_6 : memref<1x512x1xf32, #tpu.memory_space<vmem>>[vector<16xi32>, vector<16xi32>, vector<16xi32>], vector<16xf32>,
    %add3A_14 = arith.constant 32 : i32
    %add3A_15 = vector.broadcast %add3A_14 : i32 to vector<16xi32>
    %add3A_16 = arith.addi %iota3A, %add3A_15 : vector<16xi32>
    tpu.vector_store_idx %arg8[%broadcast_in_dim3A_4, %add3A_16, %broadcast_in_dim3A_4], %broadcast_in_dim3A_6 : memref<1x512x1xf32, #tpu.memory_space<vmem>>[vector<16xi32>, vector<16xi32>, vector<16xi32>], vector<16xf32>,
    %add3A_17 = arith.constant 48 : i32
    %add3A_18 = vector.broadcast %add3A_17 : i32 to vector<16xi32>
    %add3A_19 = arith.addi %iota3A, %add3A_18 : vector<16xi32>
    tpu.vector_store_idx %arg8[%broadcast_in_dim3A_4, %add3A_19, %broadcast_in_dim3A_4], %broadcast_in_dim3A_6 : memref<1x512x1xf32, #tpu.memory_space<vmem>>[vector<16xi32>, vector<16xi32>, vector<16xi32>], vector<16xf32>,
    %add3A_20 = arith.constant 64 : i32
    %add3A_21 = vector.broadcast %add3A_20 : i32 to vector<16xi32>
    %add3A_22 = arith.addi %iota3A, %add3A_21 : vector<16xi32>
    tpu.vector_store_idx %arg8[%broadcast_in_dim3A_4, %add3A_22, %broadcast_in_dim3A_4], %broadcast_in_dim3A_6 : memref<1x512x1xf32, #tpu.memory_space<vmem>>[vector<16xi32>, vector<16xi32>, vector<16xi32>], vector<16xf32>,
    %add3A_23 = arith.constant 80 : i32
    %add3A_24 = vector.broadcast %add3A_23 : i32 to vector<16xi32>
    %add3A_25 = arith.addi %iota3A, %add3A_24 : vector<16xi32>
    tpu.vector_store_idx %arg8[%broadcast_in_dim3A_4, %add3A_25, %broadcast_in_dim3A_4], %broadcast_in_dim3A_6 : memref<1x512x1xf32, #tpu.memory_space<vmem>>[vector<16xi32>, vector<16xi32>, vector<16xi32>], vector<16xf32>,
    %add3A_26 = arith.constant 96 : i32
    %add3A_27 = vector.broadcast %add3A_26 : i32 to vector<16xi32>
    %add3A_28 = arith.addi %iota3A, %add3A_27 : vector<16xi32>
    tpu.vector_store_idx %arg8[%broadcast_in_dim3A_4, %add3A_28, %broadcast_in_dim3A_4], %broadcast_in_dim3A_6 : memref<1x512x1xf32, #tpu.memory_space<vmem>>[vector<16xi32>, vector<16xi32>, vector<16xi32>], vector<16xf32>,
    %add3A_29 = arith.constant 112 : i32
    %add3A_30 = vector.broadcast %add3A_29 : i32 to vector<16xi32>
    %add3A_31 = arith.addi %iota3A, %add3A_30 : vector<16xi32>
    tpu.vector_store_idx %arg8[%broadcast_in_dim3A_4, %add3A_31, %broadcast_in_dim3A_4], %broadcast_in_dim3A_6 : memref<1x512x1xf32, #tpu.memory_space<vmem>>[vector<16xi32>, vector<16xi32>, vector<16xi32>], vector<16xf32>,
    %add3A_32 = arith.constant 128 : i32
    %add3A_33 = vector.broadcast %add3A_32 : i32 to vector<16xi32>
    %add3A_34 = arith.addi %iota3A, %add3A_33 : vector<16xi32>
    tpu.vector_store_idx %arg8[%broadcast_in_dim3A_4, %add3A_34, %broadcast_in_dim3A_4], %broadcast_in_dim3A_6 : memref<1x512x1xf32, #tpu.memory_space<vmem>>[vector<16xi32>, vector<16xi32>, vector<16xi32>], vector<16xf32>,
    %add3A_35 = arith.constant 144 : i32
    %add3A_36 = vector.broadcast %add3A_35 : i32 to vector<16xi32>
    %add3A_37 = arith.addi %iota3A, %add3A_36 : vector<16xi32>
    tpu.vector_store_idx %arg8[%broadcast_in_dim3A_4, %add3A_37, %broadcast_in_dim3A_4], %broadcast_in_dim3A_6 : memref<1x512x1xf32, #tpu.memory_space<vmem>>[vector<16xi32>, vector<16xi32>, vector<16xi32>], vector<16xf32>,
    %add3A_38 = arith.constant 160 : i32
    %add3A_39 = vector.broadcast %add3A_38 : i32 to vector<16xi32>
    %add3A_40 = arith.addi %iota3A, %add3A_39 : vector<16xi32>
    tpu.vector_store_idx %arg8[%broadcast_in_dim3A_4, %add3A_40, %broadcast_in_dim3A_4], %broadcast_in_dim3A_6 : memref<1x512x1xf32, #tpu.memory_space<vmem>>[vector<16xi32>, vector<16xi32>, vector<16xi32>], vector<16xf32>,
    %add3A_41 = arith.constant 176 : i32
    %add3A_42 = vector.broadcast %add3A_41 : i32 to vector<16xi32>
    %add3A_43 = arith.addi %iota3A, %add3A_42 : vector<16xi32>
    tpu.vector_store_idx %arg8[%broadcast_in_dim3A_4, %add3A_43, %broadcast_in_dim3A_4], %broadcast_in_dim3A_6 : memref<1x512x1xf32, #tpu.memory_space<vmem>>[vector<16xi32>, vector<16xi32>, vector<16xi32>], vector<16xf32>,
    %add3A_44 = arith.constant 192 : i32
    %add3A_45 = vector.broadcast %add3A_44 : i32 to vector<16xi32>
    %add3A_46 = arith.addi %iota3A, %add3A_45 : vector<16xi32>
    tpu.vector_store_idx %arg8[%broadcast_in_dim3A_4, %add3A_46, %broadcast_in_dim3A_4], %broadcast_in_dim3A_6 : memref<1x512x1xf32, #tpu.memory_space<vmem>>[vector<16xi32>, vector<16xi32>, vector<16xi32>], vector<16xf32>,
    %add3A_47 = arith.constant 208 : i32
    %add3A_48 = vector.broadcast %add3A_47 : i32 to vector<16xi32>
    %add3A_49 = arith.addi %iota3A, %add3A_48 : vector<16xi32>
    tpu.vector_store_idx %arg8[%broadcast_in_dim3A_4, %add3A_49, %broadcast_in_dim3A_4], %broadcast_in_dim3A_6 : memref<1x512x1xf32, #tpu.memory_space<vmem>>[vector<16xi32>, vector<16xi32>, vector<16xi32>], vector<16xf32>,
    %add3A_50 = arith.constant 224 : i32
    %add3A_51 = vector.broadcast %add3A_50 : i32 to vector<16xi32>
    %add3A_52 = arith.addi %iota3A, %add3A_51 : vector<16xi32>
    tpu.vector_store_idx %arg8[%broadcast_in_dim3A_4, %add3A_52, %broadcast_in_dim3A_4], %broadcast_in_dim3A_6 : memref<1x512x1xf32, #tpu.memory_space<vmem>>[vector<16xi32>, vector<16xi32>, vector<16xi32>], vector<16xf32>,
    %add3A_53 = arith.constant 240 : i32
    %add3A_54 = vector.broadcast %add3A_53 : i32 to vector<16xi32>
    %add3A_55 = arith.addi %iota3A, %add3A_54 : vector<16xi32>
    tpu.vector_store_idx %arg8[%broadcast_in_dim3A_4, %add3A_55, %broadcast_in_dim3A_4], %broadcast_in_dim3A_6 : memref<1x512x1xf32, #tpu.memory_space<vmem>>[vector<16xi32>, vector<16xi32>, vector<16xi32>], vector<16xf32>,
    %add3A_56 = arith.constant 256 : i32
    %add3A_57 = vector.broadcast %add3A_56 : i32 to vector<16xi32>
    %add3A_58 = arith.addi %iota3A, %add3A_57 : vector<16xi32>
    tpu.vector_store_idx %arg8[%broadcast_in_dim3A_4, %add3A_58, %broadcast_in_dim3A_4], %broadcast_in_dim3A_6 : memref<1x512x1xf32, #tpu.memory_space<vmem>>[vector<16xi32>, vector<16xi32>, vector<16xi32>], vector<16xf32>,
    %add3A_59 = arith.constant 272 : i32
    %add3A_60 = vector.broadcast %add3A_59 : i32 to vector<16xi32>
    %add3A_61 = arith.addi %iota3A, %add3A_60 : vector<16xi32>
    tpu.vector_store_idx %arg8[%broadcast_in_dim3A_4, %add3A_61, %broadcast_in_dim3A_4], %broadcast_in_dim3A_6 : memref<1x512x1xf32, #tpu.memory_space<vmem>>[vector<16xi32>, vector<16xi32>, vector<16xi32>], vector<16xf32>,
    %add3A_62 = arith.constant 288 : i32
    %add3A_63 = vector.broadcast %add3A_62 : i32 to vector<16xi32>
    %add3A_64 = arith.addi %iota3A, %add3A_63 : vector<16xi32>
    tpu.vector_store_idx %arg8[%broadcast_in_dim3A_4, %add3A_64, %broadcast_in_dim3A_4], %broadcast_in_dim3A_6 : memref<1x512x1xf32, #tpu.memory_space<vmem>>[vector<16xi32>, vector<16xi32>, vector<16xi32>], vector<16xf32>,
    %add3A_65 = arith.constant 304 : i32
    %add3A_66 = vector.broadcast %add3A_65 : i32 to vector<16xi32>
    %add3A_67 = arith.addi %iota3A, %add3A_66 : vector<16xi32>
    tpu.vector_store_idx %arg8[%broadcast_in_dim3A_4, %add3A_67, %broadcast_in_dim3A_4], %broadcast_in_dim3A_6 : memref<1x512x1xf32, #tpu.memory_space<vmem>>[vector<16xi32>, vector<16xi32>, vector<16xi32>], vector<16xf32>,
    %add3A_68 = arith.constant 320 : i32
    %add3A_69 = vector.broadcast %add3A_68 : i32 to vector<16xi32>
    %add3A_70 = arith.addi %iota3A, %add3A_69 : vector<16xi32>
    tpu.vector_store_idx %arg8[%broadcast_in_dim3A_4, %add3A_70, %broadcast_in_dim3A_4], %broadcast_in_dim3A_6 : memref<1x512x1xf32, #tpu.memory_space<vmem>>[vector<16xi32>, vector<16xi32>, vector<16xi32>], vector<16xf32>,
    %add3A_71 = arith.constant 336 : i32
    %add3A_72 = vector.broadcast %add3A_71 : i32 to vector<16xi32>
    %add3A_73 = arith.addi %iota3A, %add3A_72 : vector<16xi32>
    tpu.vector_store_idx %arg8[%broadcast_in_dim3A_4, %add3A_73, %broadcast_in_dim3A_4], %broadcast_in_dim3A_6 : memref<1x512x1xf32, #tpu.memory_space<vmem>>[vector<16xi32>, vector<16xi32>, vector<16xi32>], vector<16xf32>,
    %add3A_74 = arith.constant 352 : i32
    %add3A_75 = vector.broadcast %add3A_74 : i32 to vector<16xi32>
    %add3A_76 = arith.addi %iota3A, %add3A_75 : vector<16xi32>
    tpu.vector_store_idx %arg8[%broadcast_in_dim3A_4, %add3A_76, %broadcast_in_dim3A_4], %broadcast_in_dim3A_6 : memref<1x512x1xf32, #tpu.memory_space<vmem>>[vector<16xi32>, vector<16xi32>, vector<16xi32>], vector<16xf32>,
    %add3A_77 = arith.constant 368 : i32
    %add3A_78 = vector.broadcast %add3A_77 : i32 to vector<16xi32>
    %add3A_79 = arith.addi %iota3A, %add3A_78 : vector<16xi32>
    tpu.vector_store_idx %arg8[%broadcast_in_dim3A_4, %add3A_79, %broadcast_in_dim3A_4], %broadcast_in_dim3A_6 : memref<1x512x1xf32, #tpu.memory_space<vmem>>[vector<16xi32>, vector<16xi32>, vector<16xi32>], vector<16xf32>,
    %add3A_80 = arith.constant 384 : i32
    %add3A_81 = vector.broadcast %add3A_80 : i32 to vector<16xi32>
    %add3A_82 = arith.addi %iota3A, %add3A_81 : vector<16xi32>
    tpu.vector_store_idx %arg8[%broadcast_in_dim3A_4, %add3A_82, %broadcast_in_dim3A_4], %broadcast_in_dim3A_6 : memref<1x512x1xf32, #tpu.memory_space<vmem>>[vector<16xi32>, vector<16xi32>, vector<16xi32>], vector<16xf32>,
    %add3A_83 = arith.constant 400 : i32
    %add3A_84 = vector.broadcast %add3A_83 : i32 to vector<16xi32>
    %add3A_85 = arith.addi %iota3A, %add3A_84 : vector<16xi32>
    tpu.vector_store_idx %arg8[%broadcast_in_dim3A_4, %add3A_85, %broadcast_in_dim3A_4], %broadcast_in_dim3A_6 : memref<1x512x1xf32, #tpu.memory_space<vmem>>[vector<16xi32>, vector<16xi32>, vector<16xi32>], vector<16xf32>,
    %add3A_86 = arith.constant 416 : i32
    %add3A_87 = vector.broadcast %add3A_86 : i32 to vector<16xi32>
    %add3A_88 = arith.addi %iota3A, %add3A_87 : vector<16xi32>
    tpu.vector_store_idx %arg8[%broadcast_in_dim3A_4, %add3A_88, %broadcast_in_dim3A_4], %broadcast_in_dim3A_6 : memref<1x512x1xf32, #tpu.memory_space<vmem>>[vector<16xi32>, vector<16xi32>, vector<16xi32>], vector<16xf32>,
    %add3A_89 = arith.constant 432 : i32
    %add3A_90 = vector.broadcast %add3A_89 : i32 to vector<16xi32>
    %add3A_91 = arith.addi %iota3A, %add3A_90 : vector<16xi32>
    tpu.vector_store_idx %arg8[%broadcast_in_dim3A_4, %add3A_91, %broadcast_in_dim3A_4], %broadcast_in_dim3A_6 : memref<1x512x1xf32, #tpu.memory_space<vmem>>[vector<16xi32>, vector<16xi32>, vector<16xi32>], vector<16xf32>,
    %add3A_92 = arith.constant 448 : i32
    %add3A_93 = vector.broadcast %add3A_92 : i32 to vector<16xi32>
    %add3A_94 = arith.addi %iota3A, %add3A_93 : vector<16xi32>
    tpu.vector_store_idx %arg8[%broadcast_in_dim3A_4, %add3A_94, %broadcast_in_dim3A_4], %broadcast_in_dim3A_6 : memref<1x512x1xf32, #tpu.memory_space<vmem>>[vector<16xi32>, vector<16xi32>, vector<16xi32>], vector<16xf32>,
    %add3A_95 = arith.constant 464 : i32
    %add3A_96 = vector.broadcast %add3A_95 : i32 to vector<16xi32>
    %add3A_97 = arith.addi %iota3A, %add3A_96 : vector<16xi32>
    tpu.vector_store_idx %arg8[%broadcast_in_dim3A_4, %add3A_97, %broadcast_in_dim3A_4], %broadcast_in_dim3A_6 : memref<1x512x1xf32, #tpu.memory_space<vmem>>[vector<16xi32>, vector<16xi32>, vector<16xi32>], vector<16xf32>,
    %add3A_98 = arith.constant 480 : i32
    %add3A_99 = vector.broadcast %add3A_98 : i32 to vector<16xi32>
    %add3A_100 = arith.addi %iota3A, %add3A_99 : vector<16xi32>
    tpu.vector_store_idx %arg8[%broadcast_in_dim3A_4, %add3A_100, %broadcast_in_dim3A_4], %broadcast_in_dim3A_6 : memref<1x512x1xf32, #tpu.memory_space<vmem>>[vector<16xi32>, vector<16xi32>, vector<16xi32>], vector<16xf32>,
    %add3A_101 = arith.constant 496 : i32
    %add3A_102 = vector.broadcast %add3A_101 : i32 to vector<16xi32>
    %add3A_103 = arith.addi %iota3A, %add3A_102 : vector<16xi32>
    tpu.vector_store_idx %arg8[%broadcast_in_dim3A_4, %add3A_103, %broadcast_in_dim3A_4], %broadcast_in_dim3A_6 : memref<1x512x1xf32, #tpu.memory_space<vmem>>[vector<16xi32>, vector<16xi32>, vector<16xi32>], vector<16xf32>,
    %scan3A = arith.constant 0 : i32
    %scan3A_104 = arith.constant 7 : i32
    %scan3A_105 = arith.addi %scan3A, %scan3A_104 : i32
    %scan3A_106 = arith.constant 1 : i32
    scf.for %scan3A_140 = %scan3A to %scan3A_105 step %scan3A_106  : i32 {
      %mul3A_141 = arith.constant 1 : i32
      %mul3A_142 = arith.muli %scan3A_140, %mul3A_141 : i32
      %add3A_143 = arith.constant 0 : i32
      %add3A_144 = arith.addi %add3A_143, %mul3A_142 : i32
      %mul3A_145 = arith.constant 16 : i32
      %mul3A_146 = arith.muli %add3A_144, %mul3A_145 : i32
      %add3A_147 = vector.broadcast %mul3A_146 : i32 to vector<16xi32>
      %add3A_148 = arith.addi %iota3A, %add3A_147 : vector<16xi32>
      tpu.vector_store_idx %arg9[%broadcast_in_dim3A_4, %add3A_148, %broadcast_in_dim3A_4], %broadcast_in_dim3A_8 : memref<1x112x1xf32, #tpu.memory_space<vmem>>[vector<16xi32>, vector<16xi32>, vector<16xi32>], vector<16xf32>,
    }
    %scan3A_107 = arith.constant 7 : i32
    %scan3A_108 = arith.constant 0 : i32
    %scan3A_109 = arith.constant 28 : i32
    %scan3A_110 = arith.addi %scan3A_108, %scan3A_109 : i32
    %scan3A_111 = arith.constant 1 : i32
    scf.for %scan3A_140 = %scan3A_108 to %scan3A_110 step %scan3A_111  : i32 {
      %mul3A_141 = arith.constant 1 : i32
      %mul3A_142 = arith.muli %scan3A_140, %mul3A_141 : i32
      %add3A_143 = arith.constant 0 : i32
      %add3A_144 = arith.addi %add3A_143, %mul3A_142 : i32
      %mul3A_145 = arith.constant 3136 : i32
      %mul3A_146 = arith.muli %arg1, %mul3A_145 : i32
      %mul3A_147 = arith.constant 112 : i32
      %mul3A_148 = arith.muli %add3A_144, %mul3A_147 : i32
      %add3A_149 = arith.addi %mul3A_146, %mul3A_148 : i32
      "tpu.region"() ({
        %run_scoped3A = tpu.sem_alloc : memref<!tpu.dma_semaphore, #tpu.memory_space<semaphore_mem>>
        %dma_start3A = arith.constant 0 : i32
        %dma_start3A_150 = arith.constant 0 : i32
        %dma_start3A_151 = tpu.memref_slice %arg16[%dma_start3A, %add3A_149, %dma_start3A_150] : memref<1x50176x1xf32, #tpu.memory_space<vmem_shared>> -> memref<1x112x1xf32, #tpu.memory_space<vmem_shared>>
        %dma_start3A_152 = arith.constant 0 : i32
        %dma_start3A_153 = arith.constant 0 : i32
        %dma_start3A_154 = tpu.memref_slice %arg16[%dma_start3A_152, %add3A_149, %dma_start3A_153] : memref<1x50176x1xf32, #tpu.memory_space<vmem_shared>> -> memref<1x112x1xf32, #tpu.memory_space<vmem_shared>>
        tpu.enqueue_dma source(%arg9 : memref<1x112x1xf32, #tpu.memory_space<vmem>>) target(%dma_start3A_154 : memref<1x112x1xf32, #tpu.memory_space<vmem_shared>>) target_semaphore(%run_scoped3A : memref<!tpu.dma_semaphore, #tpu.memory_space<semaphore_mem>>)
        %dma_wait3A = arith.constant 0 : i32
        %dma_wait3A_155 = arith.constant 0 : i32
        %dma_wait3A_156 = tpu.memref_slice %arg16[%dma_wait3A, %add3A_149, %dma_wait3A_155] : memref<1x50176x1xf32, #tpu.memory_space<vmem_shared>> -> memref<1x112x1xf32, #tpu.memory_space<vmem_shared>>
        %dma_wait3A_157 = arith.constant 0 : i32
        %dma_wait3A_158 = arith.constant 0 : i32
        %dma_wait3A_159 = tpu.memref_slice %arg16[%dma_wait3A_157, %add3A_149, %dma_wait3A_158] : memref<1x50176x1xf32, #tpu.memory_space<vmem_shared>> -> memref<1x112x1xf32, #tpu.memory_space<vmem_shared>>
        tpu.wait_dma2 semaphore(%run_scoped3A : memref<!tpu.dma_semaphore, #tpu.memory_space<semaphore_mem>>) src(%arg9 : memref<1x112x1xf32, #tpu.memory_space<vmem>>) dst(%dma_wait3A_159 : memref<1x112x1xf32, #tpu.memory_space<vmem_shared>>)
        tpu.yield
      }) : () -> ()
    }
    %scan3A_112 = arith.constant 28 : i32
    %barrier3A = arith.constant 0 : index
    tpu.barrier barrier_id(%barrier3A)
    %scan3A_113 = arith.constant 0 : i32
    %scan3A_114 = arith.constant 10 : i32
    %scan3A_115 = arith.addi %scan3A_113, %scan3A_114 : i32
    %scan3A_116 = arith.constant 1 : i32
    scf.for %scan3A_140 = %scan3A_113 to %scan3A_115 step %scan3A_116  : i32 {
      %mul3A_141 = arith.constant 1 : i32
      %mul3A_142 = arith.muli %scan3A_140, %mul3A_141 : i32
      %add3A_143 = arith.constant 0 : i32
      %add3A_144 = arith.addi %add3A_143, %mul3A_142 : i32
      %mul3A_145 = arith.constant 100 : i32
      %mul3A_146 = arith.muli %arg1, %mul3A_145 : i32
      %mul3A_147 = arith.constant 10 : i32
      %mul3A_148 = arith.muli %add3A_144, %mul3A_147 : i32
      %add3A_149 = arith.addi %mul3A_146, %mul3A_148 : i32
      "tpu.region"() ({
        %run_scoped3A = tpu.sem_alloc : memref<!tpu.dma_semaphore, #tpu.memory_space<semaphore_mem>>
        %dma_start3A_328 = arith.constant 0 : i32
        %dma_start3A_329 = arith.constant 0 : i32
        %dma_start3A_330 = tpu.memref_slice %arg4[%add3A_149, %dma_start3A_328, %dma_start3A_329] : memref<1600x1x512xi32, #tpu.memory_space<hbm>> -> memref<10x1x512xi32, #tpu.memory_space<hbm>>
        %dma_start3A_331 = arith.constant 0 : i32
        %dma_start3A_332 = arith.constant 0 : i32
        %dma_start3A_333 = tpu.memref_slice %arg4[%add3A_149, %dma_start3A_331, %dma_start3A_332] : memref<1600x1x512xi32, #tpu.memory_space<hbm>> -> memref<10x1x512xi32, #tpu.memory_space<hbm>>
        tpu.enqueue_dma source(%dma_start3A_333 : memref<10x1x512xi32, #tpu.memory_space<hbm>>) target(%arg11 : memref<10x1x512xi32, #tpu.memory_space<vmem>>) target_semaphore(%run_scoped3A : memref<!tpu.dma_semaphore, #tpu.memory_space<semaphore_mem>>)
        %dma_wait3A_334 = arith.constant 0 : i32
        %dma_wait3A_335 = arith.constant 0 : i32
        %dma_wait3A_336 = tpu.memref_slice %arg4[%add3A_149, %dma_wait3A_334, %dma_wait3A_335] : memref<1600x1x512xi32, #tpu.memory_space<hbm>> -> memref<10x1x512xi32, #tpu.memory_space<hbm>>
        %dma_wait3A_337 = arith.constant 0 : i32
        %dma_wait3A_338 = arith.constant 0 : i32
        %dma_wait3A_339 = tpu.memref_slice %arg4[%add3A_149, %dma_wait3A_337, %dma_wait3A_338] : memref<1600x1x512xi32, #tpu.memory_space<hbm>> -> memref<10x1x512xi32, #tpu.memory_space<hbm>>
        tpu.wait_dma2 semaphore(%run_scoped3A : memref<!tpu.dma_semaphore, #tpu.memory_space<semaphore_mem>>) src(%dma_wait3A_339 : memref<10x1x512xi32, #tpu.memory_space<hbm>>) dst(%arg11 : memref<10x1x512xi32, #tpu.memory_space<vmem>>)
        tpu.yield
      }) : () -> ()
      %dma_start3A = arith.constant 0 : i32
      %dma_start3A_150 = arith.constant 0 : i32
      %dma_start3A_151 = arith.constant 0 : i32
      %dma_start3A_152 = tpu.memref_slice %arg11[%dma_start3A, %dma_start3A_150, %dma_start3A_151] : memref<10x1x512xi32, #tpu.memory_space<vmem>> -> memref<1x1x512xi32, #tpu.memory_space<vmem>>
      %dma_start3A_153 = tpu.memref_squeeze %dma_start3A_152 : memref<1x1x512xi32, #tpu.memory_space<vmem>> -> memref<1x512xi32, #tpu.memory_space<vmem>>
      %dma_start3A_154 = arith.constant 0 : i32
      %dma_start3A_155 = arith.constant 0 : i32
      %dma_start3A_156 = arith.constant 0 : i32
      %dma_start3A_157 = tpu.memref_slice %arg16[%dma_start3A_154, %dma_start3A_155, %dma_start3A_156] : memref<1x50176x1xf32, #tpu.memory_space<vmem_shared>> -> memref<1x50176x1xf32, #tpu.memory_space<vmem_shared>>
      tpu.enqueue_indirect_dma source(%arg8 : memref<1x512x1xf32, #tpu.memory_space<vmem>>) target(%dma_start3A_157 : memref<1x50176x1xf32, #tpu.memory_space<vmem_shared>>) offsets(%dma_start3A_153 : memref<1x512xi32, #tpu.memory_space<vmem>>) semaphore(%arg18 : memref<!tpu.dma_semaphore, #tpu.memory_space<semaphore_mem>>) {add = true}
      %dma_start3A_158 = arith.constant 1 : i32
      %dma_start3A_159 = arith.constant 0 : i32
      %dma_start3A_160 = arith.constant 0 : i32
      %dma_start3A_161 = tpu.memref_slice %arg11[%dma_start3A_158, %dma_start3A_159, %dma_start3A_160] : memref<10x1x512xi32, #tpu.memory_space<vmem>> -> memref<1x1x512xi32, #tpu.memory_space<vmem>>
      %dma_start3A_162 = tpu.memref_squeeze %dma_start3A_161 : memref<1x1x512xi32, #tpu.memory_space<vmem>> -> memref<1x512xi32, #tpu.memory_space<vmem>>
      %dma_start3A_163 = arith.constant 0 : i32
      %dma_start3A_164 = arith.constant 0 : i32
      %dma_start3A_165 = arith.constant 0 : i32
      %dma_start3A_166 = tpu.memref_slice %arg16[%dma_start3A_163, %dma_start3A_164, %dma_start3A_165] : memref<1x50176x1xf32, #tpu.memory_space<vmem_shared>> -> memref<1x50176x1xf32, #tpu.memory_space<vmem_shared>>
      tpu.enqueue_indirect_dma source(%arg8 : memref<1x512x1xf32, #tpu.memory_space<vmem>>) target(%dma_start3A_166 : memref<1x50176x1xf32, #tpu.memory_space<vmem_shared>>) offsets(%dma_start3A_162 : memref<1x512xi32, #tpu.memory_space<vmem>>) semaphore(%arg18 : memref<!tpu.dma_semaphore, #tpu.memory_space<semaphore_mem>>) {add = true}
      %dma_start3A_167 = arith.constant 2 : i32
      %dma_start3A_168 = arith.constant 0 : i32
      %dma_start3A_169 = arith.constant 0 : i32
      %dma_start3A_170 = tpu.memref_slice %arg11[%dma_start3A_167, %dma_start3A_168, %dma_start3A_169] : memref<10x1x512xi32, #tpu.memory_space<vmem>> -> memref<1x1x512xi32, #tpu.memory_space<vmem>>
      %dma_start3A_171 = tpu.memref_squeeze %dma_start3A_170 : memref<1x1x512xi32, #tpu.memory_space<vmem>> -> memref<1x512xi32, #tpu.memory_space<vmem>>
      %dma_start3A_172 = arith.constant 0 : i32
      %dma_start3A_173 = arith.constant 0 : i32
      %dma_start3A_174 = arith.constant 0 : i32
      %dma_start3A_175 = tpu.memref_slice %arg16[%dma_start3A_172, %dma_start3A_173, %dma_start3A_174] : memref<1x50176x1xf32, #tpu.memory_space<vmem_shared>> -> memref<1x50176x1xf32, #tpu.memory_space<vmem_shared>>
      tpu.enqueue_indirect_dma source(%arg8 : memref<1x512x1xf32, #tpu.memory_space<vmem>>) target(%dma_start3A_175 : memref<1x50176x1xf32, #tpu.memory_space<vmem_shared>>) offsets(%dma_start3A_171 : memref<1x512xi32, #tpu.memory_space<vmem>>) semaphore(%arg18 : memref<!tpu.dma_semaphore, #tpu.memory_space<semaphore_mem>>) {add = true}
      %dma_start3A_176 = arith.constant 3 : i32
      %dma_start3A_177 = arith.constant 0 : i32
      %dma_start3A_178 = arith.constant 0 : i32
      %dma_start3A_179 = tpu.memref_slice %arg11[%dma_start3A_176, %dma_start3A_177, %dma_start3A_178] : memref<10x1x512xi32, #tpu.memory_space<vmem>> -> memref<1x1x512xi32, #tpu.memory_space<vmem>>
      %dma_start3A_180 = tpu.memref_squeeze %dma_start3A_179 : memref<1x1x512xi32, #tpu.memory_space<vmem>> -> memref<1x512xi32, #tpu.memory_space<vmem>>
      %dma_start3A_181 = arith.constant 0 : i32
      %dma_start3A_182 = arith.constant 0 : i32
      %dma_start3A_183 = arith.constant 0 : i32
      %dma_start3A_184 = tpu.memref_slice %arg16[%dma_start3A_181, %dma_start3A_182, %dma_start3A_183] : memref<1x50176x1xf32, #tpu.memory_space<vmem_shared>> -> memref<1x50176x1xf32, #tpu.memory_space<vmem_shared>>
      tpu.enqueue_indirect_dma source(%arg8 : memref<1x512x1xf32, #tpu.memory_space<vmem>>) target(%dma_start3A_184 : memref<1x50176x1xf32, #tpu.memory_space<vmem_shared>>) offsets(%dma_start3A_180 : memref<1x512xi32, #tpu.memory_space<vmem>>) semaphore(%arg18 : memref<!tpu.dma_semaphore, #tpu.memory_space<semaphore_mem>>) {add = true}
      %dma_start3A_185 = arith.constant 4 : i32
      %dma_start3A_186 = arith.constant 0 : i32
      %dma_start3A_187 = arith.constant 0 : i32
      %dma_start3A_188 = tpu.memref_slice %arg11[%dma_start3A_185, %dma_start3A_186, %dma_start3A_187] : memref<10x1x512xi32, #tpu.memory_space<vmem>> -> memref<1x1x512xi32, #tpu.memory_space<vmem>>
      %dma_start3A_189 = tpu.memref_squeeze %dma_start3A_188 : memref<1x1x512xi32, #tpu.memory_space<vmem>> -> memref<1x512xi32, #tpu.memory_space<vmem>>
      %dma_start3A_190 = arith.constant 0 : i32
      %dma_start3A_191 = arith.constant 0 : i32
      %dma_start3A_192 = arith.constant 0 : i32
      %dma_start3A_193 = tpu.memref_slice %arg16[%dma_start3A_190, %dma_start3A_191, %dma_start3A_192] : memref<1x50176x1xf32, #tpu.memory_space<vmem_shared>> -> memref<1x50176x1xf32, #tpu.memory_space<vmem_shared>>
      tpu.enqueue_indirect_dma source(%arg8 : memref<1x512x1xf32, #tpu.memory_space<vmem>>) target(%dma_start3A_193 : memref<1x50176x1xf32, #tpu.memory_space<vmem_shared>>) offsets(%dma_start3A_189 : memref<1x512xi32, #tpu.memory_space<vmem>>) semaphore(%arg18 : memref<!tpu.dma_semaphore, #tpu.memory_space<semaphore_mem>>) {add = true}
      %dma_start3A_194 = arith.constant 5 : i32
      %dma_start3A_195 = arith.constant 0 : i32
      %dma_start3A_196 = arith.constant 0 : i32
      %dma_start3A_197 = tpu.memref_slice %arg11[%dma_start3A_194, %dma_start3A_195, %dma_start3A_196] : memref<10x1x512xi32, #tpu.memory_space<vmem>> -> memref<1x1x512xi32, #tpu.memory_space<vmem>>
      %dma_start3A_198 = tpu.memref_squeeze %dma_start3A_197 : memref<1x1x512xi32, #tpu.memory_space<vmem>> -> memref<1x512xi32, #tpu.memory_space<vmem>>
      %dma_start3A_199 = arith.constant 0 : i32
      %dma_start3A_200 = arith.constant 0 : i32
      %dma_start3A_201 = arith.constant 0 : i32
      %dma_start3A_202 = tpu.memref_slice %arg16[%dma_start3A_199, %dma_start3A_200, %dma_start3A_201] : memref<1x50176x1xf32, #tpu.memory_space<vmem_shared>> -> memref<1x50176x1xf32, #tpu.memory_space<vmem_shared>>
      tpu.enqueue_indirect_dma source(%arg8 : memref<1x512x1xf32, #tpu.memory_space<vmem>>) target(%dma_start3A_202 : memref<1x50176x1xf32, #tpu.memory_space<vmem_shared>>) offsets(%dma_start3A_198 : memref<1x512xi32, #tpu.memory_space<vmem>>) semaphore(%arg18 : memref<!tpu.dma_semaphore, #tpu.memory_space<semaphore_mem>>) {add = true}
      %dma_start3A_203 = arith.constant 6 : i32
      %dma_start3A_204 = arith.constant 0 : i32
      %dma_start3A_205 = arith.constant 0 : i32
      %dma_start3A_206 = tpu.memref_slice %arg11[%dma_start3A_203, %dma_start3A_204, %dma_start3A_205] : memref<10x1x512xi32, #tpu.memory_space<vmem>> -> memref<1x1x512xi32, #tpu.memory_space<vmem>>
      %dma_start3A_207 = tpu.memref_squeeze %dma_start3A_206 : memref<1x1x512xi32, #tpu.memory_space<vmem>> -> memref<1x512xi32, #tpu.memory_space<vmem>>
      %dma_start3A_208 = arith.constant 0 : i32
      %dma_start3A_209 = arith.constant 0 : i32
      %dma_start3A_210 = arith.constant 0 : i32
      %dma_start3A_211 = tpu.memref_slice %arg16[%dma_start3A_208, %dma_start3A_209, %dma_start3A_210] : memref<1x50176x1xf32, #tpu.memory_space<vmem_shared>> -> memref<1x50176x1xf32, #tpu.memory_space<vmem_shared>>
      tpu.enqueue_indirect_dma source(%arg8 : memref<1x512x1xf32, #tpu.memory_space<vmem>>) target(%dma_start3A_211 : memref<1x50176x1xf32, #tpu.memory_space<vmem_shared>>) offsets(%dma_start3A_207 : memref<1x512xi32, #tpu.memory_space<vmem>>) semaphore(%arg18 : memref<!tpu.dma_semaphore, #tpu.memory_space<semaphore_mem>>) {add = true}
      %dma_start3A_212 = arith.constant 7 : i32
      %dma_start3A_213 = arith.constant 0 : i32
      %dma_start3A_214 = arith.constant 0 : i32
      %dma_start3A_215 = tpu.memref_slice %arg11[%dma_start3A_212, %dma_start3A_213, %dma_start3A_214] : memref<10x1x512xi32, #tpu.memory_space<vmem>> -> memref<1x1x512xi32, #tpu.memory_space<vmem>>
      %dma_start3A_216 = tpu.memref_squeeze %dma_start3A_215 : memref<1x1x512xi32, #tpu.memory_space<vmem>> -> memref<1x512xi32, #tpu.memory_space<vmem>>
      %dma_start3A_217 = arith.constant 0 : i32
      %dma_start3A_218 = arith.constant 0 : i32
      %dma_start3A_219 = arith.constant 0 : i32
      %dma_start3A_220 = tpu.memref_slice %arg16[%dma_start3A_217, %dma_start3A_218, %dma_start3A_219] : memref<1x50176x1xf32, #tpu.memory_space<vmem_shared>> -> memref<1x50176x1xf32, #tpu.memory_space<vmem_shared>>
      tpu.enqueue_indirect_dma source(%arg8 : memref<1x512x1xf32, #tpu.memory_space<vmem>>) target(%dma_start3A_220 : memref<1x50176x1xf32, #tpu.memory_space<vmem_shared>>) offsets(%dma_start3A_216 : memref<1x512xi32, #tpu.memory_space<vmem>>) semaphore(%arg18 : memref<!tpu.dma_semaphore, #tpu.memory_space<semaphore_mem>>) {add = true}
      %dma_start3A_221 = arith.constant 8 : i32
      %dma_start3A_222 = arith.constant 0 : i32
      %dma_start3A_223 = arith.constant 0 : i32
      %dma_start3A_224 = tpu.memref_slice %arg11[%dma_start3A_221, %dma_start3A_222, %dma_start3A_223] : memref<10x1x512xi32, #tpu.memory_space<vmem>> -> memref<1x1x512xi32, #tpu.memory_space<vmem>>
      %dma_start3A_225 = tpu.memref_squeeze %dma_start3A_224 : memref<1x1x512xi32, #tpu.memory_space<vmem>> -> memref<1x512xi32, #tpu.memory_space<vmem>>
      %dma_start3A_226 = arith.constant 0 : i32
      %dma_start3A_227 = arith.constant 0 : i32
      %dma_start3A_228 = arith.constant 0 : i32
      %dma_start3A_229 = tpu.memref_slice %arg16[%dma_start3A_226, %dma_start3A_227, %dma_start3A_228] : memref<1x50176x1xf32, #tpu.memory_space<vmem_shared>> -> memref<1x50176x1xf32, #tpu.memory_space<vmem_shared>>
      tpu.enqueue_indirect_dma source(%arg8 : memref<1x512x1xf32, #tpu.memory_space<vmem>>) target(%dma_start3A_229 : memref<1x50176x1xf32, #tpu.memory_space<vmem_shared>>) offsets(%dma_start3A_225 : memref<1x512xi32, #tpu.memory_space<vmem>>) semaphore(%arg18 : memref<!tpu.dma_semaphore, #tpu.memory_space<semaphore_mem>>) {add = true}
      %dma_start3A_230 = arith.constant 9 : i32
      %dma_start3A_231 = arith.constant 0 : i32
      %dma_start3A_232 = arith.constant 0 : i32
      %dma_start3A_233 = tpu.memref_slice %arg11[%dma_start3A_230, %dma_start3A_231, %dma_start3A_232] : memref<10x1x512xi32, #tpu.memory_space<vmem>> -> memref<1x1x512xi32, #tpu.memory_space<vmem>>
      %dma_start3A_234 = tpu.memref_squeeze %dma_start3A_233 : memref<1x1x512xi32, #tpu.memory_space<vmem>> -> memref<1x512xi32, #tpu.memory_space<vmem>>
      %dma_start3A_235 = arith.constant 0 : i32
      %dma_start3A_236 = arith.constant 0 : i32
      %dma_start3A_237 = arith.constant 0 : i32
      %dma_start3A_238 = tpu.memref_slice %arg16[%dma_start3A_235, %dma_start3A_236, %dma_start3A_237] : memref<1x50176x1xf32, #tpu.memory_space<vmem_shared>> -> memref<1x50176x1xf32, #tpu.memory_space<vmem_shared>>
      tpu.enqueue_indirect_dma source(%arg8 : memref<1x512x1xf32, #tpu.memory_space<vmem>>) target(%dma_start3A_238 : memref<1x50176x1xf32, #tpu.memory_space<vmem_shared>>) offsets(%dma_start3A_234 : memref<1x512xi32, #tpu.memory_space<vmem>>) semaphore(%arg18 : memref<!tpu.dma_semaphore, #tpu.memory_space<semaphore_mem>>) {add = true}
      %dma_wait3A = arith.constant 0 : i32
      %dma_wait3A_239 = arith.constant 0 : i32
      %dma_wait3A_240 = arith.constant 0 : i32
      %dma_wait3A_241 = tpu.memref_slice %arg11[%dma_wait3A, %dma_wait3A_239, %dma_wait3A_240] : memref<10x1x512xi32, #tpu.memory_space<vmem>> -> memref<1x1x512xi32, #tpu.memory_space<vmem>>
      %dma_wait3A_242 = tpu.memref_squeeze %dma_wait3A_241 : memref<1x1x512xi32, #tpu.memory_space<vmem>> -> memref<1x512xi32, #tpu.memory_space<vmem>>
      %dma_wait3A_243 = arith.constant 0 : i32
      %dma_wait3A_244 = arith.constant 0 : i32
      %dma_wait3A_245 = arith.constant 0 : i32
      %dma_wait3A_246 = tpu.memref_slice %arg16[%dma_wait3A_243, %dma_wait3A_244, %dma_wait3A_245] : memref<1x50176x1xf32, #tpu.memory_space<vmem_shared>> -> memref<1x50176x1xf32, #tpu.memory_space<vmem_shared>>
      tpu.wait_indirect_dma semaphore(%arg18 : memref<!tpu.dma_semaphore, #tpu.memory_space<semaphore_mem>>) src(%arg8 : memref<1x512x1xf32, #tpu.memory_space<vmem>>) dst(%dma_wait3A_246 : memref<1x50176x1xf32, #tpu.memory_space<vmem_shared>>)
      %dma_wait3A_247 = arith.constant 1 : i32
      %dma_wait3A_248 = arith.constant 0 : i32
      %dma_wait3A_249 = arith.constant 0 : i32
      %dma_wait3A_250 = tpu.memref_slice %arg11[%dma_wait3A_247, %dma_wait3A_248, %dma_wait3A_249] : memref<10x1x512xi32, #tpu.memory_space<vmem>> -> memref<1x1x512xi32, #tpu.memory_space<vmem>>
      %dma_wait3A_251 = tpu.memref_squeeze %dma_wait3A_250 : memref<1x1x512xi32, #tpu.memory_space<vmem>> -> memref<1x512xi32, #tpu.memory_space<vmem>>
      %dma_wait3A_252 = arith.constant 0 : i32
      %dma_wait3A_253 = arith.constant 0 : i32
      %dma_wait3A_254 = arith.constant 0 : i32
      %dma_wait3A_255 = tpu.memref_slice %arg16[%dma_wait3A_252, %dma_wait3A_253, %dma_wait3A_254] : memref<1x50176x1xf32, #tpu.memory_space<vmem_shared>> -> memref<1x50176x1xf32, #tpu.memory_space<vmem_shared>>
      tpu.wait_indirect_dma semaphore(%arg18 : memref<!tpu.dma_semaphore, #tpu.memory_space<semaphore_mem>>) src(%arg8 : memref<1x512x1xf32, #tpu.memory_space<vmem>>) dst(%dma_wait3A_255 : memref<1x50176x1xf32, #tpu.memory_space<vmem_shared>>)
      %dma_wait3A_256 = arith.constant 2 : i32
      %dma_wait3A_257 = arith.constant 0 : i32
      %dma_wait3A_258 = arith.constant 0 : i32
      %dma_wait3A_259 = tpu.memref_slice %arg11[%dma_wait3A_256, %dma_wait3A_257, %dma_wait3A_258] : memref<10x1x512xi32, #tpu.memory_space<vmem>> -> memref<1x1x512xi32, #tpu.memory_space<vmem>>
      %dma_wait3A_260 = tpu.memref_squeeze %dma_wait3A_259 : memref<1x1x512xi32, #tpu.memory_space<vmem>> -> memref<1x512xi32, #tpu.memory_space<vmem>>
      %dma_wait3A_261 = arith.constant 0 : i32
      %dma_wait3A_262 = arith.constant 0 : i32
      %dma_wait3A_263 = arith.constant 0 : i32
      %dma_wait3A_264 = tpu.memref_slice %arg16[%dma_wait3A_261, %dma_wait3A_262, %dma_wait3A_263] : memref<1x50176x1xf32, #tpu.memory_space<vmem_shared>> -> memref<1x50176x1xf32, #tpu.memory_space<vmem_shared>>
      tpu.wait_indirect_dma semaphore(%arg18 : memref<!tpu.dma_semaphore, #tpu.memory_space<semaphore_mem>>) src(%arg8 : memref<1x512x1xf32, #tpu.memory_space<vmem>>) dst(%dma_wait3A_264 : memref<1x50176x1xf32, #tpu.memory_space<vmem_shared>>)
      %dma_wait3A_265 = arith.constant 3 : i32
      %dma_wait3A_266 = arith.constant 0 : i32
      %dma_wait3A_267 = arith.constant 0 : i32
      %dma_wait3A_268 = tpu.memref_slice %arg11[%dma_wait3A_265, %dma_wait3A_266, %dma_wait3A_267] : memref<10x1x512xi32, #tpu.memory_space<vmem>> -> memref<1x1x512xi32, #tpu.memory_space<vmem>>
      %dma_wait3A_269 = tpu.memref_squeeze %dma_wait3A_268 : memref<1x1x512xi32, #tpu.memory_space<vmem>> -> memref<1x512xi32, #tpu.memory_space<vmem>>
      %dma_wait3A_270 = arith.constant 0 : i32
      %dma_wait3A_271 = arith.constant 0 : i32
      %dma_wait3A_272 = arith.constant 0 : i32
      %dma_wait3A_273 = tpu.memref_slice %arg16[%dma_wait3A_270, %dma_wait3A_271, %dma_wait3A_272] : memref<1x50176x1xf32, #tpu.memory_space<vmem_shared>> -> memref<1x50176x1xf32, #tpu.memory_space<vmem_shared>>
      tpu.wait_indirect_dma semaphore(%arg18 : memref<!tpu.dma_semaphore, #tpu.memory_space<semaphore_mem>>) src(%arg8 : memref<1x512x1xf32, #tpu.memory_space<vmem>>) dst(%dma_wait3A_273 : memref<1x50176x1xf32, #tpu.memory_space<vmem_shared>>)
      %dma_wait3A_274 = arith.constant 4 : i32
      %dma_wait3A_275 = arith.constant 0 : i32
      %dma_wait3A_276 = arith.constant 0 : i32
      %dma_wait3A_277 = tpu.memref_slice %arg11[%dma_wait3A_274, %dma_wait3A_275, %dma_wait3A_276] : memref<10x1x512xi32, #tpu.memory_space<vmem>> -> memref<1x1x512xi32, #tpu.memory_space<vmem>>
      %dma_wait3A_278 = tpu.memref_squeeze %dma_wait3A_277 : memref<1x1x512xi32, #tpu.memory_space<vmem>> -> memref<1x512xi32, #tpu.memory_space<vmem>>
      %dma_wait3A_279 = arith.constant 0 : i32
      %dma_wait3A_280 = arith.constant 0 : i32
      %dma_wait3A_281 = arith.constant 0 : i32
      %dma_wait3A_282 = tpu.memref_slice %arg16[%dma_wait3A_279, %dma_wait3A_280, %dma_wait3A_281] : memref<1x50176x1xf32, #tpu.memory_space<vmem_shared>> -> memref<1x50176x1xf32, #tpu.memory_space<vmem_shared>>
      tpu.wait_indirect_dma semaphore(%arg18 : memref<!tpu.dma_semaphore, #tpu.memory_space<semaphore_mem>>) src(%arg8 : memref<1x512x1xf32, #tpu.memory_space<vmem>>) dst(%dma_wait3A_282 : memref<1x50176x1xf32, #tpu.memory_space<vmem_shared>>)
      %dma_wait3A_283 = arith.constant 5 : i32
      %dma_wait3A_284 = arith.constant 0 : i32
      %dma_wait3A_285 = arith.constant 0 : i32
      %dma_wait3A_286 = tpu.memref_slice %arg11[%dma_wait3A_283, %dma_wait3A_284, %dma_wait3A_285] : memref<10x1x512xi32, #tpu.memory_space<vmem>> -> memref<1x1x512xi32, #tpu.memory_space<vmem>>
      %dma_wait3A_287 = tpu.memref_squeeze %dma_wait3A_286 : memref<1x1x512xi32, #tpu.memory_space<vmem>> -> memref<1x512xi32, #tpu.memory_space<vmem>>
      %dma_wait3A_288 = arith.constant 0 : i32
      %dma_wait3A_289 = arith.constant 0 : i32
      %dma_wait3A_290 = arith.constant 0 : i32
      %dma_wait3A_291 = tpu.memref_slice %arg16[%dma_wait3A_288, %dma_wait3A_289, %dma_wait3A_290] : memref<1x50176x1xf32, #tpu.memory_space<vmem_shared>> -> memref<1x50176x1xf32, #tpu.memory_space<vmem_shared>>
      tpu.wait_indirect_dma semaphore(%arg18 : memref<!tpu.dma_semaphore, #tpu.memory_space<semaphore_mem>>) src(%arg8 : memref<1x512x1xf32, #tpu.memory_space<vmem>>) dst(%dma_wait3A_291 : memref<1x50176x1xf32, #tpu.memory_space<vmem_shared>>)
      %dma_wait3A_292 = arith.constant 6 : i32
      %dma_wait3A_293 = arith.constant 0 : i32
      %dma_wait3A_294 = arith.constant 0 : i32
      %dma_wait3A_295 = tpu.memref_slice %arg11[%dma_wait3A_292, %dma_wait3A_293, %dma_wait3A_294] : memref<10x1x512xi32, #tpu.memory_space<vmem>> -> memref<1x1x512xi32, #tpu.memory_space<vmem>>
      %dma_wait3A_296 = tpu.memref_squeeze %dma_wait3A_295 : memref<1x1x512xi32, #tpu.memory_space<vmem>> -> memref<1x512xi32, #tpu.memory_space<vmem>>
      %dma_wait3A_297 = arith.constant 0 : i32
      %dma_wait3A_298 = arith.constant 0 : i32
      %dma_wait3A_299 = arith.constant 0 : i32
      %dma_wait3A_300 = tpu.memref_slice %arg16[%dma_wait3A_297, %dma_wait3A_298, %dma_wait3A_299] : memref<1x50176x1xf32, #tpu.memory_space<vmem_shared>> -> memref<1x50176x1xf32, #tpu.memory_space<vmem_shared>>
      tpu.wait_indirect_dma semaphore(%arg18 : memref<!tpu.dma_semaphore, #tpu.memory_space<semaphore_mem>>) src(%arg8 : memref<1x512x1xf32, #tpu.memory_space<vmem>>) dst(%dma_wait3A_300 : memref<1x50176x1xf32, #tpu.memory_space<vmem_shared>>)
      %dma_wait3A_301 = arith.constant 7 : i32
      %dma_wait3A_302 = arith.constant 0 : i32
      %dma_wait3A_303 = arith.constant 0 : i32
      %dma_wait3A_304 = tpu.memref_slice %arg11[%dma_wait3A_301, %dma_wait3A_302, %dma_wait3A_303] : memref<10x1x512xi32, #tpu.memory_space<vmem>> -> memref<1x1x512xi32, #tpu.memory_space<vmem>>
      %dma_wait3A_305 = tpu.memref_squeeze %dma_wait3A_304 : memref<1x1x512xi32, #tpu.memory_space<vmem>> -> memref<1x512xi32, #tpu.memory_space<vmem>>
      %dma_wait3A_306 = arith.constant 0 : i32
      %dma_wait3A_307 = arith.constant 0 : i32
      %dma_wait3A_308 = arith.constant 0 : i32
      %dma_wait3A_309 = tpu.memref_slice %arg16[%dma_wait3A_306, %dma_wait3A_307, %dma_wait3A_308] : memref<1x50176x1xf32, #tpu.memory_space<vmem_shared>> -> memref<1x50176x1xf32, #tpu.memory_space<vmem_shared>>
      tpu.wait_indirect_dma semaphore(%arg18 : memref<!tpu.dma_semaphore, #tpu.memory_space<semaphore_mem>>) src(%arg8 : memref<1x512x1xf32, #tpu.memory_space<vmem>>) dst(%dma_wait3A_309 : memref<1x50176x1xf32, #tpu.memory_space<vmem_shared>>)
      %dma_wait3A_310 = arith.constant 8 : i32
      %dma_wait3A_311 = arith.constant 0 : i32
      %dma_wait3A_312 = arith.constant 0 : i32
      %dma_wait3A_313 = tpu.memref_slice %arg11[%dma_wait3A_310, %dma_wait3A_311, %dma_wait3A_312] : memref<10x1x512xi32, #tpu.memory_space<vmem>> -> memref<1x1x512xi32, #tpu.memory_space<vmem>>
      %dma_wait3A_314 = tpu.memref_squeeze %dma_wait3A_313 : memref<1x1x512xi32, #tpu.memory_space<vmem>> -> memref<1x512xi32, #tpu.memory_space<vmem>>
      %dma_wait3A_315 = arith.constant 0 : i32
      %dma_wait3A_316 = arith.constant 0 : i32
      %dma_wait3A_317 = arith.constant 0 : i32
      %dma_wait3A_318 = tpu.memref_slice %arg16[%dma_wait3A_315, %dma_wait3A_316, %dma_wait3A_317] : memref<1x50176x1xf32, #tpu.memory_space<vmem_shared>> -> memref<1x50176x1xf32, #tpu.memory_space<vmem_shared>>
      tpu.wait_indirect_dma semaphore(%arg18 : memref<!tpu.dma_semaphore, #tpu.memory_space<semaphore_mem>>) src(%arg8 : memref<1x512x1xf32, #tpu.memory_space<vmem>>) dst(%dma_wait3A_318 : memref<1x50176x1xf32, #tpu.memory_space<vmem_shared>>)
      %dma_wait3A_319 = arith.constant 9 : i32
      %dma_wait3A_320 = arith.constant 0 : i32
      %dma_wait3A_321 = arith.constant 0 : i32
      %dma_wait3A_322 = tpu.memref_slice %arg11[%dma_wait3A_319, %dma_wait3A_320, %dma_wait3A_321] : memref<10x1x512xi32, #tpu.memory_space<vmem>> -> memref<1x1x512xi32, #tpu.memory_space<vmem>>
      %dma_wait3A_323 = tpu.memref_squeeze %dma_wait3A_322 : memref<1x1x512xi32, #tpu.memory_space<vmem>> -> memref<1x512xi32, #tpu.memory_space<vmem>>
      %dma_wait3A_324 = arith.constant 0 : i32
      %dma_wait3A_325 = arith.constant 0 : i32
      %dma_wait3A_326 = arith.constant 0 : i32
      %dma_wait3A_327 = tpu.memref_slice %arg16[%dma_wait3A_324, %dma_wait3A_325, %dma_wait3A_326] : memref<1x50176x1xf32, #tpu.memory_space<vmem_shared>> -> memref<1x50176x1xf32, #tpu.memory_space<vmem_shared>>
      tpu.wait_indirect_dma semaphore(%arg18 : memref<!tpu.dma_semaphore, #tpu.memory_space<semaphore_mem>>) src(%arg8 : memref<1x512x1xf32, #tpu.memory_space<vmem>>) dst(%dma_wait3A_327 : memref<1x50176x1xf32, #tpu.memory_space<vmem_shared>>)
    }
    %scan3A_117 = arith.constant 10 : i32
    %barrier3A_118 = arith.constant 0 : index
    tpu.barrier barrier_id(%barrier3A_118)
    %scan3A_119 = arith.constant 0 : i32
    %scan3A_120 = arith.constant 28 : i32
    %scan3A_121 = arith.addi %scan3A_119, %scan3A_120 : i32
    %scan3A_122 = arith.constant 1 : i32
    scf.for %scan3A_140 = %scan3A_119 to %scan3A_121 step %scan3A_122  : i32 {
      %mul3A_141 = arith.constant 1 : i32
      %mul3A_142 = arith.muli %scan3A_140, %mul3A_141 : i32
      %add3A_143 = arith.constant 0 : i32
      %add3A_144 = arith.addi %add3A_143, %mul3A_142 : i32
      %mul3A_145 = arith.constant 3136 : i32
      %mul3A_146 = arith.muli %arg1, %mul3A_145 : i32
      %mul3A_147 = arith.constant 112 : i32
      %mul3A_148 = arith.muli %add3A_144, %mul3A_147 : i32
      %add3A_149 = arith.addi %mul3A_146, %mul3A_148 : i32
      "tpu.region"() ({
        %run_scoped3A = tpu.sem_alloc : memref<!tpu.dma_semaphore, #tpu.memory_space<semaphore_mem>>
        %dma_start3A = arith.constant 0 : i32
        %dma_start3A_162 = arith.constant 0 : i32
        %dma_start3A_163 = tpu.memref_slice %arg16[%dma_start3A, %add3A_149, %dma_start3A_162] : memref<1x50176x1xf32, #tpu.memory_space<vmem_shared>> -> memref<1x112x1xf32, #tpu.memory_space<vmem_shared>>
        %dma_start3A_164 = arith.constant 0 : i32
        %dma_start3A_165 = arith.constant 0 : i32
        %dma_start3A_166 = tpu.memref_slice %arg16[%dma_start3A_164, %add3A_149, %dma_start3A_165] : memref<1x50176x1xf32, #tpu.memory_space<vmem_shared>> -> memref<1x112x1xf32, #tpu.memory_space<vmem_shared>>
        tpu.enqueue_dma source(%dma_start3A_166 : memref<1x112x1xf32, #tpu.memory_space<vmem_shared>>) target(%arg9 : memref<1x112x1xf32, #tpu.memory_space<vmem>>) target_semaphore(%run_scoped3A : memref<!tpu.dma_semaphore, #tpu.memory_space<semaphore_mem>>)
        %dma_wait3A = arith.constant 0 : i32
        %dma_wait3A_167 = arith.constant 0 : i32
        %dma_wait3A_168 = tpu.memref_slice %arg16[%dma_wait3A, %add3A_149, %dma_wait3A_167] : memref<1x50176x1xf32, #tpu.memory_space<vmem_shared>> -> memref<1x112x1xf32, #tpu.memory_space<vmem_shared>>
        %dma_wait3A_169 = arith.constant 0 : i32
        %dma_wait3A_170 = arith.constant 0 : i32
        %dma_wait3A_171 = tpu.memref_slice %arg16[%dma_wait3A_169, %add3A_149, %dma_wait3A_170] : memref<1x50176x1xf32, #tpu.memory_space<vmem_shared>> -> memref<1x112x1xf32, #tpu.memory_space<vmem_shared>>
        tpu.wait_dma2 semaphore(%run_scoped3A : memref<!tpu.dma_semaphore, #tpu.memory_space<semaphore_mem>>) src(%dma_wait3A_171 : memref<1x112x1xf32, #tpu.memory_space<vmem_shared>>) dst(%arg9 : memref<1x112x1xf32, #tpu.memory_space<vmem>>)
        tpu.yield
      }) : () -> ()
      "tpu.region"() ({
        %run_scoped3A = tpu.sem_alloc : memref<!tpu.dma_semaphore, #tpu.memory_space<semaphore_mem>>
        %dma_start3A = arith.constant 0 : i32
        %dma_start3A_162 = arith.constant 0 : i32
        %dma_start3A_163 = tpu.memref_slice %arg2[%dma_start3A, %add3A_149, %dma_start3A_162] : memref<1x50176x4xf32, #tpu.memory_space<hbm>> -> memref<1x112x4xf32, #tpu.memory_space<hbm>>
        %dma_start3A_164 = arith.constant 0 : i32
        %dma_start3A_165 = arith.constant 0 : i32
        %dma_start3A_166 = tpu.memref_slice %arg2[%dma_start3A_164, %add3A_149, %dma_start3A_165] : memref<1x50176x4xf32, #tpu.memory_space<hbm>> -> memref<1x112x4xf32, #tpu.memory_space<hbm>>
        tpu.enqueue_dma source(%dma_start3A_166 : memref<1x112x4xf32, #tpu.memory_space<hbm>>) target(%arg13 : memref<1x112x4xf32, #tpu.memory_space<vmem>>) target_semaphore(%run_scoped3A : memref<!tpu.dma_semaphore, #tpu.memory_space<semaphore_mem>>)
        %dma_wait3A = arith.constant 0 : i32
        %dma_wait3A_167 = arith.constant 0 : i32
        %dma_wait3A_168 = tpu.memref_slice %arg2[%dma_wait3A, %add3A_149, %dma_wait3A_167] : memref<1x50176x4xf32, #tpu.memory_space<hbm>> -> memref<1x112x4xf32, #tpu.memory_space<hbm>>
        %dma_wait3A_169 = arith.constant 0 : i32
        %dma_wait3A_170 = arith.constant 0 : i32
        %dma_wait3A_171 = tpu.memref_slice %arg2[%dma_wait3A_169, %add3A_149, %dma_wait3A_170] : memref<1x50176x4xf32, #tpu.memory_space<hbm>> -> memref<1x112x4xf32, #tpu.memory_space<hbm>>
        tpu.wait_dma2 semaphore(%run_scoped3A : memref<!tpu.dma_semaphore, #tpu.memory_space<semaphore_mem>>) src(%dma_wait3A_171 : memref<1x112x4xf32, #tpu.memory_space<hbm>>) dst(%arg13 : memref<1x112x4xf32, #tpu.memory_space<vmem>>)
        tpu.yield
      }) : () -> ()
      %scan3A_150 = arith.constant 0 : i32
      %scan3A_151 = arith.constant 7 : i32
      %scan3A_152 = arith.addi %scan3A_150, %scan3A_151 : i32
      %scan3A_153 = arith.constant 1 : i32
      scf.for %scan3A_162 = %scan3A_150 to %scan3A_152 step %scan3A_153  : i32 {
        %mul3A_163 = arith.constant 1 : i32
        %mul3A_164 = arith.muli %scan3A_162, %mul3A_163 : i32
        %add3A_165 = arith.constant 0 : i32
        %add3A_166 = arith.addi %add3A_165, %mul3A_164 : i32
        %mul3A_167 = arith.constant 16 : i32
        %mul3A_168 = arith.muli %add3A_166, %mul3A_167 : i32
        %add3A_169 = vector.broadcast %mul3A_168 : i32 to vector<16xi32>
        %add3A_170 = arith.addi %iota3A, %add3A_169 : vector<16xi32>
        %gather3A = tpu.vector_load_idx %arg9[%broadcast_in_dim3A_4, %add3A_170, %broadcast_in_dim3A_4] : memref<1x112x1xf32, #tpu.memory_space<vmem>>[vector<16xi32>, vector<16xi32>, vector<16xi32>], vector<16xf32>,
        %add3A_171 = arith.constant 1.000000e+00 : f32
        %add3A_172 = vector.broadcast %add3A_171 : f32 to vector<16xf32>
        %add3A_173 = arith.addf %gather3A, %add3A_172 : vector<16xf32>
        %bitcast3A = vector.bitcast %add3A_173 : vector<16xf32> to vector<16xi32>
        %shift_right_arithmetic3A_174 = arith.constant 1 : i32
        %shift_right_arithmetic3A_175 = vector.broadcast %shift_right_arithmetic3A_174 : i32 to vector<16xi32>
        %shift_right_arithmetic3A_176 = arith.shrsi %bitcast3A, %shift_right_arithmetic3A_175 : vector<16xi32>
        %sub3A = arith.constant 1597463007 : i32
        %sub3A_177 = vector.broadcast %sub3A : i32 to vector<16xi32>
        %sub3A_178 = arith.subi %sub3A_177, %shift_right_arithmetic3A_176 : vector<16xi32>
        %bitcast3A_179 = vector.bitcast %sub3A_178 : vector<16xi32> to vector<16xf32>
        %mul3A_180 = arith.constant 5.000000e-01 : f32
        %mul3A_181 = vector.broadcast %mul3A_180 : f32 to vector<16xf32>
        %mul3A_182 = arith.mulf %mul3A_181, %add3A_173 : vector<16xf32>
        %mul3A_183 = arith.mulf %mul3A_182, %bitcast3A_179 : vector<16xf32>
        %mul3A_184 = arith.mulf %mul3A_183, %bitcast3A_179 : vector<16xf32>
        %sub3A_185 = arith.constant 1.500000e+00 : f32
        %sub3A_186 = vector.broadcast %sub3A_185 : f32 to vector<16xf32>
        %sub3A_187 = arith.subf %sub3A_186, %mul3A_184 : vector<16xf32>
        %mul3A_188 = arith.mulf %bitcast3A_179, %sub3A_187 : vector<16xf32>
        %mul3A_189 = arith.constant 5.000000e-01 : f32
        %mul3A_190 = vector.broadcast %mul3A_189 : f32 to vector<16xf32>
        %mul3A_191 = arith.mulf %mul3A_190, %add3A_173 : vector<16xf32>
        %mul3A_192 = arith.mulf %mul3A_191, %mul3A_188 : vector<16xf32>
        %mul3A_193 = arith.mulf %mul3A_192, %mul3A_188 : vector<16xf32>
        %sub3A_194 = arith.constant 1.500000e+00 : f32
        %sub3A_195 = vector.broadcast %sub3A_194 : f32 to vector<16xf32>
        %sub3A_196 = arith.subf %sub3A_195, %mul3A_193 : vector<16xf32>
        %mul3A_197 = arith.mulf %mul3A_188, %sub3A_196 : vector<16xf32>
        %mul3A_198 = arith.constant 5.000000e-01 : f32
        %mul3A_199 = vector.broadcast %mul3A_198 : f32 to vector<16xf32>
        %mul3A_200 = arith.mulf %mul3A_199, %add3A_173 : vector<16xf32>
        %mul3A_201 = arith.mulf %mul3A_200, %mul3A_197 : vector<16xf32>
        %mul3A_202 = arith.mulf %mul3A_201, %mul3A_197 : vector<16xf32>
        %sub3A_203 = arith.constant 1.500000e+00 : f32
        %sub3A_204 = vector.broadcast %sub3A_203 : f32 to vector<16xf32>
        %sub3A_205 = arith.subf %sub3A_204, %mul3A_202 : vector<16xf32>
        %mul3A_206 = arith.mulf %mul3A_197, %sub3A_205 : vector<16xf32>
        %mul3A_207 = arith.constant 16 : i32
        %mul3A_208 = arith.muli %add3A_166, %mul3A_207 : i32
        %swap3A = arith.index_cast %mul3A_208 : i32 to index
        %swap3A_209 = tpu.vector_load %arg15[%swap3A] {strides = array<i32>} : memref<112xf32, #tpu.memory_space<vmem>>, vector<16xf32>,
        tpu.vector_store %arg15[%swap3A], %mul3A_206 {strides = array<i32>} : memref<112xf32, #tpu.memory_space<vmem>>, vector<16xf32>,
      }
      %scan3A_154 = arith.constant 7 : i32
      %eq3A = arith.constant 0 : i32
      %eq3A_155 = arith.cmpi eq, %arg0, %eq3A : i32
      %convert_element_type3A = arith.extui %eq3A_155 : i1 to i32
      %cond3A = arith.constant 0 : i32
      %cond3A_156 = arith.cmpi ne, %convert_element_type3A, %cond3A : i32
      scf.if %cond3A_156 {
        "tpu.region"() ({
          %run_scoped3A = tpu.sem_alloc : memref<!tpu.dma_semaphore, #tpu.memory_space<semaphore_mem>>
          %dma_start3A = tpu.memref_slice %arg7[%add3A_149] : memref<50176xf32, #tpu.memory_space<hbm>> -> memref<112xf32, #tpu.memory_space<hbm>>
          %dma_start3A_162 = tpu.memref_slice %arg7[%add3A_149] : memref<50176xf32, #tpu.memory_space<hbm>> -> memref<112xf32, #tpu.memory_space<hbm>>
          tpu.enqueue_dma source(%arg15 : memref<112xf32, #tpu.memory_space<vmem>>) target(%dma_start3A_162 : memref<112xf32, #tpu.memory_space<hbm>>) target_semaphore(%run_scoped3A : memref<!tpu.dma_semaphore, #tpu.memory_space<semaphore_mem>>)
          %dma_wait3A = tpu.memref_slice %arg7[%add3A_149] : memref<50176xf32, #tpu.memory_space<hbm>> -> memref<112xf32, #tpu.memory_space<hbm>>
          %dma_wait3A_163 = tpu.memref_slice %arg7[%add3A_149] : memref<50176xf32, #tpu.memory_space<hbm>> -> memref<112xf32, #tpu.memory_space<hbm>>
          tpu.wait_dma2 semaphore(%run_scoped3A : memref<!tpu.dma_semaphore, #tpu.memory_space<semaphore_mem>>) src(%arg15 : memref<112xf32, #tpu.memory_space<vmem>>) dst(%dma_wait3A_163 : memref<112xf32, #tpu.memory_space<hbm>>)
          tpu.yield
        }) : () -> ()
      } else {
      }
      %scan3A_157 = arith.constant 0 : i32
      %scan3A_158 = arith.constant 28 : i32
      %scan3A_159 = arith.addi %scan3A_157, %scan3A_158 : i32
      %scan3A_160 = arith.constant 1 : i32
      scf.for %scan3A_162 = %scan3A_157 to %scan3A_159 step %scan3A_160  : i32 {
        %mul3A_163 = arith.constant 1 : i32
        %mul3A_164 = arith.muli %scan3A_162, %mul3A_163 : i32
        %add3A_165 = arith.constant 0 : i32
        %add3A_166 = arith.addi %add3A_165, %mul3A_164 : i32
        %mul3A_167 = arith.constant 4 : i32
        %mul3A_168 = arith.muli %add3A_166, %mul3A_167 : i32
        %add3A_169 = vector.broadcast %mul3A_168 : i32 to vector<16xi32>
        %add3A_170 = arith.addi %shift_right_arithmetic3A_1, %add3A_169 : vector<16xi32>
        %gather3A = tpu.vector_load_idx %arg13[%broadcast_in_dim3A_4, %add3A_170, %and3A_3] : memref<1x112x4xf32, #tpu.memory_space<vmem>>[vector<16xi32>, vector<16xi32>, vector<16xi32>], vector<16xf32>,
        %gather3A_171 = tpu.vector_load_idx %arg15[%add3A_170] : memref<112xf32, #tpu.memory_space<vmem>>[vector<16xi32>], vector<16xf32>,
        %mul3A_172 = arith.mulf %gather3A, %gather3A_171 : vector<16xf32>
        tpu.vector_store_idx %arg14[%broadcast_in_dim3A_4, %add3A_170, %and3A_3], %mul3A_172 : memref<1x112x4xf32, #tpu.memory_space<vmem>>[vector<16xi32>, vector<16xi32>, vector<16xi32>], vector<16xf32>,
      }
      %scan3A_161 = arith.constant 28 : i32
      "tpu.region"() ({
        %run_scoped3A = tpu.sem_alloc : memref<!tpu.dma_semaphore, #tpu.memory_space<semaphore_mem>>
        %dma_start3A = arith.constant 0 : i32
        %dma_start3A_162 = arith.constant 0 : i32
        %dma_start3A_163 = tpu.memref_slice %arg5[%arg0, %dma_start3A, %add3A_149, %dma_start3A_162] : memref<2x1x50176x4xf32, #tpu.memory_space<hbm>> -> memref<1x1x112x4xf32, #tpu.memory_space<hbm>>
        %dma_start3A_164 = tpu.memref_squeeze %dma_start3A_163 : memref<1x1x112x4xf32, #tpu.memory_space<hbm>> -> memref<1x112x4xf32, #tpu.memory_space<hbm>>
        %dma_start3A_165 = arith.constant 0 : i32
        %dma_start3A_166 = arith.constant 0 : i32
        %dma_start3A_167 = tpu.memref_slice %arg5[%arg0, %dma_start3A_165, %add3A_149, %dma_start3A_166] : memref<2x1x50176x4xf32, #tpu.memory_space<hbm>> -> memref<1x1x112x4xf32, #tpu.memory_space<hbm>>
        %dma_start3A_168 = tpu.memref_squeeze %dma_start3A_167 : memref<1x1x112x4xf32, #tpu.memory_space<hbm>> -> memref<1x112x4xf32, #tpu.memory_space<hbm>>
        tpu.enqueue_dma source(%arg14 : memref<1x112x4xf32, #tpu.memory_space<vmem>>) target(%dma_start3A_168 : memref<1x112x4xf32, #tpu.memory_space<hbm>>) target_semaphore(%run_scoped3A : memref<!tpu.dma_semaphore, #tpu.memory_space<semaphore_mem>>)
        %dma_wait3A = arith.constant 0 : i32
        %dma_wait3A_169 = arith.constant 0 : i32
        %dma_wait3A_170 = tpu.memref_slice %arg5[%arg0, %dma_wait3A, %add3A_149, %dma_wait3A_169] : memref<2x1x50176x4xf32, #tpu.memory_space<hbm>> -> memref<1x1x112x4xf32, #tpu.memory_space<hbm>>
        %dma_wait3A_171 = tpu.memref_squeeze %dma_wait3A_170 : memref<1x1x112x4xf32, #tpu.memory_space<hbm>> -> memref<1x112x4xf32, #tpu.memory_space<hbm>>
        %dma_wait3A_172 = arith.constant 0 : i32
        %dma_wait3A_173 = arith.constant 0 : i32
        %dma_wait3A_174 = tpu.memref_slice %arg5[%arg0, %dma_wait3A_172, %add3A_149, %dma_wait3A_173] : memref<2x1x50176x4xf32, #tpu.memory_space<hbm>> -> memref<1x1x112x4xf32, #tpu.memory_space<hbm>>
        %dma_wait3A_175 = tpu.memref_squeeze %dma_wait3A_174 : memref<1x1x112x4xf32, #tpu.memory_space<hbm>> -> memref<1x112x4xf32, #tpu.memory_space<hbm>>
        tpu.wait_dma2 semaphore(%run_scoped3A : memref<!tpu.dma_semaphore, #tpu.memory_space<semaphore_mem>>) src(%arg14 : memref<1x112x4xf32, #tpu.memory_space<vmem>>) dst(%dma_wait3A_175 : memref<1x112x4xf32, #tpu.memory_space<hbm>>)
        tpu.yield
      }) : () -> ()
      "tpu.region"() ({
        %run_scoped3A = tpu.sem_alloc : memref<!tpu.dma_semaphore, #tpu.memory_space<semaphore_mem>>
        %dma_start3A = arith.constant 0 : i32
        %dma_start3A_162 = arith.constant 0 : i32
        %dma_start3A_163 = tpu.memref_slice %arg17[%dma_start3A, %add3A_149, %dma_start3A_162] : memref<1x50176x4xf32, #tpu.memory_space<vmem_shared>> -> memref<1x112x4xf32, #tpu.memory_space<vmem_shared>>
        %dma_start3A_164 = arith.constant 0 : i32
        %dma_start3A_165 = arith.constant 0 : i32
        %dma_start3A_166 = tpu.memref_slice %arg17[%dma_start3A_164, %add3A_149, %dma_start3A_165] : memref<1x50176x4xf32, #tpu.memory_space<vmem_shared>> -> memref<1x112x4xf32, #tpu.memory_space<vmem_shared>>
        tpu.enqueue_dma source(%arg14 : memref<1x112x4xf32, #tpu.memory_space<vmem>>) target(%dma_start3A_166 : memref<1x112x4xf32, #tpu.memory_space<vmem_shared>>) target_semaphore(%run_scoped3A : memref<!tpu.dma_semaphore, #tpu.memory_space<semaphore_mem>>)
        %dma_wait3A = arith.constant 0 : i32
        %dma_wait3A_167 = arith.constant 0 : i32
        %dma_wait3A_168 = tpu.memref_slice %arg17[%dma_wait3A, %add3A_149, %dma_wait3A_167] : memref<1x50176x4xf32, #tpu.memory_space<vmem_shared>> -> memref<1x112x4xf32, #tpu.memory_space<vmem_shared>>
        %dma_wait3A_169 = arith.constant 0 : i32
        %dma_wait3A_170 = arith.constant 0 : i32
        %dma_wait3A_171 = tpu.memref_slice %arg17[%dma_wait3A_169, %add3A_149, %dma_wait3A_170] : memref<1x50176x4xf32, #tpu.memory_space<vmem_shared>> -> memref<1x112x4xf32, #tpu.memory_space<vmem_shared>>
        tpu.wait_dma2 semaphore(%run_scoped3A : memref<!tpu.dma_semaphore, #tpu.memory_space<semaphore_mem>>) src(%arg14 : memref<1x112x4xf32, #tpu.memory_space<vmem>>) dst(%dma_wait3A_171 : memref<1x112x4xf32, #tpu.memory_space<vmem_shared>>)
        tpu.yield
      }) : () -> ()
    }
    %scan3A_123 = arith.constant 28 : i32
    %barrier3A_124 = arith.constant 0 : index
    tpu.barrier barrier_id(%barrier3A_124)
    %mul3A = arith.constant 16 : i32
    %mul3A_125 = arith.muli %arg0, %mul3A : i32
    %add3A_126 = arith.addi %mul3A_125, %arg1 : i32
    %mul3A_127 = arith.constant 50 : i32
    %mul3A_128 = arith.muli %add3A_126, %mul3A_127 : i32
    %scan3A_129 = arith.constant 0 : i32
    %scan3A_130 = arith.constant 5 : i32
    %scan3A_131 = arith.addi %scan3A_129, %scan3A_130 : i32
    %scan3A_132 = arith.constant 1 : i32
    scf.for %scan3A_140 = %scan3A_129 to %scan3A_131 step %scan3A_132  : i32 {
      %mul3A_141 = arith.constant 1 : i32
      %mul3A_142 = arith.muli %scan3A_140, %mul3A_141 : i32
      %add3A_143 = arith.constant 0 : i32
      %add3A_144 = arith.addi %add3A_143, %mul3A_142 : i32
      %mul3A_145 = arith.constant 10 : i32
      %mul3A_146 = arith.muli %add3A_144, %mul3A_145 : i32
      %add3A_147 = arith.addi %mul3A_128, %mul3A_146 : i32
      "tpu.region"() ({
        %run_scoped3A = tpu.sem_alloc : memref<!tpu.dma_semaphore, #tpu.memory_space<semaphore_mem>>
        %dma_start3A = arith.constant 0 : i32
        %dma_start3A_153 = arith.constant 0 : i32
        %dma_start3A_154 = tpu.memref_slice %arg3[%add3A_147, %dma_start3A, %dma_start3A_153] : memref<1600x1x512xi32, #tpu.memory_space<hbm>> -> memref<10x1x512xi32, #tpu.memory_space<hbm>>
        %dma_start3A_155 = arith.constant 0 : i32
        %dma_start3A_156 = arith.constant 0 : i32
        %dma_start3A_157 = tpu.memref_slice %arg3[%add3A_147, %dma_start3A_155, %dma_start3A_156] : memref<1600x1x512xi32, #tpu.memory_space<hbm>> -> memref<10x1x512xi32, #tpu.memory_space<hbm>>
        tpu.enqueue_dma source(%dma_start3A_157 : memref<10x1x512xi32, #tpu.memory_space<hbm>>) target(%arg10 : memref<10x1x512xi32, #tpu.memory_space<vmem>>) target_semaphore(%run_scoped3A : memref<!tpu.dma_semaphore, #tpu.memory_space<semaphore_mem>>)
        %dma_wait3A = arith.constant 0 : i32
        %dma_wait3A_158 = arith.constant 0 : i32
        %dma_wait3A_159 = tpu.memref_slice %arg3[%add3A_147, %dma_wait3A, %dma_wait3A_158] : memref<1600x1x512xi32, #tpu.memory_space<hbm>> -> memref<10x1x512xi32, #tpu.memory_space<hbm>>
        %dma_wait3A_160 = arith.constant 0 : i32
        %dma_wait3A_161 = arith.constant 0 : i32
        %dma_wait3A_162 = tpu.memref_slice %arg3[%add3A_147, %dma_wait3A_160, %dma_wait3A_161] : memref<1600x1x512xi32, #tpu.memory_space<hbm>> -> memref<10x1x512xi32, #tpu.memory_space<hbm>>
        tpu.wait_dma2 semaphore(%run_scoped3A : memref<!tpu.dma_semaphore, #tpu.memory_space<semaphore_mem>>) src(%dma_wait3A_162 : memref<10x1x512xi32, #tpu.memory_space<hbm>>) dst(%arg10 : memref<10x1x512xi32, #tpu.memory_space<vmem>>)
        tpu.yield
      }) : () -> ()
      "tpu.region"() ({
        %run_scoped3A = tpu.sem_alloc : memref<!tpu.dma_semaphore, #tpu.memory_space<semaphore_mem>>
        %dma_start3A = arith.constant 0 : i32
        %dma_start3A_153 = arith.constant 0 : i32
        %dma_start3A_154 = tpu.memref_slice %arg4[%add3A_147, %dma_start3A, %dma_start3A_153] : memref<1600x1x512xi32, #tpu.memory_space<hbm>> -> memref<10x1x512xi32, #tpu.memory_space<hbm>>
        %dma_start3A_155 = arith.constant 0 : i32
        %dma_start3A_156 = arith.constant 0 : i32
        %dma_start3A_157 = tpu.memref_slice %arg4[%add3A_147, %dma_start3A_155, %dma_start3A_156] : memref<1600x1x512xi32, #tpu.memory_space<hbm>> -> memref<10x1x512xi32, #tpu.memory_space<hbm>>
        tpu.enqueue_dma source(%dma_start3A_157 : memref<10x1x512xi32, #tpu.memory_space<hbm>>) target(%arg11 : memref<10x1x512xi32, #tpu.memory_space<vmem>>) target_semaphore(%run_scoped3A : memref<!tpu.dma_semaphore, #tpu.memory_space<semaphore_mem>>)
        %dma_wait3A = arith.constant 0 : i32
        %dma_wait3A_158 = arith.constant 0 : i32
        %dma_wait3A_159 = tpu.memref_slice %arg4[%add3A_147, %dma_wait3A, %dma_wait3A_158] : memref<1600x1x512xi32, #tpu.memory_space<hbm>> -> memref<10x1x512xi32, #tpu.memory_space<hbm>>
        %dma_wait3A_160 = arith.constant 0 : i32
        %dma_wait3A_161 = arith.constant 0 : i32
        %dma_wait3A_162 = tpu.memref_slice %arg4[%add3A_147, %dma_wait3A_160, %dma_wait3A_161] : memref<1600x1x512xi32, #tpu.memory_space<hbm>> -> memref<10x1x512xi32, #tpu.memory_space<hbm>>
        tpu.wait_dma2 semaphore(%run_scoped3A : memref<!tpu.dma_semaphore, #tpu.memory_space<semaphore_mem>>) src(%dma_wait3A_162 : memref<10x1x512xi32, #tpu.memory_space<hbm>>) dst(%arg11 : memref<10x1x512xi32, #tpu.memory_space<vmem>>)
        tpu.yield
      }) : () -> ()
      %scan3A_148 = arith.constant 0 : i32
      %scan3A_149 = arith.constant 2 : i32
      %scan3A_150 = arith.addi %scan3A_148, %scan3A_149 : i32
      %scan3A_151 = arith.constant 1 : i32
      scf.for %scan3A_153 = %scan3A_148 to %scan3A_150 step %scan3A_151  : i32 {
        %mul3A_154 = arith.constant 1 : i32
        %mul3A_155 = arith.muli %scan3A_153, %mul3A_154 : i32
        %add3A_156 = arith.constant 0 : i32
        %add3A_157 = arith.addi %add3A_156, %mul3A_155 : i32
        %mul3A_158 = arith.constant 5 : i32
        %mul3A_159 = arith.muli %add3A_157, %mul3A_158 : i32
        %add3A_160 = arith.constant 0 : i32
        %add3A_161 = arith.addi %mul3A_159, %add3A_160 : i32
        %dma_start3A = arith.constant 0 : i32
        %dma_start3A_162 = arith.constant 0 : i32
        %dma_start3A_163 = arith.constant 0 : i32
        %dma_start3A_164 = arith.constant 0 : i32
        %dma_start3A_165 = tpu.memref_slice %arg12[%dma_start3A, %dma_start3A_162, %dma_start3A_163, %dma_start3A_164] : memref<5x1x512x4xf32, #tpu.memory_space<vmem>> -> memref<1x1x512x4xf32, #tpu.memory_space<vmem>>
        %dma_start3A_166 = tpu.memref_squeeze %dma_start3A_165 : memref<1x1x512x4xf32, #tpu.memory_space<vmem>> -> memref<1x512x4xf32, #tpu.memory_space<vmem>>
        %dma_start3A_167 = arith.constant 0 : i32
        %dma_start3A_168 = arith.constant 0 : i32
        %dma_start3A_169 = tpu.memref_slice %arg10[%add3A_161, %dma_start3A_167, %dma_start3A_168] : memref<10x1x512xi32, #tpu.memory_space<vmem>> -> memref<1x1x512xi32, #tpu.memory_space<vmem>>
        %dma_start3A_170 = tpu.memref_squeeze %dma_start3A_169 : memref<1x1x512xi32, #tpu.memory_space<vmem>> -> memref<1x512xi32, #tpu.memory_space<vmem>>
        %dma_start3A_171 = arith.constant 0 : i32
        %dma_start3A_172 = arith.constant 0 : i32
        %dma_start3A_173 = arith.constant 0 : i32
        %dma_start3A_174 = tpu.memref_slice %arg5[%arg0, %dma_start3A_171, %dma_start3A_172, %dma_start3A_173] : memref<2x1x50176x4xf32, #tpu.memory_space<hbm>> -> memref<1x1x50176x4xf32, #tpu.memory_space<hbm>>
        %dma_start3A_175 = tpu.memref_squeeze %dma_start3A_174 : memref<1x1x50176x4xf32, #tpu.memory_space<hbm>> -> memref<1x50176x4xf32, #tpu.memory_space<hbm>>
        %dma_start3A_176 = arith.constant 0 : i32
        %dma_start3A_177 = arith.constant 0 : i32
        %dma_start3A_178 = arith.constant 0 : i32
        %dma_start3A_179 = tpu.memref_slice %dma_start3A_175[%dma_start3A_176, %dma_start3A_177, %dma_start3A_178] : memref<1x50176x4xf32, #tpu.memory_space<hbm>> -> memref<1x50176x4xf32, #tpu.memory_space<hbm>>
        tpu.enqueue_indirect_dma source(%dma_start3A_179 : memref<1x50176x4xf32, #tpu.memory_space<hbm>>) target(%dma_start3A_166 : memref<1x512x4xf32, #tpu.memory_space<vmem>>) offsets(%dma_start3A_170 : memref<1x512xi32, #tpu.memory_space<vmem>>) semaphore(%arg18 : memref<!tpu.dma_semaphore, #tpu.memory_space<semaphore_mem>>)
        %add3A_180 = arith.constant 1 : i32
        %add3A_181 = arith.addi %mul3A_159, %add3A_180 : i32
        %dma_start3A_182 = arith.constant 1 : i32
        %dma_start3A_183 = arith.constant 0 : i32
        %dma_start3A_184 = arith.constant 0 : i32
        %dma_start3A_185 = arith.constant 0 : i32
        %dma_start3A_186 = tpu.memref_slice %arg12[%dma_start3A_182, %dma_start3A_183, %dma_start3A_184, %dma_start3A_185] : memref<5x1x512x4xf32, #tpu.memory_space<vmem>> -> memref<1x1x512x4xf32, #tpu.memory_space<vmem>>
        %dma_start3A_187 = tpu.memref_squeeze %dma_start3A_186 : memref<1x1x512x4xf32, #tpu.memory_space<vmem>> -> memref<1x512x4xf32, #tpu.memory_space<vmem>>
        %dma_start3A_188 = arith.constant 0 : i32
        %dma_start3A_189 = arith.constant 0 : i32
        %dma_start3A_190 = tpu.memref_slice %arg10[%add3A_181, %dma_start3A_188, %dma_start3A_189] : memref<10x1x512xi32, #tpu.memory_space<vmem>> -> memref<1x1x512xi32, #tpu.memory_space<vmem>>
        %dma_start3A_191 = tpu.memref_squeeze %dma_start3A_190 : memref<1x1x512xi32, #tpu.memory_space<vmem>> -> memref<1x512xi32, #tpu.memory_space<vmem>>
        %dma_start3A_192 = arith.constant 0 : i32
        %dma_start3A_193 = arith.constant 0 : i32
        %dma_start3A_194 = arith.constant 0 : i32
        %dma_start3A_195 = tpu.memref_slice %arg5[%arg0, %dma_start3A_192, %dma_start3A_193, %dma_start3A_194] : memref<2x1x50176x4xf32, #tpu.memory_space<hbm>> -> memref<1x1x50176x4xf32, #tpu.memory_space<hbm>>
        %dma_start3A_196 = tpu.memref_squeeze %dma_start3A_195 : memref<1x1x50176x4xf32, #tpu.memory_space<hbm>> -> memref<1x50176x4xf32, #tpu.memory_space<hbm>>
        %dma_start3A_197 = arith.constant 0 : i32
        %dma_start3A_198 = arith.constant 0 : i32
        %dma_start3A_199 = arith.constant 0 : i32
        %dma_start3A_200 = tpu.memref_slice %dma_start3A_196[%dma_start3A_197, %dma_start3A_198, %dma_start3A_199] : memref<1x50176x4xf32, #tpu.memory_space<hbm>> -> memref<1x50176x4xf32, #tpu.memory_space<hbm>>
        tpu.enqueue_indirect_dma source(%dma_start3A_200 : memref<1x50176x4xf32, #tpu.memory_space<hbm>>) target(%dma_start3A_187 : memref<1x512x4xf32, #tpu.memory_space<vmem>>) offsets(%dma_start3A_191 : memref<1x512xi32, #tpu.memory_space<vmem>>) semaphore(%arg18 : memref<!tpu.dma_semaphore, #tpu.memory_space<semaphore_mem>>)
        %add3A_201 = arith.constant 2 : i32
        %add3A_202 = arith.addi %mul3A_159, %add3A_201 : i32
        %dma_start3A_203 = arith.constant 2 : i32
        %dma_start3A_204 = arith.constant 0 : i32
        %dma_start3A_205 = arith.constant 0 : i32
        %dma_start3A_206 = arith.constant 0 : i32
        %dma_start3A_207 = tpu.memref_slice %arg12[%dma_start3A_203, %dma_start3A_204, %dma_start3A_205, %dma_start3A_206] : memref<5x1x512x4xf32, #tpu.memory_space<vmem>> -> memref<1x1x512x4xf32, #tpu.memory_space<vmem>>
        %dma_start3A_208 = tpu.memref_squeeze %dma_start3A_207 : memref<1x1x512x4xf32, #tpu.memory_space<vmem>> -> memref<1x512x4xf32, #tpu.memory_space<vmem>>
        %dma_start3A_209 = arith.constant 0 : i32
        %dma_start3A_210 = arith.constant 0 : i32
        %dma_start3A_211 = tpu.memref_slice %arg10[%add3A_202, %dma_start3A_209, %dma_start3A_210] : memref<10x1x512xi32, #tpu.memory_space<vmem>> -> memref<1x1x512xi32, #tpu.memory_space<vmem>>
        %dma_start3A_212 = tpu.memref_squeeze %dma_start3A_211 : memref<1x1x512xi32, #tpu.memory_space<vmem>> -> memref<1x512xi32, #tpu.memory_space<vmem>>
        %dma_start3A_213 = arith.constant 0 : i32
        %dma_start3A_214 = arith.constant 0 : i32
        %dma_start3A_215 = arith.constant 0 : i32
        %dma_start3A_216 = tpu.memref_slice %arg5[%arg0, %dma_start3A_213, %dma_start3A_214, %dma_start3A_215] : memref<2x1x50176x4xf32, #tpu.memory_space<hbm>> -> memref<1x1x50176x4xf32, #tpu.memory_space<hbm>>
        %dma_start3A_217 = tpu.memref_squeeze %dma_start3A_216 : memref<1x1x50176x4xf32, #tpu.memory_space<hbm>> -> memref<1x50176x4xf32, #tpu.memory_space<hbm>>
        %dma_start3A_218 = arith.constant 0 : i32
        %dma_start3A_219 = arith.constant 0 : i32
        %dma_start3A_220 = arith.constant 0 : i32
        %dma_start3A_221 = tpu.memref_slice %dma_start3A_217[%dma_start3A_218, %dma_start3A_219, %dma_start3A_220] : memref<1x50176x4xf32, #tpu.memory_space<hbm>> -> memref<1x50176x4xf32, #tpu.memory_space<hbm>>
        tpu.enqueue_indirect_dma source(%dma_start3A_221 : memref<1x50176x4xf32, #tpu.memory_space<hbm>>) target(%dma_start3A_208 : memref<1x512x4xf32, #tpu.memory_space<vmem>>) offsets(%dma_start3A_212 : memref<1x512xi32, #tpu.memory_space<vmem>>) semaphore(%arg18 : memref<!tpu.dma_semaphore, #tpu.memory_space<semaphore_mem>>)
        %add3A_222 = arith.constant 3 : i32
        %add3A_223 = arith.addi %mul3A_159, %add3A_222 : i32
        %dma_start3A_224 = arith.constant 3 : i32
        %dma_start3A_225 = arith.constant 0 : i32
        %dma_start3A_226 = arith.constant 0 : i32
        %dma_start3A_227 = arith.constant 0 : i32
        %dma_start3A_228 = tpu.memref_slice %arg12[%dma_start3A_224, %dma_start3A_225, %dma_start3A_226, %dma_start3A_227] : memref<5x1x512x4xf32, #tpu.memory_space<vmem>> -> memref<1x1x512x4xf32, #tpu.memory_space<vmem>>
        %dma_start3A_229 = tpu.memref_squeeze %dma_start3A_228 : memref<1x1x512x4xf32, #tpu.memory_space<vmem>> -> memref<1x512x4xf32, #tpu.memory_space<vmem>>
        %dma_start3A_230 = arith.constant 0 : i32
        %dma_start3A_231 = arith.constant 0 : i32
        %dma_start3A_232 = tpu.memref_slice %arg10[%add3A_223, %dma_start3A_230, %dma_start3A_231] : memref<10x1x512xi32, #tpu.memory_space<vmem>> -> memref<1x1x512xi32, #tpu.memory_space<vmem>>
        %dma_start3A_233 = tpu.memref_squeeze %dma_start3A_232 : memref<1x1x512xi32, #tpu.memory_space<vmem>> -> memref<1x512xi32, #tpu.memory_space<vmem>>
        %dma_start3A_234 = arith.constant 0 : i32
        %dma_start3A_235 = arith.constant 0 : i32
        %dma_start3A_236 = arith.constant 0 : i32
        %dma_start3A_237 = tpu.memref_slice %arg5[%arg0, %dma_start3A_234, %dma_start3A_235, %dma_start3A_236] : memref<2x1x50176x4xf32, #tpu.memory_space<hbm>> -> memref<1x1x50176x4xf32, #tpu.memory_space<hbm>>
        %dma_start3A_238 = tpu.memref_squeeze %dma_start3A_237 : memref<1x1x50176x4xf32, #tpu.memory_space<hbm>> -> memref<1x50176x4xf32, #tpu.memory_space<hbm>>
        %dma_start3A_239 = arith.constant 0 : i32
        %dma_start3A_240 = arith.constant 0 : i32
        %dma_start3A_241 = arith.constant 0 : i32
        %dma_start3A_242 = tpu.memref_slice %dma_start3A_238[%dma_start3A_239, %dma_start3A_240, %dma_start3A_241] : memref<1x50176x4xf32, #tpu.memory_space<hbm>> -> memref<1x50176x4xf32, #tpu.memory_space<hbm>>
        tpu.enqueue_indirect_dma source(%dma_start3A_242 : memref<1x50176x4xf32, #tpu.memory_space<hbm>>) target(%dma_start3A_229 : memref<1x512x4xf32, #tpu.memory_space<vmem>>) offsets(%dma_start3A_233 : memref<1x512xi32, #tpu.memory_space<vmem>>) semaphore(%arg18 : memref<!tpu.dma_semaphore, #tpu.memory_space<semaphore_mem>>)
        %add3A_243 = arith.constant 4 : i32
        %add3A_244 = arith.addi %mul3A_159, %add3A_243 : i32
        %dma_start3A_245 = arith.constant 4 : i32
        %dma_start3A_246 = arith.constant 0 : i32
        %dma_start3A_247 = arith.constant 0 : i32
        %dma_start3A_248 = arith.constant 0 : i32
        %dma_start3A_249 = tpu.memref_slice %arg12[%dma_start3A_245, %dma_start3A_246, %dma_start3A_247, %dma_start3A_248] : memref<5x1x512x4xf32, #tpu.memory_space<vmem>> -> memref<1x1x512x4xf32, #tpu.memory_space<vmem>>
        %dma_start3A_250 = tpu.memref_squeeze %dma_start3A_249 : memref<1x1x512x4xf32, #tpu.memory_space<vmem>> -> memref<1x512x4xf32, #tpu.memory_space<vmem>>
        %dma_start3A_251 = arith.constant 0 : i32
        %dma_start3A_252 = arith.constant 0 : i32
        %dma_start3A_253 = tpu.memref_slice %arg10[%add3A_244, %dma_start3A_251, %dma_start3A_252] : memref<10x1x512xi32, #tpu.memory_space<vmem>> -> memref<1x1x512xi32, #tpu.memory_space<vmem>>
        %dma_start3A_254 = tpu.memref_squeeze %dma_start3A_253 : memref<1x1x512xi32, #tpu.memory_space<vmem>> -> memref<1x512xi32, #tpu.memory_space<vmem>>
        %dma_start3A_255 = arith.constant 0 : i32
        %dma_start3A_256 = arith.constant 0 : i32
        %dma_start3A_257 = arith.constant 0 : i32
        %dma_start3A_258 = tpu.memref_slice %arg5[%arg0, %dma_start3A_255, %dma_start3A_256, %dma_start3A_257] : memref<2x1x50176x4xf32, #tpu.memory_space<hbm>> -> memref<1x1x50176x4xf32, #tpu.memory_space<hbm>>
        %dma_start3A_259 = tpu.memref_squeeze %dma_start3A_258 : memref<1x1x50176x4xf32, #tpu.memory_space<hbm>> -> memref<1x50176x4xf32, #tpu.memory_space<hbm>>
        %dma_start3A_260 = arith.constant 0 : i32
        %dma_start3A_261 = arith.constant 0 : i32
        %dma_start3A_262 = arith.constant 0 : i32
        %dma_start3A_263 = tpu.memref_slice %dma_start3A_259[%dma_start3A_260, %dma_start3A_261, %dma_start3A_262] : memref<1x50176x4xf32, #tpu.memory_space<hbm>> -> memref<1x50176x4xf32, #tpu.memory_space<hbm>>
        tpu.enqueue_indirect_dma source(%dma_start3A_263 : memref<1x50176x4xf32, #tpu.memory_space<hbm>>) target(%dma_start3A_250 : memref<1x512x4xf32, #tpu.memory_space<vmem>>) offsets(%dma_start3A_254 : memref<1x512xi32, #tpu.memory_space<vmem>>) semaphore(%arg18 : memref<!tpu.dma_semaphore, #tpu.memory_space<semaphore_mem>>)
        %dma_wait3A = arith.constant 0 : i32
        %dma_wait3A_264 = arith.constant 0 : i32
        %dma_wait3A_265 = arith.constant 0 : i32
        %dma_wait3A_266 = arith.constant 0 : i32
        %dma_wait3A_267 = tpu.memref_slice %arg12[%dma_wait3A, %dma_wait3A_264, %dma_wait3A_265, %dma_wait3A_266] : memref<5x1x512x4xf32, #tpu.memory_space<vmem>> -> memref<1x1x512x4xf32, #tpu.memory_space<vmem>>
        %dma_wait3A_268 = tpu.memref_squeeze %dma_wait3A_267 : memref<1x1x512x4xf32, #tpu.memory_space<vmem>> -> memref<1x512x4xf32, #tpu.memory_space<vmem>>
        %dma_wait3A_269 = arith.constant 0 : i32
        %dma_wait3A_270 = arith.constant 0 : i32
        %dma_wait3A_271 = tpu.memref_slice %arg10[%add3A_161, %dma_wait3A_269, %dma_wait3A_270] : memref<10x1x512xi32, #tpu.memory_space<vmem>> -> memref<1x1x512xi32, #tpu.memory_space<vmem>>
        %dma_wait3A_272 = tpu.memref_squeeze %dma_wait3A_271 : memref<1x1x512xi32, #tpu.memory_space<vmem>> -> memref<1x512xi32, #tpu.memory_space<vmem>>
        %dma_wait3A_273 = arith.constant 0 : i32
        %dma_wait3A_274 = arith.constant 0 : i32
        %dma_wait3A_275 = arith.constant 0 : i32
        %dma_wait3A_276 = tpu.memref_slice %arg5[%arg0, %dma_wait3A_273, %dma_wait3A_274, %dma_wait3A_275] : memref<2x1x50176x4xf32, #tpu.memory_space<hbm>> -> memref<1x1x50176x4xf32, #tpu.memory_space<hbm>>
        %dma_wait3A_277 = tpu.memref_squeeze %dma_wait3A_276 : memref<1x1x50176x4xf32, #tpu.memory_space<hbm>> -> memref<1x50176x4xf32, #tpu.memory_space<hbm>>
        %dma_wait3A_278 = arith.constant 0 : i32
        %dma_wait3A_279 = arith.constant 0 : i32
        %dma_wait3A_280 = arith.constant 0 : i32
        %dma_wait3A_281 = tpu.memref_slice %dma_wait3A_277[%dma_wait3A_278, %dma_wait3A_279, %dma_wait3A_280] : memref<1x50176x4xf32, #tpu.memory_space<hbm>> -> memref<1x50176x4xf32, #tpu.memory_space<hbm>>
        tpu.wait_indirect_dma semaphore(%arg18 : memref<!tpu.dma_semaphore, #tpu.memory_space<semaphore_mem>>) src(%dma_wait3A_281 : memref<1x50176x4xf32, #tpu.memory_space<hbm>>) dst(%dma_wait3A_268 : memref<1x512x4xf32, #tpu.memory_space<vmem>>)
        %add3A_282 = arith.constant 0 : i32
        %add3A_283 = arith.addi %mul3A_159, %add3A_282 : i32
        %dma_start3A_284 = arith.constant 0 : i32
        %dma_start3A_285 = arith.constant 0 : i32
        %dma_start3A_286 = arith.constant 0 : i32
        %dma_start3A_287 = arith.constant 0 : i32
        %dma_start3A_288 = tpu.memref_slice %arg12[%dma_start3A_284, %dma_start3A_285, %dma_start3A_286, %dma_start3A_287] : memref<5x1x512x4xf32, #tpu.memory_space<vmem>> -> memref<1x1x512x4xf32, #tpu.memory_space<vmem>>
        %dma_start3A_289 = tpu.memref_squeeze %dma_start3A_288 : memref<1x1x512x4xf32, #tpu.memory_space<vmem>> -> memref<1x512x4xf32, #tpu.memory_space<vmem>>
        %dma_start3A_290 = arith.constant 0 : i32
        %dma_start3A_291 = arith.constant 0 : i32
        %dma_start3A_292 = tpu.memref_slice %arg11[%add3A_283, %dma_start3A_290, %dma_start3A_291] : memref<10x1x512xi32, #tpu.memory_space<vmem>> -> memref<1x1x512xi32, #tpu.memory_space<vmem>>
        %dma_start3A_293 = tpu.memref_squeeze %dma_start3A_292 : memref<1x1x512xi32, #tpu.memory_space<vmem>> -> memref<1x512xi32, #tpu.memory_space<vmem>>
        %dma_start3A_294 = arith.constant 0 : i32
        %dma_start3A_295 = arith.constant 0 : i32
        %dma_start3A_296 = arith.constant 0 : i32
        %dma_start3A_297 = tpu.memref_slice %arg17[%dma_start3A_294, %dma_start3A_295, %dma_start3A_296] : memref<1x50176x4xf32, #tpu.memory_space<vmem_shared>> -> memref<1x50176x4xf32, #tpu.memory_space<vmem_shared>>
        tpu.enqueue_indirect_dma source(%dma_start3A_289 : memref<1x512x4xf32, #tpu.memory_space<vmem>>) target(%dma_start3A_297 : memref<1x50176x4xf32, #tpu.memory_space<vmem_shared>>) offsets(%dma_start3A_293 : memref<1x512xi32, #tpu.memory_space<vmem>>) semaphore(%arg19 : memref<!tpu.dma_semaphore, #tpu.memory_space<semaphore_mem>>) {add = true}
        %dma_wait3A_298 = arith.constant 1 : i32
        %dma_wait3A_299 = arith.constant 0 : i32
        %dma_wait3A_300 = arith.constant 0 : i32
        %dma_wait3A_301 = arith.constant 0 : i32
        %dma_wait3A_302 = tpu.memref_slice %arg12[%dma_wait3A_298, %dma_wait3A_299, %dma_wait3A_300, %dma_wait3A_301] : memref<5x1x512x4xf32, #tpu.memory_space<vmem>> -> memref<1x1x512x4xf32, #tpu.memory_space<vmem>>
        %dma_wait3A_303 = tpu.memref_squeeze %dma_wait3A_302 : memref<1x1x512x4xf32, #tpu.memory_space<vmem>> -> memref<1x512x4xf32, #tpu.memory_space<vmem>>
        %dma_wait3A_304 = arith.constant 0 : i32
        %dma_wait3A_305 = arith.constant 0 : i32
        %dma_wait3A_306 = tpu.memref_slice %arg10[%add3A_181, %dma_wait3A_304, %dma_wait3A_305] : memref<10x1x512xi32, #tpu.memory_space<vmem>> -> memref<1x1x512xi32, #tpu.memory_space<vmem>>
        %dma_wait3A_307 = tpu.memref_squeeze %dma_wait3A_306 : memref<1x1x512xi32, #tpu.memory_space<vmem>> -> memref<1x512xi32, #tpu.memory_space<vmem>>
        %dma_wait3A_308 = arith.constant 0 : i32
        %dma_wait3A_309 = arith.constant 0 : i32
        %dma_wait3A_310 = arith.constant 0 : i32
        %dma_wait3A_311 = tpu.memref_slice %arg5[%arg0, %dma_wait3A_308, %dma_wait3A_309, %dma_wait3A_310] : memref<2x1x50176x4xf32, #tpu.memory_space<hbm>> -> memref<1x1x50176x4xf32, #tpu.memory_space<hbm>>
        %dma_wait3A_312 = tpu.memref_squeeze %dma_wait3A_311 : memref<1x1x50176x4xf32, #tpu.memory_space<hbm>> -> memref<1x50176x4xf32, #tpu.memory_space<hbm>>
        %dma_wait3A_313 = arith.constant 0 : i32
        %dma_wait3A_314 = arith.constant 0 : i32
        %dma_wait3A_315 = arith.constant 0 : i32
        %dma_wait3A_316 = tpu.memref_slice %dma_wait3A_312[%dma_wait3A_313, %dma_wait3A_314, %dma_wait3A_315] : memref<1x50176x4xf32, #tpu.memory_space<hbm>> -> memref<1x50176x4xf32, #tpu.memory_space<hbm>>
        tpu.wait_indirect_dma semaphore(%arg18 : memref<!tpu.dma_semaphore, #tpu.memory_space<semaphore_mem>>) src(%dma_wait3A_316 : memref<1x50176x4xf32, #tpu.memory_space<hbm>>) dst(%dma_wait3A_303 : memref<1x512x4xf32, #tpu.memory_space<vmem>>)
        %add3A_317 = arith.constant 1 : i32
        %add3A_318 = arith.addi %mul3A_159, %add3A_317 : i32
        %dma_start3A_319 = arith.constant 1 : i32
        %dma_start3A_320 = arith.constant 0 : i32
        %dma_start3A_321 = arith.constant 0 : i32
        %dma_start3A_322 = arith.constant 0 : i32
        %dma_start3A_323 = tpu.memref_slice %arg12[%dma_start3A_319, %dma_start3A_320, %dma_start3A_321, %dma_start3A_322] : memref<5x1x512x4xf32, #tpu.memory_space<vmem>> -> memref<1x1x512x4xf32, #tpu.memory_space<vmem>>
        %dma_start3A_324 = tpu.memref_squeeze %dma_start3A_323 : memref<1x1x512x4xf32, #tpu.memory_space<vmem>> -> memref<1x512x4xf32, #tpu.memory_space<vmem>>
        %dma_start3A_325 = arith.constant 0 : i32
        %dma_start3A_326 = arith.constant 0 : i32
        %dma_start3A_327 = tpu.memref_slice %arg11[%add3A_318, %dma_start3A_325, %dma_start3A_326] : memref<10x1x512xi32, #tpu.memory_space<vmem>> -> memref<1x1x512xi32, #tpu.memory_space<vmem>>
        %dma_start3A_328 = tpu.memref_squeeze %dma_start3A_327 : memref<1x1x512xi32, #tpu.memory_space<vmem>> -> memref<1x512xi32, #tpu.memory_space<vmem>>
        %dma_start3A_329 = arith.constant 0 : i32
        %dma_start3A_330 = arith.constant 0 : i32
        %dma_start3A_331 = arith.constant 0 : i32
        %dma_start3A_332 = tpu.memref_slice %arg17[%dma_start3A_329, %dma_start3A_330, %dma_start3A_331] : memref<1x50176x4xf32, #tpu.memory_space<vmem_shared>> -> memref<1x50176x4xf32, #tpu.memory_space<vmem_shared>>
        tpu.enqueue_indirect_dma source(%dma_start3A_324 : memref<1x512x4xf32, #tpu.memory_space<vmem>>) target(%dma_start3A_332 : memref<1x50176x4xf32, #tpu.memory_space<vmem_shared>>) offsets(%dma_start3A_328 : memref<1x512xi32, #tpu.memory_space<vmem>>) semaphore(%arg19 : memref<!tpu.dma_semaphore, #tpu.memory_space<semaphore_mem>>) {add = true}
        %dma_wait3A_333 = arith.constant 2 : i32
        %dma_wait3A_334 = arith.constant 0 : i32
        %dma_wait3A_335 = arith.constant 0 : i32
        %dma_wait3A_336 = arith.constant 0 : i32
        %dma_wait3A_337 = tpu.memref_slice %arg12[%dma_wait3A_333, %dma_wait3A_334, %dma_wait3A_335, %dma_wait3A_336] : memref<5x1x512x4xf32, #tpu.memory_space<vmem>> -> memref<1x1x512x4xf32, #tpu.memory_space<vmem>>
        %dma_wait3A_338 = tpu.memref_squeeze %dma_wait3A_337 : memref<1x1x512x4xf32, #tpu.memory_space<vmem>> -> memref<1x512x4xf32, #tpu.memory_space<vmem>>
        %dma_wait3A_339 = arith.constant 0 : i32
        %dma_wait3A_340 = arith.constant 0 : i32
        %dma_wait3A_341 = tpu.memref_slice %arg10[%add3A_202, %dma_wait3A_339, %dma_wait3A_340] : memref<10x1x512xi32, #tpu.memory_space<vmem>> -> memref<1x1x512xi32, #tpu.memory_space<vmem>>
        %dma_wait3A_342 = tpu.memref_squeeze %dma_wait3A_341 : memref<1x1x512xi32, #tpu.memory_space<vmem>> -> memref<1x512xi32, #tpu.memory_space<vmem>>
        %dma_wait3A_343 = arith.constant 0 : i32
        %dma_wait3A_344 = arith.constant 0 : i32
        %dma_wait3A_345 = arith.constant 0 : i32
        %dma_wait3A_346 = tpu.memref_slice %arg5[%arg0, %dma_wait3A_343, %dma_wait3A_344, %dma_wait3A_345] : memref<2x1x50176x4xf32, #tpu.memory_space<hbm>> -> memref<1x1x50176x4xf32, #tpu.memory_space<hbm>>
        %dma_wait3A_347 = tpu.memref_squeeze %dma_wait3A_346 : memref<1x1x50176x4xf32, #tpu.memory_space<hbm>> -> memref<1x50176x4xf32, #tpu.memory_space<hbm>>
        %dma_wait3A_348 = arith.constant 0 : i32
        %dma_wait3A_349 = arith.constant 0 : i32
        %dma_wait3A_350 = arith.constant 0 : i32
        %dma_wait3A_351 = tpu.memref_slice %dma_wait3A_347[%dma_wait3A_348, %dma_wait3A_349, %dma_wait3A_350] : memref<1x50176x4xf32, #tpu.memory_space<hbm>> -> memref<1x50176x4xf32, #tpu.memory_space<hbm>>
        tpu.wait_indirect_dma semaphore(%arg18 : memref<!tpu.dma_semaphore, #tpu.memory_space<semaphore_mem>>) src(%dma_wait3A_351 : memref<1x50176x4xf32, #tpu.memory_space<hbm>>) dst(%dma_wait3A_338 : memref<1x512x4xf32, #tpu.memory_space<vmem>>)
        %add3A_352 = arith.constant 2 : i32
        %add3A_353 = arith.addi %mul3A_159, %add3A_352 : i32
        %dma_start3A_354 = arith.constant 2 : i32
        %dma_start3A_355 = arith.constant 0 : i32
        %dma_start3A_356 = arith.constant 0 : i32
        %dma_start3A_357 = arith.constant 0 : i32
        %dma_start3A_358 = tpu.memref_slice %arg12[%dma_start3A_354, %dma_start3A_355, %dma_start3A_356, %dma_start3A_357] : memref<5x1x512x4xf32, #tpu.memory_space<vmem>> -> memref<1x1x512x4xf32, #tpu.memory_space<vmem>>
        %dma_start3A_359 = tpu.memref_squeeze %dma_start3A_358 : memref<1x1x512x4xf32, #tpu.memory_space<vmem>> -> memref<1x512x4xf32, #tpu.memory_space<vmem>>
        %dma_start3A_360 = arith.constant 0 : i32
        %dma_start3A_361 = arith.constant 0 : i32
        %dma_start3A_362 = tpu.memref_slice %arg11[%add3A_353, %dma_start3A_360, %dma_start3A_361] : memref<10x1x512xi32, #tpu.memory_space<vmem>> -> memref<1x1x512xi32, #tpu.memory_space<vmem>>
        %dma_start3A_363 = tpu.memref_squeeze %dma_start3A_362 : memref<1x1x512xi32, #tpu.memory_space<vmem>> -> memref<1x512xi32, #tpu.memory_space<vmem>>
        %dma_start3A_364 = arith.constant 0 : i32
        %dma_start3A_365 = arith.constant 0 : i32
        %dma_start3A_366 = arith.constant 0 : i32
        %dma_start3A_367 = tpu.memref_slice %arg17[%dma_start3A_364, %dma_start3A_365, %dma_start3A_366] : memref<1x50176x4xf32, #tpu.memory_space<vmem_shared>> -> memref<1x50176x4xf32, #tpu.memory_space<vmem_shared>>
        tpu.enqueue_indirect_dma source(%dma_start3A_359 : memref<1x512x4xf32, #tpu.memory_space<vmem>>) target(%dma_start3A_367 : memref<1x50176x4xf32, #tpu.memory_space<vmem_shared>>) offsets(%dma_start3A_363 : memref<1x512xi32, #tpu.memory_space<vmem>>) semaphore(%arg19 : memref<!tpu.dma_semaphore, #tpu.memory_space<semaphore_mem>>) {add = true}
        %dma_wait3A_368 = arith.constant 3 : i32
        %dma_wait3A_369 = arith.constant 0 : i32
        %dma_wait3A_370 = arith.constant 0 : i32
        %dma_wait3A_371 = arith.constant 0 : i32
        %dma_wait3A_372 = tpu.memref_slice %arg12[%dma_wait3A_368, %dma_wait3A_369, %dma_wait3A_370, %dma_wait3A_371] : memref<5x1x512x4xf32, #tpu.memory_space<vmem>> -> memref<1x1x512x4xf32, #tpu.memory_space<vmem>>
        %dma_wait3A_373 = tpu.memref_squeeze %dma_wait3A_372 : memref<1x1x512x4xf32, #tpu.memory_space<vmem>> -> memref<1x512x4xf32, #tpu.memory_space<vmem>>
        %dma_wait3A_374 = arith.constant 0 : i32
        %dma_wait3A_375 = arith.constant 0 : i32
        %dma_wait3A_376 = tpu.memref_slice %arg10[%add3A_223, %dma_wait3A_374, %dma_wait3A_375] : memref<10x1x512xi32, #tpu.memory_space<vmem>> -> memref<1x1x512xi32, #tpu.memory_space<vmem>>
        %dma_wait3A_377 = tpu.memref_squeeze %dma_wait3A_376 : memref<1x1x512xi32, #tpu.memory_space<vmem>> -> memref<1x512xi32, #tpu.memory_space<vmem>>
        %dma_wait3A_378 = arith.constant 0 : i32
        %dma_wait3A_379 = arith.constant 0 : i32
        %dma_wait3A_380 = arith.constant 0 : i32
        %dma_wait3A_381 = tpu.memref_slice %arg5[%arg0, %dma_wait3A_378, %dma_wait3A_379, %dma_wait3A_380] : memref<2x1x50176x4xf32, #tpu.memory_space<hbm>> -> memref<1x1x50176x4xf32, #tpu.memory_space<hbm>>
        %dma_wait3A_382 = tpu.memref_squeeze %dma_wait3A_381 : memref<1x1x50176x4xf32, #tpu.memory_space<hbm>> -> memref<1x50176x4xf32, #tpu.memory_space<hbm>>
        %dma_wait3A_383 = arith.constant 0 : i32
        %dma_wait3A_384 = arith.constant 0 : i32
        %dma_wait3A_385 = arith.constant 0 : i32
        %dma_wait3A_386 = tpu.memref_slice %dma_wait3A_382[%dma_wait3A_383, %dma_wait3A_384, %dma_wait3A_385] : memref<1x50176x4xf32, #tpu.memory_space<hbm>> -> memref<1x50176x4xf32, #tpu.memory_space<hbm>>
        tpu.wait_indirect_dma semaphore(%arg18 : memref<!tpu.dma_semaphore, #tpu.memory_space<semaphore_mem>>) src(%dma_wait3A_386 : memref<1x50176x4xf32, #tpu.memory_space<hbm>>) dst(%dma_wait3A_373 : memref<1x512x4xf32, #tpu.memory_space<vmem>>)
        %add3A_387 = arith.constant 3 : i32
        %add3A_388 = arith.addi %mul3A_159, %add3A_387 : i32
        %dma_start3A_389 = arith.constant 3 : i32
        %dma_start3A_390 = arith.constant 0 : i32
        %dma_start3A_391 = arith.constant 0 : i32
        %dma_start3A_392 = arith.constant 0 : i32
        %dma_start3A_393 = tpu.memref_slice %arg12[%dma_start3A_389, %dma_start3A_390, %dma_start3A_391, %dma_start3A_392] : memref<5x1x512x4xf32, #tpu.memory_space<vmem>> -> memref<1x1x512x4xf32, #tpu.memory_space<vmem>>
        %dma_start3A_394 = tpu.memref_squeeze %dma_start3A_393 : memref<1x1x512x4xf32, #tpu.memory_space<vmem>> -> memref<1x512x4xf32, #tpu.memory_space<vmem>>
        %dma_start3A_395 = arith.constant 0 : i32
        %dma_start3A_396 = arith.constant 0 : i32
        %dma_start3A_397 = tpu.memref_slice %arg11[%add3A_388, %dma_start3A_395, %dma_start3A_396] : memref<10x1x512xi32, #tpu.memory_space<vmem>> -> memref<1x1x512xi32, #tpu.memory_space<vmem>>
        %dma_start3A_398 = tpu.memref_squeeze %dma_start3A_397 : memref<1x1x512xi32, #tpu.memory_space<vmem>> -> memref<1x512xi32, #tpu.memory_space<vmem>>
        %dma_start3A_399 = arith.constant 0 : i32
        %dma_start3A_400 = arith.constant 0 : i32
        %dma_start3A_401 = arith.constant 0 : i32
        %dma_start3A_402 = tpu.memref_slice %arg17[%dma_start3A_399, %dma_start3A_400, %dma_start3A_401] : memref<1x50176x4xf32, #tpu.memory_space<vmem_shared>> -> memref<1x50176x4xf32, #tpu.memory_space<vmem_shared>>
        tpu.enqueue_indirect_dma source(%dma_start3A_394 : memref<1x512x4xf32, #tpu.memory_space<vmem>>) target(%dma_start3A_402 : memref<1x50176x4xf32, #tpu.memory_space<vmem_shared>>) offsets(%dma_start3A_398 : memref<1x512xi32, #tpu.memory_space<vmem>>) semaphore(%arg19 : memref<!tpu.dma_semaphore, #tpu.memory_space<semaphore_mem>>) {add = true}
        %dma_wait3A_403 = arith.constant 4 : i32
        %dma_wait3A_404 = arith.constant 0 : i32
        %dma_wait3A_405 = arith.constant 0 : i32
        %dma_wait3A_406 = arith.constant 0 : i32
        %dma_wait3A_407 = tpu.memref_slice %arg12[%dma_wait3A_403, %dma_wait3A_404, %dma_wait3A_405, %dma_wait3A_406] : memref<5x1x512x4xf32, #tpu.memory_space<vmem>> -> memref<1x1x512x4xf32, #tpu.memory_space<vmem>>
        %dma_wait3A_408 = tpu.memref_squeeze %dma_wait3A_407 : memref<1x1x512x4xf32, #tpu.memory_space<vmem>> -> memref<1x512x4xf32, #tpu.memory_space<vmem>>
        %dma_wait3A_409 = arith.constant 0 : i32
        %dma_wait3A_410 = arith.constant 0 : i32
        %dma_wait3A_411 = tpu.memref_slice %arg10[%add3A_244, %dma_wait3A_409, %dma_wait3A_410] : memref<10x1x512xi32, #tpu.memory_space<vmem>> -> memref<1x1x512xi32, #tpu.memory_space<vmem>>
        %dma_wait3A_412 = tpu.memref_squeeze %dma_wait3A_411 : memref<1x1x512xi32, #tpu.memory_space<vmem>> -> memref<1x512xi32, #tpu.memory_space<vmem>>
        %dma_wait3A_413 = arith.constant 0 : i32
        %dma_wait3A_414 = arith.constant 0 : i32
        %dma_wait3A_415 = arith.constant 0 : i32
        %dma_wait3A_416 = tpu.memref_slice %arg5[%arg0, %dma_wait3A_413, %dma_wait3A_414, %dma_wait3A_415] : memref<2x1x50176x4xf32, #tpu.memory_space<hbm>> -> memref<1x1x50176x4xf32, #tpu.memory_space<hbm>>
        %dma_wait3A_417 = tpu.memref_squeeze %dma_wait3A_416 : memref<1x1x50176x4xf32, #tpu.memory_space<hbm>> -> memref<1x50176x4xf32, #tpu.memory_space<hbm>>
        %dma_wait3A_418 = arith.constant 0 : i32
        %dma_wait3A_419 = arith.constant 0 : i32
        %dma_wait3A_420 = arith.constant 0 : i32
        %dma_wait3A_421 = tpu.memref_slice %dma_wait3A_417[%dma_wait3A_418, %dma_wait3A_419, %dma_wait3A_420] : memref<1x50176x4xf32, #tpu.memory_space<hbm>> -> memref<1x50176x4xf32, #tpu.memory_space<hbm>>
        tpu.wait_indirect_dma semaphore(%arg18 : memref<!tpu.dma_semaphore, #tpu.memory_space<semaphore_mem>>) src(%dma_wait3A_421 : memref<1x50176x4xf32, #tpu.memory_space<hbm>>) dst(%dma_wait3A_408 : memref<1x512x4xf32, #tpu.memory_space<vmem>>)
        %add3A_422 = arith.constant 4 : i32
        %add3A_423 = arith.addi %mul3A_159, %add3A_422 : i32
        %dma_start3A_424 = arith.constant 4 : i32
        %dma_start3A_425 = arith.constant 0 : i32
        %dma_start3A_426 = arith.constant 0 : i32
        %dma_start3A_427 = arith.constant 0 : i32
        %dma_start3A_428 = tpu.memref_slice %arg12[%dma_start3A_424, %dma_start3A_425, %dma_start3A_426, %dma_start3A_427] : memref<5x1x512x4xf32, #tpu.memory_space<vmem>> -> memref<1x1x512x4xf32, #tpu.memory_space<vmem>>
        %dma_start3A_429 = tpu.memref_squeeze %dma_start3A_428 : memref<1x1x512x4xf32, #tpu.memory_space<vmem>> -> memref<1x512x4xf32, #tpu.memory_space<vmem>>
        %dma_start3A_430 = arith.constant 0 : i32
        %dma_start3A_431 = arith.constant 0 : i32
        %dma_start3A_432 = tpu.memref_slice %arg11[%add3A_423, %dma_start3A_430, %dma_start3A_431] : memref<10x1x512xi32, #tpu.memory_space<vmem>> -> memref<1x1x512xi32, #tpu.memory_space<vmem>>
        %dma_start3A_433 = tpu.memref_squeeze %dma_start3A_432 : memref<1x1x512xi32, #tpu.memory_space<vmem>> -> memref<1x512xi32, #tpu.memory_space<vmem>>
        %dma_start3A_434 = arith.constant 0 : i32
        %dma_start3A_435 = arith.constant 0 : i32
        %dma_start3A_436 = arith.constant 0 : i32
        %dma_start3A_437 = tpu.memref_slice %arg17[%dma_start3A_434, %dma_start3A_435, %dma_start3A_436] : memref<1x50176x4xf32, #tpu.memory_space<vmem_shared>> -> memref<1x50176x4xf32, #tpu.memory_space<vmem_shared>>
        tpu.enqueue_indirect_dma source(%dma_start3A_429 : memref<1x512x4xf32, #tpu.memory_space<vmem>>) target(%dma_start3A_437 : memref<1x50176x4xf32, #tpu.memory_space<vmem_shared>>) offsets(%dma_start3A_433 : memref<1x512xi32, #tpu.memory_space<vmem>>) semaphore(%arg19 : memref<!tpu.dma_semaphore, #tpu.memory_space<semaphore_mem>>) {add = true}
        %dma_wait3A_438 = arith.constant 0 : i32
        %dma_wait3A_439 = arith.constant 0 : i32
        %dma_wait3A_440 = arith.constant 0 : i32
        %dma_wait3A_441 = arith.constant 0 : i32
        %dma_wait3A_442 = tpu.memref_slice %arg12[%dma_wait3A_438, %dma_wait3A_439, %dma_wait3A_440, %dma_wait3A_441] : memref<5x1x512x4xf32, #tpu.memory_space<vmem>> -> memref<1x1x512x4xf32, #tpu.memory_space<vmem>>
        %dma_wait3A_443 = tpu.memref_squeeze %dma_wait3A_442 : memref<1x1x512x4xf32, #tpu.memory_space<vmem>> -> memref<1x512x4xf32, #tpu.memory_space<vmem>>
        %dma_wait3A_444 = arith.constant 0 : i32
        %dma_wait3A_445 = arith.constant 0 : i32
        %dma_wait3A_446 = tpu.memref_slice %arg11[%add3A_283, %dma_wait3A_444, %dma_wait3A_445] : memref<10x1x512xi32, #tpu.memory_space<vmem>> -> memref<1x1x512xi32, #tpu.memory_space<vmem>>
        %dma_wait3A_447 = tpu.memref_squeeze %dma_wait3A_446 : memref<1x1x512xi32, #tpu.memory_space<vmem>> -> memref<1x512xi32, #tpu.memory_space<vmem>>
        %dma_wait3A_448 = arith.constant 0 : i32
        %dma_wait3A_449 = arith.constant 0 : i32
        %dma_wait3A_450 = arith.constant 0 : i32
        %dma_wait3A_451 = tpu.memref_slice %arg17[%dma_wait3A_448, %dma_wait3A_449, %dma_wait3A_450] : memref<1x50176x4xf32, #tpu.memory_space<vmem_shared>> -> memref<1x50176x4xf32, #tpu.memory_space<vmem_shared>>
        tpu.wait_indirect_dma semaphore(%arg19 : memref<!tpu.dma_semaphore, #tpu.memory_space<semaphore_mem>>) src(%dma_wait3A_443 : memref<1x512x4xf32, #tpu.memory_space<vmem>>) dst(%dma_wait3A_451 : memref<1x50176x4xf32, #tpu.memory_space<vmem_shared>>)
        %dma_wait3A_452 = arith.constant 1 : i32
        %dma_wait3A_453 = arith.constant 0 : i32
        %dma_wait3A_454 = arith.constant 0 : i32
        %dma_wait3A_455 = arith.constant 0 : i32
        %dma_wait3A_456 = tpu.memref_slice %arg12[%dma_wait3A_452, %dma_wait3A_453, %dma_wait3A_454, %dma_wait3A_455] : memref<5x1x512x4xf32, #tpu.memory_space<vmem>> -> memref<1x1x512x4xf32, #tpu.memory_space<vmem>>
        %dma_wait3A_457 = tpu.memref_squeeze %dma_wait3A_456 : memref<1x1x512x4xf32, #tpu.memory_space<vmem>> -> memref<1x512x4xf32, #tpu.memory_space<vmem>>
        %dma_wait3A_458 = arith.constant 0 : i32
        %dma_wait3A_459 = arith.constant 0 : i32
        %dma_wait3A_460 = tpu.memref_slice %arg11[%add3A_318, %dma_wait3A_458, %dma_wait3A_459] : memref<10x1x512xi32, #tpu.memory_space<vmem>> -> memref<1x1x512xi32, #tpu.memory_space<vmem>>
        %dma_wait3A_461 = tpu.memref_squeeze %dma_wait3A_460 : memref<1x1x512xi32, #tpu.memory_space<vmem>> -> memref<1x512xi32, #tpu.memory_space<vmem>>
        %dma_wait3A_462 = arith.constant 0 : i32
        %dma_wait3A_463 = arith.constant 0 : i32
        %dma_wait3A_464 = arith.constant 0 : i32
        %dma_wait3A_465 = tpu.memref_slice %arg17[%dma_wait3A_462, %dma_wait3A_463, %dma_wait3A_464] : memref<1x50176x4xf32, #tpu.memory_space<vmem_shared>> -> memref<1x50176x4xf32, #tpu.memory_space<vmem_shared>>
        tpu.wait_indirect_dma semaphore(%arg19 : memref<!tpu.dma_semaphore, #tpu.memory_space<semaphore_mem>>) src(%dma_wait3A_457 : memref<1x512x4xf32, #tpu.memory_space<vmem>>) dst(%dma_wait3A_465 : memref<1x50176x4xf32, #tpu.memory_space<vmem_shared>>)
        %dma_wait3A_466 = arith.constant 2 : i32
        %dma_wait3A_467 = arith.constant 0 : i32
        %dma_wait3A_468 = arith.constant 0 : i32
        %dma_wait3A_469 = arith.constant 0 : i32
        %dma_wait3A_470 = tpu.memref_slice %arg12[%dma_wait3A_466, %dma_wait3A_467, %dma_wait3A_468, %dma_wait3A_469] : memref<5x1x512x4xf32, #tpu.memory_space<vmem>> -> memref<1x1x512x4xf32, #tpu.memory_space<vmem>>
        %dma_wait3A_471 = tpu.memref_squeeze %dma_wait3A_470 : memref<1x1x512x4xf32, #tpu.memory_space<vmem>> -> memref<1x512x4xf32, #tpu.memory_space<vmem>>
        %dma_wait3A_472 = arith.constant 0 : i32
        %dma_wait3A_473 = arith.constant 0 : i32
        %dma_wait3A_474 = tpu.memref_slice %arg11[%add3A_353, %dma_wait3A_472, %dma_wait3A_473] : memref<10x1x512xi32, #tpu.memory_space<vmem>> -> memref<1x1x512xi32, #tpu.memory_space<vmem>>
        %dma_wait3A_475 = tpu.memref_squeeze %dma_wait3A_474 : memref<1x1x512xi32, #tpu.memory_space<vmem>> -> memref<1x512xi32, #tpu.memory_space<vmem>>
        %dma_wait3A_476 = arith.constant 0 : i32
        %dma_wait3A_477 = arith.constant 0 : i32
        %dma_wait3A_478 = arith.constant 0 : i32
        %dma_wait3A_479 = tpu.memref_slice %arg17[%dma_wait3A_476, %dma_wait3A_477, %dma_wait3A_478] : memref<1x50176x4xf32, #tpu.memory_space<vmem_shared>> -> memref<1x50176x4xf32, #tpu.memory_space<vmem_shared>>
        tpu.wait_indirect_dma semaphore(%arg19 : memref<!tpu.dma_semaphore, #tpu.memory_space<semaphore_mem>>) src(%dma_wait3A_471 : memref<1x512x4xf32, #tpu.memory_space<vmem>>) dst(%dma_wait3A_479 : memref<1x50176x4xf32, #tpu.memory_space<vmem_shared>>)
        %dma_wait3A_480 = arith.constant 3 : i32
        %dma_wait3A_481 = arith.constant 0 : i32
        %dma_wait3A_482 = arith.constant 0 : i32
        %dma_wait3A_483 = arith.constant 0 : i32
        %dma_wait3A_484 = tpu.memref_slice %arg12[%dma_wait3A_480, %dma_wait3A_481, %dma_wait3A_482, %dma_wait3A_483] : memref<5x1x512x4xf32, #tpu.memory_space<vmem>> -> memref<1x1x512x4xf32, #tpu.memory_space<vmem>>
        %dma_wait3A_485 = tpu.memref_squeeze %dma_wait3A_484 : memref<1x1x512x4xf32, #tpu.memory_space<vmem>> -> memref<1x512x4xf32, #tpu.memory_space<vmem>>
        %dma_wait3A_486 = arith.constant 0 : i32
        %dma_wait3A_487 = arith.constant 0 : i32
        %dma_wait3A_488 = tpu.memref_slice %arg11[%add3A_388, %dma_wait3A_486, %dma_wait3A_487] : memref<10x1x512xi32, #tpu.memory_space<vmem>> -> memref<1x1x512xi32, #tpu.memory_space<vmem>>
        %dma_wait3A_489 = tpu.memref_squeeze %dma_wait3A_488 : memref<1x1x512xi32, #tpu.memory_space<vmem>> -> memref<1x512xi32, #tpu.memory_space<vmem>>
        %dma_wait3A_490 = arith.constant 0 : i32
        %dma_wait3A_491 = arith.constant 0 : i32
        %dma_wait3A_492 = arith.constant 0 : i32
        %dma_wait3A_493 = tpu.memref_slice %arg17[%dma_wait3A_490, %dma_wait3A_491, %dma_wait3A_492] : memref<1x50176x4xf32, #tpu.memory_space<vmem_shared>> -> memref<1x50176x4xf32, #tpu.memory_space<vmem_shared>>
        tpu.wait_indirect_dma semaphore(%arg19 : memref<!tpu.dma_semaphore, #tpu.memory_space<semaphore_mem>>) src(%dma_wait3A_485 : memref<1x512x4xf32, #tpu.memory_space<vmem>>) dst(%dma_wait3A_493 : memref<1x50176x4xf32, #tpu.memory_space<vmem_shared>>)
        %dma_wait3A_494 = arith.constant 4 : i32
        %dma_wait3A_495 = arith.constant 0 : i32
        %dma_wait3A_496 = arith.constant 0 : i32
        %dma_wait3A_497 = arith.constant 0 : i32
        %dma_wait3A_498 = tpu.memref_slice %arg12[%dma_wait3A_494, %dma_wait3A_495, %dma_wait3A_496, %dma_wait3A_497] : memref<5x1x512x4xf32, #tpu.memory_space<vmem>> -> memref<1x1x512x4xf32, #tpu.memory_space<vmem>>
        %dma_wait3A_499 = tpu.memref_squeeze %dma_wait3A_498 : memref<1x1x512x4xf32, #tpu.memory_space<vmem>> -> memref<1x512x4xf32, #tpu.memory_space<vmem>>
        %dma_wait3A_500 = arith.constant 0 : i32
        %dma_wait3A_501 = arith.constant 0 : i32
        %dma_wait3A_502 = tpu.memref_slice %arg11[%add3A_423, %dma_wait3A_500, %dma_wait3A_501] : memref<10x1x512xi32, #tpu.memory_space<vmem>> -> memref<1x1x512xi32, #tpu.memory_space<vmem>>
        %dma_wait3A_503 = tpu.memref_squeeze %dma_wait3A_502 : memref<1x1x512xi32, #tpu.memory_space<vmem>> -> memref<1x512xi32, #tpu.memory_space<vmem>>
        %dma_wait3A_504 = arith.constant 0 : i32
        %dma_wait3A_505 = arith.constant 0 : i32
        %dma_wait3A_506 = arith.constant 0 : i32
        %dma_wait3A_507 = tpu.memref_slice %arg17[%dma_wait3A_504, %dma_wait3A_505, %dma_wait3A_506] : memref<1x50176x4xf32, #tpu.memory_space<vmem_shared>> -> memref<1x50176x4xf32, #tpu.memory_space<vmem_shared>>
        tpu.wait_indirect_dma semaphore(%arg19 : memref<!tpu.dma_semaphore, #tpu.memory_space<semaphore_mem>>) src(%dma_wait3A_499 : memref<1x512x4xf32, #tpu.memory_space<vmem>>) dst(%dma_wait3A_507 : memref<1x50176x4xf32, #tpu.memory_space<vmem_shared>>)
      }
      %scan3A_152 = arith.constant 2 : i32
    }
    %scan3A_133 = arith.constant 5 : i32
    %barrier3A_134 = arith.constant 0 : index
    tpu.barrier barrier_id(%barrier3A_134)
    %scan3A_135 = arith.constant 0 : i32
    %scan3A_136 = arith.constant 28 : i32
    %scan3A_137 = arith.addi %scan3A_135, %scan3A_136 : i32
    %scan3A_138 = arith.constant 1 : i32
    scf.for %scan3A_140 = %scan3A_135 to %scan3A_137 step %scan3A_138  : i32 {
      %mul3A_141 = arith.constant 1 : i32
      %mul3A_142 = arith.muli %scan3A_140, %mul3A_141 : i32
      %add3A_143 = arith.constant 0 : i32
      %add3A_144 = arith.addi %add3A_143, %mul3A_142 : i32
      %mul3A_145 = arith.constant 3136 : i32
      %mul3A_146 = arith.muli %arg1, %mul3A_145 : i32
      %mul3A_147 = arith.constant 112 : i32
      %mul3A_148 = arith.muli %add3A_144, %mul3A_147 : i32
      %add3A_149 = arith.addi %mul3A_146, %mul3A_148 : i32
      "tpu.region"() ({
        %run_scoped3A = tpu.sem_alloc : memref<!tpu.dma_semaphore, #tpu.memory_space<semaphore_mem>>
        %dma_start3A = arith.constant 0 : i32
        %dma_start3A_150 = arith.constant 0 : i32
        %dma_start3A_151 = tpu.memref_slice %arg17[%dma_start3A, %add3A_149, %dma_start3A_150] : memref<1x50176x4xf32, #tpu.memory_space<vmem_shared>> -> memref<1x112x4xf32, #tpu.memory_space<vmem_shared>>
        %dma_start3A_152 = arith.constant 0 : i32
        %dma_start3A_153 = arith.constant 0 : i32
        %dma_start3A_154 = tpu.memref_slice %arg17[%dma_start3A_152, %add3A_149, %dma_start3A_153] : memref<1x50176x4xf32, #tpu.memory_space<vmem_shared>> -> memref<1x112x4xf32, #tpu.memory_space<vmem_shared>>
        tpu.enqueue_dma source(%dma_start3A_154 : memref<1x112x4xf32, #tpu.memory_space<vmem_shared>>) target(%arg14 : memref<1x112x4xf32, #tpu.memory_space<vmem>>) target_semaphore(%run_scoped3A : memref<!tpu.dma_semaphore, #tpu.memory_space<semaphore_mem>>)
        %dma_wait3A = arith.constant 0 : i32
        %dma_wait3A_155 = arith.constant 0 : i32
        %dma_wait3A_156 = tpu.memref_slice %arg17[%dma_wait3A, %add3A_149, %dma_wait3A_155] : memref<1x50176x4xf32, #tpu.memory_space<vmem_shared>> -> memref<1x112x4xf32, #tpu.memory_space<vmem_shared>>
        %dma_wait3A_157 = arith.constant 0 : i32
        %dma_wait3A_158 = arith.constant 0 : i32
        %dma_wait3A_159 = tpu.memref_slice %arg17[%dma_wait3A_157, %add3A_149, %dma_wait3A_158] : memref<1x50176x4xf32, #tpu.memory_space<vmem_shared>> -> memref<1x112x4xf32, #tpu.memory_space<vmem_shared>>
        tpu.wait_dma2 semaphore(%run_scoped3A : memref<!tpu.dma_semaphore, #tpu.memory_space<semaphore_mem>>) src(%dma_wait3A_159 : memref<1x112x4xf32, #tpu.memory_space<vmem_shared>>) dst(%arg14 : memref<1x112x4xf32, #tpu.memory_space<vmem>>)
        tpu.yield
      }) : () -> ()
      "tpu.region"() ({
        %run_scoped3A = tpu.sem_alloc : memref<!tpu.dma_semaphore, #tpu.memory_space<semaphore_mem>>
        %dma_start3A = arith.constant 0 : i32
        %dma_start3A_150 = arith.constant 0 : i32
        %dma_start3A_151 = tpu.memref_slice %arg6[%arg0, %dma_start3A, %add3A_149, %dma_start3A_150] : memref<2x1x50176x4xf32, #tpu.memory_space<hbm>> -> memref<1x1x112x4xf32, #tpu.memory_space<hbm>>
        %dma_start3A_152 = tpu.memref_squeeze %dma_start3A_151 : memref<1x1x112x4xf32, #tpu.memory_space<hbm>> -> memref<1x112x4xf32, #tpu.memory_space<hbm>>
        %dma_start3A_153 = arith.constant 0 : i32
        %dma_start3A_154 = arith.constant 0 : i32
        %dma_start3A_155 = tpu.memref_slice %arg6[%arg0, %dma_start3A_153, %add3A_149, %dma_start3A_154] : memref<2x1x50176x4xf32, #tpu.memory_space<hbm>> -> memref<1x1x112x4xf32, #tpu.memory_space<hbm>>
        %dma_start3A_156 = tpu.memref_squeeze %dma_start3A_155 : memref<1x1x112x4xf32, #tpu.memory_space<hbm>> -> memref<1x112x4xf32, #tpu.memory_space<hbm>>
        tpu.enqueue_dma source(%arg14 : memref<1x112x4xf32, #tpu.memory_space<vmem>>) target(%dma_start3A_156 : memref<1x112x4xf32, #tpu.memory_space<hbm>>) target_semaphore(%run_scoped3A : memref<!tpu.dma_semaphore, #tpu.memory_space<semaphore_mem>>)
        %dma_wait3A = arith.constant 0 : i32
        %dma_wait3A_157 = arith.constant 0 : i32
        %dma_wait3A_158 = tpu.memref_slice %arg6[%arg0, %dma_wait3A, %add3A_149, %dma_wait3A_157] : memref<2x1x50176x4xf32, #tpu.memory_space<hbm>> -> memref<1x1x112x4xf32, #tpu.memory_space<hbm>>
        %dma_wait3A_159 = tpu.memref_squeeze %dma_wait3A_158 : memref<1x1x112x4xf32, #tpu.memory_space<hbm>> -> memref<1x112x4xf32, #tpu.memory_space<hbm>>
        %dma_wait3A_160 = arith.constant 0 : i32
        %dma_wait3A_161 = arith.constant 0 : i32
        %dma_wait3A_162 = tpu.memref_slice %arg6[%arg0, %dma_wait3A_160, %add3A_149, %dma_wait3A_161] : memref<2x1x50176x4xf32, #tpu.memory_space<hbm>> -> memref<1x1x112x4xf32, #tpu.memory_space<hbm>>
        %dma_wait3A_163 = tpu.memref_squeeze %dma_wait3A_162 : memref<1x1x112x4xf32, #tpu.memory_space<hbm>> -> memref<1x112x4xf32, #tpu.memory_space<hbm>>
        tpu.wait_dma2 semaphore(%run_scoped3A : memref<!tpu.dma_semaphore, #tpu.memory_space<semaphore_mem>>) src(%arg14 : memref<1x112x4xf32, #tpu.memory_space<vmem>>) dst(%dma_wait3A_163 : memref<1x112x4xf32, #tpu.memory_space<hbm>>)
        tpu.yield
      }) : () -> ()
    }
    %scan3A_139 = arith.constant 28 : i32
    return
  }
}

module attributes {stable_mosaic.version = 14 : i64} {
  func.func @body(%arg0: i32, %arg1: memref<2x3136x4xf32, #tpu.memory_space<vmem>>, %arg2: memref<3136x4xf32, #tpu.memory_space<vmem>>, %arg3: memref<3136x1xf32, #tpu.memory_space<vmem>>, %arg4: memref<4x64xf32, #tpu.memory_space<vmem>>, %arg5: memref<1x64xf32, #tpu.memory_space<vmem>>, %arg6: memref<64x32xf32, #tpu.memory_space<vmem>>, %arg7: memref<2x3136x16xf32, #tpu.memory_space<vmem>>) attributes {dimension_semantics = [#tpu.dimension_semantics<arbitrary>], iteration_bounds = array<i64: 16>, scalar_prefetch = 0 : i64, scratch_operands = 0 : i64, tpu.core_type = #tpu.core_type<tc>, window_params = [{transform_indices = @transform_0, window_bounds = array<i64: 2, 3136, 4>}, {transform_indices = @transform_1, window_bounds = array<i64: 3136, 4>}, {transform_indices = @transform_2, window_bounds = array<i64: 3136, 1>}, {pipeline_mode = #tpu.pipeline_mode<synchronous>, transform_indices = @transform_3, window_bounds = array<i64: 4, 64>}, {pipeline_mode = #tpu.pipeline_mode<synchronous>, transform_indices = @transform_4, window_bounds = array<i64: 1, 64>}, {pipeline_mode = #tpu.pipeline_mode<synchronous>, transform_indices = @transform_5, window_bounds = array<i64: 64, 32>}, {transform_indices = @transform_6, window_bounds = array<i64: 2, 3136, 16>}]} {
    %get3A = arith.constant 0 : index
    %get3A_0 = arith.constant 0 : index
    %get3A_1 = arith.constant 0 : index
    %get3A_2 = vector.load %arg1[%get3A, %get3A_0, %get3A_1] : memref<2x3136x4xf32, #tpu.memory_space<vmem>>, vector<1x3136x4xf32>
    %get3A_3 = vector.shape_cast %get3A_2 : vector<1x3136x4xf32> to vector<3136x4xf32>
    %get3A_4 = arith.constant 1 : index
    %get3A_5 = arith.constant 0 : index
    %get3A_6 = arith.constant 0 : index
    %get3A_7 = vector.load %arg1[%get3A_4, %get3A_5, %get3A_6] : memref<2x3136x4xf32, #tpu.memory_space<vmem>>, vector<1x3136x4xf32>
    %get3A_8 = vector.shape_cast %get3A_7 : vector<1x3136x4xf32> to vector<3136x4xf32>
    %add3A = arith.addf %get3A_3, %get3A_8 : vector<3136x4xf32>
    %get3A_9 = arith.constant 0 : index
    %get3A_10 = arith.constant 0 : index
    %get3A_11 = vector.load %arg2[%get3A_9, %get3A_10] : memref<3136x4xf32, #tpu.memory_space<vmem>>, vector<3136x4xf32>
    %sub3A = arith.subf %add3A, %get3A_11 : vector<3136x4xf32>
    %get3A_12 = arith.constant 0 : index
    %get3A_13 = arith.constant 0 : index
    %get3A_14 = vector.load %arg3[%get3A_12, %get3A_13] : memref<3136x1xf32, #tpu.memory_space<vmem>>, vector<3136x1xf32>
    %mul3A = vector.broadcast %get3A_14 : vector<3136x1xf32> to vector<3136x4xf32>
    %mul3A_15 = arith.mulf %sub3A, %mul3A : vector<3136x4xf32>
    %get3A_16 = arith.constant 0 : index
    %get3A_17 = arith.constant 0 : index
    %get3A_18 = vector.load %arg4[%get3A_16, %get3A_17] : memref<4x64xf32, #tpu.memory_space<vmem>>, vector<4x64xf32>
    %dot_general3A = arith.constant dense<0.000000e+00> : vector<3136x64xf32>
    %dot_general3A_19 = tpu.matmul %mul3A_15, %get3A_18, %dot_general3A {dimension_numbers = #tpu.dot_dimension_numbers<[1], [0], [0], [1], [0, 0, 1, 1], [], []>, transpose_lhs_hint = false} : vector<3136x4xf32>, vector<4x64xf32>, vector<3136x64xf32> -> vector<3136x64xf32>
    %get3A_20 = arith.constant 0 : index
    %get3A_21 = arith.constant 0 : index
    %get3A_22 = vector.load %arg5[%get3A_20, %get3A_21] : memref<1x64xf32, #tpu.memory_space<vmem>>, vector<1x64xf32>
    %add3A_23 = vector.broadcast %get3A_22 : vector<1x64xf32> to vector<3136x64xf32>
    %add3A_24 = arith.addf %dot_general3A_19, %add3A_23 : vector<3136x64xf32>
    %max3A = arith.constant 0.000000e+00 : f32
    %max3A_25 = vector.broadcast %max3A : f32 to vector<3136x64xf32>
    %max3A_26 = arith.maximumf %add3A_24, %max3A_25 : vector<3136x64xf32>
    %get3A_27 = arith.constant 0 : index
    %get3A_28 = arith.constant 0 : index
    %get3A_29 = vector.load %arg6[%get3A_27, %get3A_28] : memref<64x32xf32, #tpu.memory_space<vmem>>, vector<64x32xf32>
    %dot_general3A_30 = arith.constant dense<0.000000e+00> : vector<3136x32xf32>
    %dot_general3A_31 = tpu.matmul %max3A_26, %get3A_29, %dot_general3A_30 {dimension_numbers = #tpu.dot_dimension_numbers<[1], [0], [0], [1], [0, 0, 1, 1], [], []>, transpose_lhs_hint = false} : vector<3136x64xf32>, vector<64x32xf32>, vector<3136x32xf32> -> vector<3136x32xf32>
    %mul3A_32 = vector.broadcast %get3A_14 : vector<3136x1xf32> to vector<3136x32xf32>
    %mul3A_33 = arith.mulf %dot_general3A_31, %mul3A_32 : vector<3136x32xf32>
    %slice3A = vector.extract_strided_slice %mul3A_33 {offsets = [0, 0], sizes = [3136, 16], strides = [1, 1]} : vector<3136x32xf32> to vector<3136x16xf32>
    %swap3A = arith.constant 0 : index
    %swap3A_34 = arith.constant 0 : index
    %swap3A_35 = arith.constant 0 : index
    %swap3A_36 = vector.load %arg7[%swap3A, %swap3A_34, %swap3A_35] : memref<2x3136x16xf32, #tpu.memory_space<vmem>>, vector<1x3136x16xf32>
    %swap3A_37 = vector.shape_cast %swap3A_36 : vector<1x3136x16xf32> to vector<3136x16xf32>
    %swap3A_38 = vector.shape_cast %slice3A : vector<3136x16xf32> to vector<1x3136x16xf32>
    tpu.vector_store %arg7[%swap3A, %swap3A_34, %swap3A_35], %swap3A_38 {strides = array<i32>} : memref<2x3136x16xf32, #tpu.memory_space<vmem>>, vector<1x3136x16xf32>,
    %slice3A_39 = vector.extract_strided_slice %mul3A_33 {offsets = [0, 16], sizes = [3136, 16], strides = [1, 1]} : vector<3136x32xf32> to vector<3136x16xf32>
    %swap3A_40 = arith.constant 1 : index
    %swap3A_41 = arith.constant 0 : index
    %swap3A_42 = arith.constant 0 : index
    %swap3A_43 = vector.load %arg7[%swap3A_40, %swap3A_41, %swap3A_42] : memref<2x3136x16xf32, #tpu.memory_space<vmem>>, vector<1x3136x16xf32>
    %swap3A_44 = vector.shape_cast %swap3A_43 : vector<1x3136x16xf32> to vector<3136x16xf32>
    %swap3A_45 = vector.shape_cast %slice3A_39 : vector<3136x16xf32> to vector<1x3136x16xf32>
    tpu.vector_store %arg7[%swap3A_40, %swap3A_41, %swap3A_42], %swap3A_45 {strides = array<i32>} : memref<2x3136x16xf32, #tpu.memory_space<vmem>>, vector<1x3136x16xf32>,
    return
  }
  func.func @transform_0(%arg0: i32) -> (i32, i32, i32) {
    %c0_i32 = arith.constant 0 : i32
    %c0_i32_0 = arith.constant 0 : i32
    %c0_i32_1 = arith.constant 0 : i32
    return %c0_i32, %arg0, %c0_i32_0 : i32, i32, i32
  }
  func.func @transform_1(%arg0: i32) -> (i32, i32) {
    %c0_i32 = arith.constant 0 : i32
    %c0_i32_0 = arith.constant 0 : i32
    return %arg0, %c0_i32 : i32, i32
  }
  func.func @transform_2(%arg0: i32) -> (i32, i32) {
    %c0_i32 = arith.constant 0 : i32
    %c0_i32_0 = arith.constant 0 : i32
    return %arg0, %c0_i32 : i32, i32
  }
  func.func @transform_3(%arg0: i32) -> (i32, i32) {
    %c0_i32 = arith.constant 0 : i32
    %c0_i32_0 = arith.constant 0 : i32
    %c0_i32_1 = arith.constant 0 : i32
    return %c0_i32, %c0_i32_0 : i32, i32
  }
  func.func @transform_4(%arg0: i32) -> (i32, i32) {
    %c0_i32 = arith.constant 0 : i32
    %c0_i32_0 = arith.constant 0 : i32
    %c0_i32_1 = arith.constant 0 : i32
    return %c0_i32, %c0_i32_0 : i32, i32
  }
  func.func @transform_5(%arg0: i32) -> (i32, i32) {
    %c0_i32 = arith.constant 0 : i32
    %c0_i32_0 = arith.constant 0 : i32
    %c0_i32_1 = arith.constant 0 : i32
    return %c0_i32, %c0_i32_0 : i32, i32
  }
  func.func @transform_6(%arg0: i32) -> (i32, i32, i32) {
    %c0_i32 = arith.constant 0 : i32
    %c0_i32_0 = arith.constant 0 : i32
    %c0_i32_1 = arith.constant 0 : i32
    return %c0_i32, %arg0, %c0_i32_0 : i32, i32, i32
  }
}

module attributes {stable_mosaic.version = 14 : i64} {
  func.func @body(%arg0: memref<2x16xf32, #tpu.memory_space<vmem>>, %arg1: memref<32x1xf32, #tpu.memory_space<vmem>>, %arg2: memref<1x1xf32, #tpu.memory_space<vmem>>, %arg3: memref<1x1xf32, #tpu.memory_space<vmem>>) attributes {dimension_semantics = [], scalar_prefetch = 0 : i64, scratch_operands = 0 : i64, tpu.core_type = #tpu.core_type<tc>} {
    %get3A = arith.constant 0 : index
    %get3A_0 = arith.constant 0 : index
    %get3A_1 = vector.load %arg0[%get3A, %get3A_0] : memref<2x16xf32, #tpu.memory_space<vmem>>, vector<1x16xf32>
    %get3A_2 = arith.constant 1 : index
    %get3A_3 = arith.constant 0 : index
    %get3A_4 = vector.load %arg0[%get3A_2, %get3A_3] : memref<2x16xf32, #tpu.memory_space<vmem>>, vector<1x16xf32>
    %concatenate3A = tpu.concatenate %get3A_1, %get3A_4 in 1 : vector<1x16xf32>, vector<1x16xf32> -> vector<1x32xf32>
    %div3A = arith.constant 5.000000e+04 : f32
    %div3A_5 = vector.broadcast %div3A : f32 to vector<1x32xf32>
    %div3A_6 = arith.divf %concatenate3A, %div3A_5 : vector<1x32xf32>
    %get3A_7 = arith.constant 0 : index
    %get3A_8 = arith.constant 0 : index
    %get3A_9 = vector.load %arg1[%get3A_7, %get3A_8] : memref<32x1xf32, #tpu.memory_space<vmem>>, vector<32x1xf32>
    %dot_general3A = arith.constant dense<0.000000e+00> : vector<1x1xf32>
    %dot_general3A_10 = tpu.matmul %div3A_6, %get3A_9, %dot_general3A {dimension_numbers = #tpu.dot_dimension_numbers<[1], [0], [0], [1], [0, 0, 1, 1], [], []>, transpose_lhs_hint = false} : vector<1x32xf32>, vector<32x1xf32>, vector<1x1xf32> -> vector<1x1xf32>
    %get3A_11 = arith.constant 0 : index
    %get3A_12 = arith.constant 0 : index
    %get3A_13 = vector.load %arg2[%get3A_11, %get3A_12] : memref<1x1xf32, #tpu.memory_space<vmem>>, vector<1x1xf32>
    %add3A = arith.addf %dot_general3A_10, %get3A_13 : vector<1x1xf32>
    %neg3A = arith.constant 0.000000e+00 : f32
    %neg3A_14 = vector.broadcast %neg3A : f32 to vector<1x1xf32>
    %neg3A_15 = arith.subf %neg3A_14, %add3A : vector<1x1xf32>
    %exp3A = math.exp %neg3A_15 : vector<1x1xf32>
    %add3A_16 = arith.constant 1.000000e+00 : f32
    %add3A_17 = vector.broadcast %add3A_16 : f32 to vector<1x1xf32>
    %add3A_18 = arith.addf %add3A_17, %exp3A : vector<1x1xf32>
    %div3A_19 = arith.constant 1.000000e+00 : f32
    %div3A_20 = vector.broadcast %div3A_19 : f32 to vector<1x1xf32>
    %div3A_21 = arith.divf %div3A_20, %add3A_18 : vector<1x1xf32>
    %swap3A = arith.constant 0 : index
    %swap3A_22 = arith.constant 0 : index
    %swap3A_23 = vector.load %arg3[%swap3A, %swap3A_22] : memref<1x1xf32, #tpu.memory_space<vmem>>, vector<1x1xf32>
    tpu.vector_store %arg3[%swap3A, %swap3A_22], %div3A_21 {strides = array<i32>} : memref<1x1xf32, #tpu.memory_space<vmem>>, vector<1x1xf32>,
    return
  }
}

</mosaic_0001>

<sc_bundles>
// kernel: kernel.6.cloned.1.call-start
scs
__scs_entry_jumppad:
0x0: {  	(pc) =	sbr.rel $0x88, $3  }
0x1: {  	(tag) =	ssettag $0x0;
	lr =	simm.s32 $0x1  }
0x2: {  	[smem:$0x3F99] =	sst lr;
	_ =	strace $0xD0000000  }
0x3: {  	_ = 	snop  }
0x4: {  	_ = 	snop  }
0x5: {  	_ = 	snop  }
0x6: {  	_ = 	snop  }
0x7: {  	_ = 	snop  }
__scs_overlays_trampoline_lowered:
0x8: {  	[smem:$0x3FA8] =	sst s0  }
0x9: {  	[smem:$0x3FA9] =	sst s1  }
0xa: {  	[smem:$0x3FAA] =	sst s2  }
0xb: {  	[smem:$0x3FAB] =	sst s3  }
0xc: {  	[smem:$0x3FAC] =	sst s4  }
0xd: {  	[smem:$0x3FAD] =	sst s5  }
0xe: {  	[smem:$0x3FAE] =	sst s6  }
0xf: {  	[smem:$0x3FAF] =	sst s7  }
0x10: {  	[smem:$0x3FB0] =	sst s8  }
0x11: {  	[smem:$0x3FB1] =	sst s9;
	s0 =	simm.s32 @!p0 $0x0  }
0x12: {  	s1 =	sld [smem:$0x3F97];
	s0 =	simm.s32 @p0 $0x1  }
0x13: {  	[smem:$0x3FB2] =	sst s0;
	s0 =	simm.s32 @!p1 $0x0  }
0x14: {  	s2 =	sld [smem:$0x3F96];
	s0 =	simm.s32 @p1 $0x1  }
0x15: {  	[smem:$0x3FB3] =	sst s0;
	s0 =	simm.s32 @!p2 $0x0  }
0x16: {  	s3 =	sld [smem:$0x3FDB];
	s0 =	simm.s32 @p2 $0x1  }
0x17: {  	s4 =	simm.s32 $0x1BF5;
	[smem:$0x3FB5] =	sst s0  }
0x18: {  	s0 =	sld [smem:$0x3F98];
	_ =	swait.ge [sflag:s4], $0x0  }
0x19: {  	s7 =	sld [smem:$0x3F99]  }
0x1a: {  	s8 =	sadd.s32 $0xFFFFE003, lr  }
0x1b: {  	s9 =	sadd.s32 $0xFFFFFEF7, lr;
	s5 =	simm.s32 $0xFFFFFFFF;
	p2 =	slt.u32 s8, $0xFFFFF086  }
0x1c: {  	p1 =	slt.u32 s9, $0xF7A;
	s5 =	simm.s32 @!p2 $0x0  }
0x1d: {  	s5 =	simm.s32 @p1 $0x1;
	p0 =	seq.s32 s7, s2  }
0x1e: {  	s7 =	smul.u32 @!p0 $0xF7A, s2;
	p2 =	seq.s32 @!p0 s5, $0x0  }
0x1f: {  	s9 =	smul.u32 $0xF7A, s1;
	s8 =	simm.s32 @!p0 $0x1BF5;
	p2 =	por !p2, p0  }
0x20: {  	[sflag:s8] =	ssyncset.s32 @!p0 $0xFFFFF086;
	s6 =	sadd.s32 @!p0 s3, s7;
	s7 =	simm.s32 @!p0 $0x108  }
0x21: {  	s3 =	sadd.s32 s3, s9;
	s6 =	sadd.s32 @!p0 $0x88, s6;
	s7 =	simm.s32 @p2 $0x1082  }
0x22: {  	[simem:s7], [sflag:s8] =	dma.local @!p0 [hbm:s6], $0xF7A  }
0x23: {  	s9 =	sor.u32 $0xD0000000, s2;
	s6 =	simm.s32 $0x108;
	_ =	swait.ge @!p0 [sflag:s8], $0x0  }
0x24: {  	s3 =	sadd.s32 $0x88, s3;
	s6 =	simm.s32 @!p1 $0x1082;
	[sflag:s4] =	ssyncset.s32 $0xFFFFF086  }
0x25: {  	[simem:s6], [sflag:s4] =	dma.local [hbm:s3], $0xF7A  }
0x26: {  	[smem:$0x3F99] =	sst s1;
	(tag) =	ssettag s2;
	_ =	strace s9  }
0x27: {  	s1 =	sld [smem:$0x3FA9]  }
0x28: {  	s2 =	sld [smem:$0x3FAA]  }
0x29: {  	s4 =	sld [smem:$0x3FAC]  }
0x2a: {  	p0 =	seq.s32 s5, $0x0;
	s5 =	sld [smem:$0x3FAD]  }
0x2b: {  	s6 =	sld [smem:$0x3FAE]  }
0x2c: {  	s7 =	sld [smem:$0x3FAF]  }
0x2d: {  	s3 =	simm.s32 $0x108;
	s8 =	sld [smem:$0x3FB0]  }
0x2e: {  	s3 =	simm.s32 @!p0 $0x1082;
	s9 =	sld [smem:$0x3FB1]  }
0x2f: {  	lr =	sadd.s32 s0, s3;
	s0 =	sld [smem:$0x3FA8]  }
0x30: {  	s3 =	sld [smem:$0x3FAB]  }
0x31: {  	[smem:$0x3FB4] =	sst s10  }
0x32: {  	s10 =	sld [smem:$0x3FB2];
	_ =	sdelay $0x3  }
0x33: {  	p0 =	seq.s32 s10, $0x1;
	s10 =	sld [smem:$0x3FB4];
	_ =	sdelay $0x3  }
0x34: {  	[smem:$0x3FB4] =	sst s10  }
0x35: {  	s10 =	sld [smem:$0x3FB3];
	_ =	sdelay $0x3  }
0x36: {  	p1 =	seq.s32 s10, $0x1;
	s10 =	sld [smem:$0x3FB4];
	_ =	sdelay $0x3  }
0x37: {  	[smem:$0x3FB4] =	sst s10  }
0x38: {  	s10 =	sld [smem:$0x3FB5]  }
0x39: {  	_ = 	snop;
	(pc) =	sbr.ind lr, $3  }
0x3a: {  	_ = 	snop  }
0x3b: {  	_ = 	snop  }
0x3c: {  	p2 =	seq.s32 s10, $0x1;
	s10 =	sld [smem:$0x3FB4]  }
0x3d: {  	_ =	shalt  }
0x3e: {  	_ =	shalt  }
0x3f: {  	_ =	shalt  }
0x40: {  	_ =	shalt  }
0x41: {  	_ =	shalt  }
0x42: {  	_ =	shalt  }
0x43: {  	_ =	shalt  }
0x44: {  	_ =	shalt  }
0x45: {  	_ =	shalt  }
0x46: {  	_ =	shalt  }
0x47: {  	_ =	shalt  }
0x48: {  	_ =	shalt  }
0x49: {  	_ =	shalt  }
0x4a: {  	_ =	shalt  }
0x4b: {  	_ =	shalt  }
0x4c: {  	_ =	shalt  }
0x4d: {  	_ =	shalt  }
0x4e: {  	_ =	shalt  }
0x4f: {  	_ =	shalt  }
0x50: {  	_ =	shalt  }
0x51: {  	_ =	shalt  }
0x52: {  	_ =	shalt  }
0x53: {  	_ =	shalt  }
0x54: {  	_ =	shalt  }
0x55: {  	_ =	shalt  }
0x56: {  	_ =	shalt  }
0x57: {  	_ =	shalt  }
0x58: {  	_ =	shalt  }
0x59: {  	_ =	shalt  }
0x5a: {  	_ =	shalt  }
0x5b: {  	_ =	shalt  }
0x5c: {  	_ =	shalt  }
0x5d: {  	_ =	shalt  }
0x5e: {  	_ =	shalt  }
0x5f: {  	_ =	shalt  }
0x60: {  	_ =	shalt  }
0x61: {  	_ =	shalt  }
0x62: {  	_ =	shalt  }
0x63: {  	_ =	shalt  }
0x64: {  	_ =	shalt  }
0x65: {  	_ =	shalt  }
0x66: {  	_ =	shalt  }
0x67: {  	_ =	shalt  }
0x68: {  	_ =	shalt  }
0x69: {  	_ =	shalt  }
0x6a: {  	_ =	shalt  }
0x6b: {  	_ =	shalt  }
0x6c: {  	_ =	shalt  }
0x6d: {  	_ =	shalt  }
0x6e: {  	_ =	shalt  }
0x6f: {  	_ =	shalt  }
0x70: {  	_ =	shalt  }
0x71: {  	_ =	shalt  }
0x72: {  	_ =	shalt  }
0x73: {  	_ =	shalt  }
0x74: {  	_ =	shalt  }
0x75: {  	_ =	shalt  }
0x76: {  	_ =	shalt  }
0x77: {  	_ =	shalt  }
0x78: {  	_ =	shalt  }
0x79: {  	_ =	shalt  }
0x7a: {  	_ =	shalt  }
0x7b: {  	_ =	shalt  }
0x7c: {  	_ =	shalt  }
0x7d: {  	_ =	shalt  }
0x7e: {  	_ =	shalt  }
0x7f: {  	_ =	shalt  }
0x80: {  	_ =	shalt  }
0x81: {  	_ =	shalt  }
0x82: {  	_ =	shalt  }
0x83: {  	_ =	shalt  }
0x84: {  	_ =	shalt  }
0x85: {  	_ =	shalt  }
0x86: {  	_ =	shalt  }
0x87: {  	_ =	shalt  }
.Lfunc_end0:
.L_simem_size_0:
called_computation_lowered:
.L_overlay_start_0:
0x88: {  	s2 =	sld [smem:$0x3FD9]  }
0x89: {  	s3 =	sld [smem:$0x3FFE];
	_ =	sdelay $0x1  }
0x8a: {  	s1 =	srdreg.scid  }
0x8b: {  	s0 =	sand.u32 $0x1, s1  }
0x8c: {  	s16 =	sshll.u32 s0, $0xA;
	s2 =	sadd.s32 s3, s2  }
0x8d: {  	s2 =	sadd.s32 s2, s16  }
0x8e: {  	[smem:$0x3FC0] =	sst s2  }
0x8f: {  	_ = 	snop  }
0x90: {  	(tm) =	ssettm $0x1  }
0x91: {  	s17 =	sld [smem:$0x3FFB];
	_ =	sdelay $0x3  }
0x92: {  	_ =	strace s17  }
0x93: {  	s2 =	sld [smem:$0x3FFC];
	_ =	sdelay $0x3  }
0x94: {  	_ =	strace s2  }
0x95: {  	s2 =	sld [smem:$0x3FFD];
	_ =	sdelay $0x3  }
0x96: {  	_ =	strace s2  }
0x97: {  	_ =	strace $0x8FFFFFFF  }
0x98: {  	s18 =	sld [smem:$0x3FDB];
	_ =	sdelay $0x1  }
0x99: {  	s19 =	simm.s32 $_scs_section_size  }
0x9a: {  	s4 =	simm.s32 $_size__tile_overlayer_lowered;
	s5 =	simm.s32 $_tile_overlayer_lowered  }
0x9b: {  	s22 =	simm.s32 $0x1BFF;
	s21 =	sshll.u32 s5, $0x1;
	s2 =	sadd.s32 s19, s18  }
0x9c: {  	s6 =	simm.s32 $0x0;
	s20 =	sshll.u32 s4, $0x1;
	s4 =	sadd.s32 s21, s2  }
0x9d: {  	[timem:s6], [sflag:s22] =	dma.local [hbm:s4], s20  }
0x9e: {  	_ =	swait.ge [sflag:s22], s20  }
0x9f: {  	s3 =	ssub.s32 $0x0, s20;
	[sflag:s22] =	ssyncset.done $0x0  }
0xa0: {  	[sflag:s22] =	ssyncadd.s32 s3;
	_ =	sdelay $0x1  }
0xa1: {  	s23 =	simm.s32 $0x1B8B  }
0xa2: {  	_ =	swait.ge [sflag:s23], $0x1  }
0xa3: {  	[sflag:s23] =	ssyncset.done $0x0  }
0xa4: {  	s25 =	simm.s32 $0x1B8E;
	s24 =	sld [smem:$0x3FFE];
	[sflag:s23] =	ssyncadd.s32 $0xFFFFFFFF  }
0xa5: {  	s26 =	simm.s32 $execute0_lowered;
	[smem:$0x3FD2] =	sst s25  }
0xa6: {  	s4 =	sshll.u32 s26, $0x1;
	_ =	strace $0x80000046;
	[dreg:$0x1] =	wrdreg $0xFFFFFFFF  }
0xa7: {  	s28 =	simm.s32 $_size_execute0_lowered;
	s2 =	sadd.s32 s2, s4;
	[dreg:$0x0] =	wrdreg $0x0  }
0xa8: {  	s4 =	sshll.u32 s28, $0x1;
	[dreg:$0x2] =	wrdreg s2  }
0xa9: {  	[dreg:$0x3] =	wrdreg s4  }
0xaa: {  	[dreg:$0x4] =	wrdreg $0xC0  }
0xab: {  	_ =	task [dreg:s6], $0x5FFFF  }
0xac: {  	[dreg:$0x1] =	wrdreg $0xFFFFFFFF  }
0xad: {  	[dreg:$0x0] =	wrdreg $0x60  }
0xae: {  	[dreg:$0x2] =	wrdreg s24  }
0xaf: {  	[dreg:$0x3] =	wrdreg $0x92F00  }
0xb0: {  	[dreg:$0x4] =	wrdreg $0x9F300  }
0xb1: {  	[dreg:$0x5] =	wrdreg $0x9  }
0xb2: {  	_ =	task.clear_ibuf [dreg:s6], $0x6FFFF;
	_ =	strace $0x90000046  }
0xb3: {  	s29 =	simm.s32 $0x9;
	_ =	strace $0x80000048  }
0xb4: {  	_ =	swait.ge [sflag:s29], $0x1  }
0xb5: {  	[sflag:s29] =	ssyncadd.s32 $0xFFFFFFFF  }
0xb6: {  	_ =	strace $0x90000048  }
0xb7: {  	_ =	sfence  }
0xb8: {  	s30 =	sld [smem:$0x0];
	_ =	sdelay $0x2  }
0xb9: {  	s31 =	sshll.u32 s1, $0xD;
	s1 =	sshrl.u32 s1, $0x2  }
0xba: {  	s3 =	sand.u32 $0x4000, s31;
	s1 =	sadd.s32 s1, s30  }
0xbb: {  	s0 =	sor.u32 s3, s0;
	s1 =	sshll.u32 s1, $0x11  }
0xbc: {  	s0 =	sor.u32 s1, s0  }
0xbd: {  	s0 =	sadd.s32 $0x8F2B, s0  }
0xbe: {  	[sflag:s0] =	ssyncadd.remote.s32 $0x1  }
0xbf: {  	_ =	sfence.sel $0xFFFF  }
0xc0: {  	[dreg:$0x0] =	wrdreg $0xFFFFFFFF;
	(pc) =	sbr.abs _section_cstart, $3  }
0xc1: {  	[dreg:$0x1] =	wrdreg $0xFFFFFFFF  }
0xc2: {  	_ =	task.clear_ibuf [dreg:s6], $0x2FFFF;
	_ =	strace $0x9FFFFFFF  }
0xc3: {  	(tm) =	ssettm $0x7FFFFFFF  }
tec
execute0_lowered:
.L_overlay_start_1:
0x0: {  	(tag) =	ssettag $0x1  }
0x1: {  	s4 =	rddreg [dreg:$0x0]  }
0x2: {  	s1 =	rddreg [dreg:$0x1]  }
0x3: {  	s2 =	rddreg [dreg:$0x2]  }
0x4: {  	s0 =	srdreg.scid;
	s3 =	simm.s32 $0x0;
	s12 =	stileid.u32  }
0x5: {  	s14 =	simm.s32 $0x1000;
	s22 =	simm.s32 $0x1580;
	s23 =	simm.s32 $0x1780  }
0x6: {  	s24 =	simm.s32 $0x1980;
	s25 =	simm.s32 $0x1B80;
	s26 =	simm.s32 $0x1D80  }
0x7: {  	s28 =	simm.s32 $0x1;
	s29 =	simm.s32 $0x8B80;
	s13 =	smul.u32 $0xC40, s12  }
0x8: {  	s30 =	simm.s32 $0x9280;
	s0 =	sand.u32 $0x1, s0;
	s10 =	smul.u32 $0x18800, s12  }
0x9: {  	[smem:$0x7FF] =	sst s3;
	s6 =	sadd.s32 $0xC5000, s4;
	s11 =	smul.u32 $0xC80, s12  }
0xa: {  	s19 =	smul.u32 $0x1900, s12;
	_ =	strace $0x80000047;
	[dreg:$0xb] =	wrdreg s6  }
0xb: {  	s31 =	simm.s32 $0x8F00;
	s5 =	smul.u32 $0xC800, s0;
	[dreg:$0x6] =	wrdreg s22  }
0xc: {  	s9 =	sadd.s32 $0x1000, s4;
	s15 =	smul.u32 $0xC400, s0;
	[dreg:$0x7] =	wrdreg s23  }
0xd: {  	s8 =	ssub.s32 $0x2, s0;
	s22 =	simm.s32 $0x2F80;
	[dreg:$0x8] =	wrdreg s24  }
0xe: {  	s23 =	simm.s32 $0x3180;
	s24 =	simm.s32 $0x3380;
	[dreg:$0x9] =	wrdreg s25  }
0xf: {  	v35 =	vlaneseq.u32;
	p0 =	sne.s32 s0, $0x0;
	s25 =	simm.s32 $0x3580;
	[dreg:$0xa] =	wrdreg s26  }
0x10: {  	v0 =	vmul.u32 $0x8, v35;
	s0 =	simm.s32 $0x3780;
	s26 =	simm.s32 $0x3980;
	s16 =	sshrl.u32 s8, $0x1  }
0x11: {  	v1 =	vimm.f32 $1.000000000e+00;
	v33 =	vimm.f32 $0.0e+00;
	s17 =	sshrl.u32 s10, $0x2;
	s18 =	sadd.s32 s19, s9;
	[dreg:$0xc] =	wrdreg s13  }
0x12: {  	v34 =	vshrl.u32 v35, $0x2;
	v35 =	vand.u32 $0x3, v35;
	v2 =	vor.u32 $0x80, v0;
	s19 =	simm.s32 $0x2980;
	s7 =	sadd.s32 s5, s4;
	s6 =	sadd.s32 s15, s4  }
0x13: {  	v3 =	vor.u32 $0x100, v0;
	v4 =	vor.u32 $0x180, v0;
	v5 =	vor.u32 $0x200, v0;
	s4 =	sadd.s32 $0x64000, s4;
	s5 =	sadd.s32 s5, s9;
	s12 =	sadd.s32 s17, s1  }
0x14: {  	v6 =	vor.u32 $0x280, v0;
	v7 =	vor.u32 $0x300, v0;
	v8 =	vor.u32 $0x380, v0;
	s15 =	simm.s32 $0x3;
	s9 =	simm.s32 $0x4B80;
	[dreg:$0xd] =	wrdreg s4  }
0x15: {  	v9 =	vor.u32 $0x400, v0;
	v10 =	vor.u32 $0x480, v0;
	v11 =	vor.u32 $0x500, v0;
	s4 =	ssub.s32 s8, s16;
	s8 =	sadd.s32 $0x4B800, s6;
	s5 =	sadd.s32 s11, s5  }
0x16: {  	v12 =	vor.u32 $0x580, v0;
	v13 =	vor.u32 $0x600, v0;
	v14 =	vor.u32 $0x680, v0;
	s7 =	sadd.s32 s11, s7;
	s21 =	sadd.s32 s13, s6;
	[dreg:$0xf] =	wrdreg s12  }
0x17: {  	v15 =	vor.u32 $0x700, v0;
	v16 =	vor.u32 $0x780, v0;
	v17 =	vor.u32 $0x800, v0;
	s16 =	simm.s32 $0x2780;
	s4 =	smax.u32 s4, $0x1;
	[dreg:$0x4] =	wrdreg s5  }
0x18: {  	v18 =	vor.u32 $0x880, v0;
	v19 =	vor.u32 $0x900, v0;
	v20 =	vor.u32 $0x980, v0;
	s13 =	simm.s32 $0x5B80;
	s20 =	sadd.s32 $0x1A000, s7;
	[dreg:$0xe] =	wrdreg s4  }
0x19: {  	v21 =	vor.u32 $0xA00, v0;
	v22 =	vor.u32 $0xA80, v0;
	v23 =	vor.u32 $0xB00, v0;
	s6 =	simm.s32 $0x2;
	s5 =	sadd.s32 $0x33000, s21;
	[dreg:$0x5] =	wrdreg s20  }
0x1a: {  	v24 =	vor.u32 $0xB80, v0;
	v25 =	vor.u32 $0xC00, v0;
	v26 =	vor.u32 $0xC80, v0;
	s21 =	simm.s32 $0x2D80;
	s7 =	simm.s32 $0x7B80;
	[dreg:$0x10] =	wrdreg s5  }
0x1b: {  	v27 =	vor.u32 $0xD00, v0;
	v28 =	vor.u32 $0xD80, v0;
	v29 =	vor.u32 $0xE00, v0;
	s4 =	sadd.s32 s17, s2;
	s17 =	simm.s32 $0x200;
	s20 =	simm.s32 $0x2B80  }
0x1c: {  	v30 =	vor.u32 $0xE80, v0;
	v31 =	vor.u32 $0xF00, v0;
	v32 =	vor.u32 $0xF80, v0;
	s5 =	simm.s32 $0x6B80;
	[dreg:$0x11] =	wrdreg s4;
	s4 =	simm.s32 $0x0  }
.LBB2_1:
0x1d: {  	_ =	sdelay $0x3  }
0x1e: {  	[tilespmem:v0+s3+$0x0] =	vst.idx.msk $0xffff, v1  }
0x1f: {  	[tilespmem:v2+s3+$0x0] =	vst.idx.msk $0xffff, v1  }
0x20: {  	[tilespmem:v3+s3+$0x0] =	vst.idx.msk $0xffff, v1  }
0x21: {  	[tilespmem:v4+s3+$0x0] =	vst.idx.msk $0xffff, v1  }
0x22: {  	[tilespmem:v5+s3+$0x0] =	vst.idx.msk $0xffff, v1  }
0x23: {  	[tilespmem:v6+s3+$0x0] =	vst.idx.msk $0xffff, v1  }
0x24: {  	[tilespmem:v7+s3+$0x0] =	vst.idx.msk $0xffff, v1  }
0x25: {  	[tilespmem:v8+s3+$0x0] =	vst.idx.msk $0xffff, v1  }
0x26: {  	[tilespmem:v9+s3+$0x0] =	vst.idx.msk $0xffff, v1  }
0x27: {  	[tilespmem:v10+s3+$0x0] =	vst.idx.msk $0xffff, v1  }
0x28: {  	[tilespmem:v11+s3+$0x0] =	vst.idx.msk $0xffff, v1  }
0x29: {  	[tilespmem:v12+s3+$0x0] =	vst.idx.msk $0xffff, v1  }
0x2a: {  	[tilespmem:v13+s3+$0x0] =	vst.idx.msk $0xffff, v1  }
0x2b: {  	[tilespmem:v14+s3+$0x0] =	vst.idx.msk $0xffff, v1  }
0x2c: {  	[tilespmem:v15+s3+$0x0] =	vst.idx.msk $0xffff, v1  }
0x2d: {  	[tilespmem:v16+s3+$0x0] =	vst.idx.msk $0xffff, v1  }
0x2e: {  	[tilespmem:v17+s3+$0x0] =	vst.idx.msk $0xffff, v1  }
0x2f: {  	[tilespmem:v18+s3+$0x0] =	vst.idx.msk $0xffff, v1  }
0x30: {  	[tilespmem:v19+s3+$0x0] =	vst.idx.msk $0xffff, v1  }
0x31: {  	[tilespmem:v20+s3+$0x0] =	vst.idx.msk $0xffff, v1  }
0x32: {  	[tilespmem:v21+s3+$0x0] =	vst.idx.msk $0xffff, v1  }
0x33: {  	[tilespmem:v22+s3+$0x0] =	vst.idx.msk $0xffff, v1  }
0x34: {  	[tilespmem:v23+s3+$0x0] =	vst.idx.msk $0xffff, v1  }
0x35: {  	[tilespmem:v24+s3+$0x0] =	vst.idx.msk $0xffff, v1  }
0x36: {  	[tilespmem:v25+s3+$0x0] =	vst.idx.msk $0xffff, v1  }
0x37: {  	[tilespmem:v26+s3+$0x0] =	vst.idx.msk $0xffff, v1  }
0x38: {  	[tilespmem:v27+s3+$0x0] =	vst.idx.msk $0xffff, v1  }
0x39: {  	[tilespmem:v28+s3+$0x0] =	vst.idx.msk $0xffff, v1  }
0x3a: {  	[tilespmem:v29+s3+$0x0] =	vst.idx.msk $0xffff, v1  }
0x3b: {  	[tilespmem:v30+s3+$0x0] =	vst.idx.msk $0xffff, v1  }
0x3c: {  	[tilespmem:v31+s3+$0x0] =	vst.idx.msk $0xffff, v1  }
0x3d: {  	[tilespmem:v32+s3+$0x0] =	vst.idx.msk $0xffff, v1  }
0x3e: {  	[tilespmem:v0+s14+$0x0] =	vst.idx.msk $0xffff, v33  }
0x3f: {  	[tilespmem:v2+s14+$0x0] =	vst.idx.msk $0xffff, v33  }
0x40: {  	[tilespmem:v3+s14+$0x0] =	vst.idx.msk $0xffff, v33  }
0x41: {  	[tilespmem:v4+s14+$0x0] =	vst.idx.msk $0xffff, v33  }
0x42: {  	[tilespmem:v5+s14+$0x0] =	vst.idx.msk $0xffff, v33  }
0x43: {  	[tilespmem:v6+s14+$0x0] =	vst.idx.msk $0xffff, v33  }
0x44: {  	[dreg:$0x12] =	wrdreg s4;
	s10 =	sadd.s32 $0x0, s12;
	[tilespmem:v7+s14+$0x0] =	vst.idx.msk $0xffff, v33  }
0x45: {  	[spmem:s10] =	stream.linear.scatter [tilespmem:s14], [sflag:$0x3], $0x380, $0x38;
	[tilespmem:$0xD030] =	vst v63  }
0x46: {  	s10 =	simm.s32 $0xE00;
	_ =	swait.ge [sflag:s15], $0x380  }
.LBB2_2:
0x47: {  	s11 =	sshra.s32 s10, $0x2;
	[sflag:s15] =	ssyncset.done $0x0;
	p1 =	sne.s32 s10, $0x17A00  }
.Ltmp0:
0x48: {  	s11 =	sadd.s32 s11, s12;
	[sflag:s15] =	ssyncadd.s32 $0xFFFFFC80;
	(pc) =	sbr.rel @p1 .LBB2_2-.Ltmp0, $3  }
0x49: {  	[spmem:s11] =	stream.linear.scatter [tilespmem:s14], [sflag:$0x3], $0x380, $0x38;
	[tilespmem:$0xD030] =	vst v63  }
0x4a: {  	s10 =	sadd.s32 $0xE00, s10;
	_ =	sdelay $0x1  }
0x4b: {  	_ =	swait.ge [sflag:s15], $0x380  }
0x4c: {  	[sflag:s15] =	ssyncset.done $0x0  }
0x4d: {  	[sflag:s15] =	ssyncadd.s32 $0xFFFFFC80  }
0x4e: {  	s10 =	sadd.s32 $0x0, s18;
	[bflag:$0x0] =	sbarrier.arrive $0xFFFF  }
0x4f: {  	[tilespmem:s16], [sflag:$0x3] =	stream.linear.gather [hbm4b:s10+s3], $0x1400, $0x38;
	[tilespmem:$0xD030] =	vst v63  }
0x50: {  	_ =	swait.ge [sflag:s15], $0x1400  }
0x51: {  	[sflag:s15] =	ssyncset.done $0x0  }
0x52: {  	[sflag:s15] =	ssyncadd.s32 $0xFFFFEC00  }
0x53: {  	[spmem:s1] =	stream.indirect.scatter.add.f32 [tilespmem:s3], [sflag:$0x1], $0x1, s16, s17, $0xb8;
	[tilespmem:$0xD030] =	vst v63  }
0x54: {  	_ = 	snop  }
0x55: {  	[spmem:s1] =	stream.indirect.scatter.add.f32 [tilespmem:s3], [sflag:$0x1], $0x1, s19, s17, $0xb8;
	[tilespmem:$0xD030] =	vst v63  }
0x56: {  	_ = 	snop  }
0x57: {  	[spmem:s1] =	stream.indirect.scatter.add.f32 [tilespmem:s3], [sflag:$0x1], $0x1, s20, s17, $0xb8;
	[tilespmem:$0xD030] =	vst v63  }
0x58: {  	_ = 	snop  }
0x59: {  	[spmem:s1] =	stream.indirect.scatter.add.f32 [tilespmem:s3], [sflag:$0x1], $0x1, s21, s17, $0xb8;
	[tilespmem:$0xD030] =	vst v63  }
0x5a: {  	_ = 	snop  }
0x5b: {  	[spmem:s1] =	stream.indirect.scatter.add.f32 [tilespmem:s3], [sflag:$0x1], $0x1, s22, s17, $0xb8;
	[tilespmem:$0xD030] =	vst v63  }
0x5c: {  	_ = 	snop  }
0x5d: {  	[spmem:s1] =	stream.indirect.scatter.add.f32 [tilespmem:s3], [sflag:$0x1], $0x1, s23, s17, $0xb8;
	[tilespmem:$0xD030] =	vst v63  }
0x5e: {  	_ = 	snop  }
0x5f: {  	[spmem:s1] =	stream.indirect.scatter.add.f32 [tilespmem:s3], [sflag:$0x1], $0x1, s24, s17, $0xb8;
	[tilespmem:$0xD030] =	vst v63  }
0x60: {  	_ = 	snop  }
0x61: {  	[spmem:s1] =	stream.indirect.scatter.add.f32 [tilespmem:s3], [sflag:$0x1], $0x1, s25, s17, $0xb8;
	[tilespmem:$0xD030] =	vst v63  }
0x62: {  	_ = 	snop  }
0x63: {  	[spmem:s1] =	stream.indirect.scatter.add.f32 [tilespmem:s3], [sflag:$0x1], $0x1, s0, s17, $0xb8;
	[tilespmem:$0xD030] =	vst v63  }
0x64: {  	_ = 	snop  }
0x65: {  	[spmem:s1] =	stream.indirect.scatter.add.f32 [tilespmem:s3], [sflag:$0x1], $0x1, s26, s17, $0xb8;
	[tilespmem:$0xD030] =	vst v63  }
0x66: {  	_ =	swait.ge [sflag:s28], $0x200  }
0x67: {  	[sflag:s28] =	ssyncset.done $0x0  }
0x68: {  	[sflag:s28] =	ssyncadd.s32 $0xFFFFFE00  }
0x69: {  	_ =	swait.ge [sflag:s28], $0x200  }
0x6a: {  	[sflag:s28] =	ssyncset.done $0x0  }
0x6b: {  	[sflag:s28] =	ssyncadd.s32 $0xFFFFFE00  }
0x6c: {  	_ =	swait.ge [sflag:s28], $0x200  }
0x6d: {  	[sflag:s28] =	ssyncset.done $0x0  }
0x6e: {  	[sflag:s28] =	ssyncadd.s32 $0xFFFFFE00  }
0x6f: {  	_ =	swait.ge [sflag:s28], $0x200  }
0x70: {  	[sflag:s28] =	ssyncset.done $0x0  }
0x71: {  	[sflag:s28] =	ssyncadd.s32 $0xFFFFFE00  }
0x72: {  	_ =	swait.ge [sflag:s28], $0x200  }
0x73: {  	[sflag:s28] =	ssyncset.done $0x0  }
0x74: {  	[sflag:s28] =	ssyncadd.s32 $0xFFFFFE00  }
0x75: {  	_ =	swait.ge [sflag:s28], $0x200  }
0x76: {  	[sflag:s28] =	ssyncset.done $0x0  }
0x77: {  	[sflag:s28] =	ssyncadd.s32 $0xFFFFFE00  }
0x78: {  	_ =	swait.ge [sflag:s28], $0x200  }
0x79: {  	[sflag:s28] =	ssyncset.done $0x0  }
0x7a: {  	[sflag:s28] =	ssyncadd.s32 $0xFFFFFE00  }
0x7b: {  	_ =	swait.ge [sflag:s28], $0x200  }
0x7c: {  	[sflag:s28] =	ssyncset.done $0x0  }
0x7d: {  	s12 =	simm.s32 $0x500;
	s4 =	simm.s32 $0x2780;
	[sflag:s28] =	ssyncadd.s32 $0xFFFFFE00  }
0x7e: {  	s10 =	simm.s32 $0x280;
	s16 =	simm.s32 $0x3980;
	_ =	swait.ge [sflag:s28], $0x200  }
0x7f: {  	s20 =	simm.s32 $0x2980;
	s21 =	simm.s32 $0x2B80;
	[sflag:s28] =	ssyncset.done $0x0  }
0x80: {  	s22 =	simm.s32 $0x2D80;
	s23 =	simm.s32 $0x2F80;
	[sflag:s28] =	ssyncadd.s32 $0xFFFFFE00  }
0x81: {  	s24 =	simm.s32 $0x3180;
	s25 =	simm.s32 $0x3380;
	_ =	swait.ge [sflag:s28], $0x200  }
0x82: {  	s0 =	simm.s32 $0x3780;
	s26 =	simm.s32 $0x3580;
	[sflag:s28] =	ssyncset.done $0x0  }
.LBB2_4:
0x83: {  	s19 =	smov.u32 s18;
	s18 =	sadd.s32 s10, s18  }
0x84: {  	[sflag:s28] =	ssyncadd.s32 $0xFFFFFE00;
	s10 =	smov.u32 s12;
	s11 =	sadd.s32 $0x280, s12  }
0x85: {  	[tilespmem:s4], [sflag:$0x3] =	stream.linear.gather [hbm4b:s18+s3], $0x1400, $0x38;
	[tilespmem:$0xD030] =	vst v63  }
0x86: {  	s18 =	smov.u32 s19  }
0x87: {  	p1 =	sne.s32 s12, $0x1680;
	_ =	swait.ge [sflag:s15], $0x1400  }
0x88: {  	[sflag:s15] =	ssyncset.done $0x0  }
0x89: {  	[sflag:s15] =	ssyncadd.s32 $0xFFFFEC00  }
0x8a: {  	[spmem:s1] =	stream.indirect.scatter.add.f32 [tilespmem:s3], [sflag:$0x1], $0x1, s4, s17, $0xb8;
	[tilespmem:$0xD030] =	vst v63  }
0x8b: {  	_ = 	snop  }
0x8c: {  	[spmem:s1] =	stream.indirect.scatter.add.f32 [tilespmem:s3], [sflag:$0x1], $0x1, s20, s17, $0xb8;
	[tilespmem:$0xD030] =	vst v63  }
0x8d: {  	_ = 	snop  }
0x8e: {  	[spmem:s1] =	stream.indirect.scatter.add.f32 [tilespmem:s3], [sflag:$0x1], $0x1, s21, s17, $0xb8;
	[tilespmem:$0xD030] =	vst v63  }
0x8f: {  	_ = 	snop  }
0x90: {  	[spmem:s1] =	stream.indirect.scatter.add.f32 [tilespmem:s3], [sflag:$0x1], $0x1, s22, s17, $0xb8;
	[tilespmem:$0xD030] =	vst v63  }
0x91: {  	_ = 	snop  }
0x92: {  	[spmem:s1] =	stream.indirect.scatter.add.f32 [tilespmem:s3], [sflag:$0x1], $0x1, s23, s17, $0xb8;
	[tilespmem:$0xD030] =	vst v63  }
0x93: {  	_ = 	snop  }
0x94: {  	[spmem:s1] =	stream.indirect.scatter.add.f32 [tilespmem:s3], [sflag:$0x1], $0x1, s24, s17, $0xb8;
	[tilespmem:$0xD030] =	vst v63  }
0x95: {  	_ = 	snop  }
0x96: {  	[spmem:s1] =	stream.indirect.scatter.add.f32 [tilespmem:s3], [sflag:$0x1], $0x1, s25, s17, $0xb8;
	[tilespmem:$0xD030] =	vst v63  }
0x97: {  	_ = 	snop  }
0x98: {  	[spmem:s1] =	stream.indirect.scatter.add.f32 [tilespmem:s3], [sflag:$0x1], $0x1, s26, s17, $0xb8;
	[tilespmem:$0xD030] =	vst v63  }
0x99: {  	_ = 	snop  }
0x9a: {  	[spmem:s1] =	stream.indirect.scatter.add.f32 [tilespmem:s3], [sflag:$0x1], $0x1, s0, s17, $0xb8;
	[tilespmem:$0xD030] =	vst v63  }
0x9b: {  	_ = 	snop  }
0x9c: {  	[spmem:s1] =	stream.indirect.scatter.add.f32 [tilespmem:s3], [sflag:$0x1], $0x1, s16, s17, $0xb8;
	[tilespmem:$0xD030] =	vst v63  }
0x9d: {  	_ =	swait.ge [sflag:s28], $0x200  }
0x9e: {  	[sflag:s28] =	ssyncset.done $0x0  }
0x9f: {  	[sflag:s28] =	ssyncadd.s32 $0xFFFFFE00  }
0xa0: {  	_ =	swait.ge [sflag:s28], $0x200  }
0xa1: {  	[sflag:s28] =	ssyncset.done $0x0  }
0xa2: {  	[sflag:s28] =	ssyncadd.s32 $0xFFFFFE00  }
0xa3: {  	_ =	swait.ge [sflag:s28], $0x200  }
0xa4: {  	[sflag:s28] =	ssyncset.done $0x0  }
0xa5: {  	[sflag:s28] =	ssyncadd.s32 $0xFFFFFE00  }
0xa6: {  	_ =	swait.ge [sflag:s28], $0x200  }
0xa7: {  	[sflag:s28] =	ssyncset.done $0x0  }
0xa8: {  	[sflag:s28] =	ssyncadd.s32 $0xFFFFFE00  }
0xa9: {  	_ =	swait.ge [sflag:s28], $0x200  }
0xaa: {  	[sflag:s28] =	ssyncset.done $0x0  }
0xab: {  	[sflag:s28] =	ssyncadd.s32 $0xFFFFFE00  }
0xac: {  	_ =	swait.ge [sflag:s28], $0x200  }
0xad: {  	[sflag:s28] =	ssyncset.done $0x0  }
0xae: {  	[sflag:s28] =	ssyncadd.s32 $0xFFFFFE00  }
0xaf: {  	_ =	swait.ge [sflag:s28], $0x200  }
0xb0: {  	[sflag:s28] =	ssyncset.done $0x0  }
0xb1: {  	[sflag:s28] =	ssyncadd.s32 $0xFFFFFE00  }
0xb2: {  	_ =	swait.ge [sflag:s28], $0x200  }
0xb3: {  	[sflag:s28] =	ssyncset.done $0x0  }
0xb4: {  	[sflag:s28] =	ssyncadd.s32 $0xFFFFFE00  }
.Ltmp1:
0xb5: {  	_ =	swait.ge [sflag:s28], $0x200;
	(pc) =	sbr.rel @p1 .LBB2_4-.Ltmp1, $4  }
0xb6: {  	[sflag:s28] =	ssyncset.done $0x0  }
0xb7: {  	[sflag:s28] =	ssyncadd.s32 $0xFFFFFE00  }
0xb8: {  	_ =	swait.ge [sflag:s28], $0x200  }
0xb9: {  	s12 =	smov.u32 s11;
	[sflag:s28] =	ssyncset.done $0x0  }
0xba: {  	s10 =	sadd.s32 s10, s18;
	[sflag:s28] =	ssyncadd.s32 $0xFFFFFE00  }
0xbb: {  	[tilespmem:s4], [sflag:$0x3] =	stream.linear.gather [hbm4b:s10+s3], $0x1400, $0x38;
	[tilespmem:$0xD030] =	vst v63  }
0xbc: {  	_ =	swait.ge [sflag:s15], $0x1400  }
0xbd: {  	[sflag:s15] =	ssyncset.done $0x0  }
0xbe: {  	[sflag:s15] =	ssyncadd.s32 $0xFFFFEC00  }
0xbf: {  	[spmem:s1] =	stream.indirect.scatter.add.f32 [tilespmem:s3], [sflag:$0x1], $0x1, s4, s17, $0xb8;
	[tilespmem:$0xD030] =	vst v63  }
0xc0: {  	_ = 	snop  }
0xc1: {  	[spmem:s1] =	stream.indirect.scatter.add.f32 [tilespmem:s3], [sflag:$0x1], $0x1, s20, s17, $0xb8;
	[tilespmem:$0xD030] =	vst v63  }
0xc2: {  	_ = 	snop  }
0xc3: {  	[spmem:s1] =	stream.indirect.scatter.add.f32 [tilespmem:s3], [sflag:$0x1], $0x1, s21, s17, $0xb8;
	[tilespmem:$0xD030] =	vst v63  }
0xc4: {  	_ = 	snop  }
0xc5: {  	[spmem:s1] =	stream.indirect.scatter.add.f32 [tilespmem:s3], [sflag:$0x1], $0x1, s22, s17, $0xb8;
	[tilespmem:$0xD030] =	vst v63  }
0xc6: {  	_ = 	snop  }
0xc7: {  	[spmem:s1] =	stream.indirect.scatter.add.f32 [tilespmem:s3], [sflag:$0x1], $0x1, s23, s17, $0xb8;
	[tilespmem:$0xD030] =	vst v63  }
0xc8: {  	_ = 	snop  }
0xc9: {  	[spmem:s1] =	stream.indirect.scatter.add.f32 [tilespmem:s3], [sflag:$0x1], $0x1, s24, s17, $0xb8;
	[tilespmem:$0xD030] =	vst v63  }
0xca: {  	_ = 	snop  }
0xcb: {  	[spmem:s1] =	stream.indirect.scatter.add.f32 [tilespmem:s3], [sflag:$0x1], $0x1, s25, s17, $0xb8;
	[tilespmem:$0xD030] =	vst v63  }
0xcc: {  	_ = 	snop  }
0xcd: {  	[spmem:s1] =	stream.indirect.scatter.add.f32 [tilespmem:s3], [sflag:$0x1], $0x1, s26, s17, $0xb8;
	[tilespmem:$0xD030] =	vst v63  }
0xce: {  	_ = 	snop  }
0xcf: {  	[spmem:s1] =	stream.indirect.scatter.add.f32 [tilespmem:s3], [sflag:$0x1], $0x1, s0, s17, $0xb8;
	[tilespmem:$0xD030] =	vst v63  }
0xd0: {  	_ = 	snop  }
0xd1: {  	[spmem:s1] =	stream.indirect.scatter.add.f32 [tilespmem:s3], [sflag:$0x1], $0x1, s16, s17, $0xb8;
	[tilespmem:$0xD030] =	vst v63  }
0xd2: {  	_ =	swait.ge [sflag:s28], $0x200  }
0xd3: {  	[sflag:s28] =	ssyncset.done $0x0  }
0xd4: {  	[sflag:s28] =	ssyncadd.s32 $0xFFFFFE00  }
0xd5: {  	_ =	swait.ge [sflag:s28], $0x200  }
0xd6: {  	[sflag:s28] =	ssyncset.done $0x0  }
0xd7: {  	[sflag:s28] =	ssyncadd.s32 $0xFFFFFE00  }
0xd8: {  	_ =	swait.ge [sflag:s28], $0x200  }
0xd9: {  	[sflag:s28] =	ssyncset.done $0x0  }
0xda: {  	[sflag:s28] =	ssyncadd.s32 $0xFFFFFE00  }
0xdb: {  	_ =	swait.ge [sflag:s28], $0x200  }
0xdc: {  	[sflag:s28] =	ssyncset.done $0x0  }
0xdd: {  	[sflag:s28] =	ssyncadd.s32 $0xFFFFFE00  }
0xde: {  	_ =	swait.ge [sflag:s28], $0x200  }
0xdf: {  	[sflag:s28] =	ssyncset.done $0x0  }
0xe0: {  	[sflag:s28] =	ssyncadd.s32 $0xFFFFFE00  }
0xe1: {  	_ =	swait.ge [sflag:s28], $0x200  }
0xe2: {  	[sflag:s28] =	ssyncset.done $0x0  }
0xe3: {  	[sflag:s28] =	ssyncadd.s32 $0xFFFFFE00  }
0xe4: {  	_ =	swait.ge [sflag:s28], $0x200  }
0xe5: {  	[sflag:s28] =	ssyncset.done $0x0  }
0xe6: {  	[sflag:s28] =	ssyncadd.s32 $0xFFFFFE00  }
0xe7: {  	_ =	swait.ge [sflag:s28], $0x200  }
0xe8: {  	[sflag:s28] =	ssyncset.done $0x0  }
0xe9: {  	[sflag:s28] =	ssyncadd.s32 $0xFFFFFE00  }
0xea: {  	_ =	swait.ge [sflag:s28], $0x200  }
0xeb: {  	[sflag:s28] =	ssyncset.done $0x0  }
0xec: {  	[sflag:s28] =	ssyncadd.s32 $0xFFFFFE00  }
0xed: {  	_ =	swait.ge [sflag:s28], $0x200  }
0xee: {  	[sflag:s28] =	ssyncset.done $0x0  }
0xef: {  	s10 =	simm.s32 $0x0;
	[sflag:s28] =	ssyncadd.s32 $0xFFFFFE00  }
0xf0: {  	s4 =	simm.s32 $0x1380;
	s0 =	simm.s32 $0x0;
	[bflag:$0x0] =	sbarrier.arrive $0xFFFF  }
.LBB2_6:
0xf1: {  	s11 =	smul.u32 $0x70, s10  }
0xf2: {  	s12 =	rddreg [dreg:$0xc]  }
0xf3: {  	s20 =	sadd.s32 s12, s11  }
0xf4: {  	s16 =	sshll.u32 s20, $0x3  }
0xf5: {  	s23 =	sadd.s32 s16, s1  }
0xf6: {  	[tilespmem:s14], [sflag:$0x3] =	stream.linear.gather [spmem:s23], $0x380, $0x38;
	[tilespmem:$0xD030] =	vst v63  }
0xf7: {  	v36 =	vmov s0;
	_ =	swait.ge [sflag:s15], $0x380  }
0xf8: {  	v36 =	vshll.u32 v36, $0x3;
	[sflag:s15] =	ssyncset.done $0x0;
	s24 =	rddreg [dreg:$0xb]  }
0xf9: {  	v36 =	vor.u32 v0, v36;
	[sflag:s15] =	ssyncadd.s32 $0xFFFFFC80;
	s11 =	sadd.s32 s24, s20  }
0xfa: {  	[tilespmem:s29], [sflag:$0x3] =	stream.linear.gather [hbm4b:s11+s0], $0x380, $0x38;
	[tilespmem:$0xD030] =	vst v63  }
0xfb: {  	_ =	swait.ge [sflag:s15], $0x380  }
0xfc: {  	[sflag:s15] =	ssyncset.done $0x0  }
0xfd: {  	[sflag:s15] =	ssyncadd.s32 $0xFFFFFC80  }
0xfe: {  	v36 =	vld.idx.msk [tilespmem:v36+s14+$0x0], $0xffff;
	_ =	sdelay $0x4  }
0xff: {  	v36 =	vadd.f32 $1.000000000e+00, v36;
	_ =	sdelay $0x1  }
0x100: {  	v37 =	vshra.s32 v36, $0x1;
	v36 =	vmul.f32 $5.000000000e-01, v36  }
0x101: {  	v37 =	vsub.s32 $0x5F3759DF, v37  }
0x102: {  	v38 =	vmul.f32 v37, v36;
	_ =	sdelay $0x1  }
0x103: {  	v38 =	vmul.f32 v37, v38;
	_ =	sdelay $0x1  }
0x104: {  	v38 =	vsub.f32 $1.500000000e+00, v38;
	_ =	sdelay $0x1  }
0x105: {  	v37 =	vmul.f32 v37, v38;
	_ =	sdelay $0x1  }
0x106: {  	v38 =	vmul.f32 v37, v36;
	_ =	sdelay $0x1  }
0x107: {  	v38 =	vmul.f32 v38, v37;
	_ =	sdelay $0x1  }
0x108: {  	v38 =	vsub.f32 $1.500000000e+00, v38;
	_ =	sdelay $0x1  }
0x109: {  	v37 =	vmul.f32 v38, v37;
	_ =	sdelay $0x1  }
0x10a: {  	v36 =	vmul.f32 v37, v36  }
0x10b: {  	s25 =	simm.s32 $0x10  }
0x10c: {  	v60 =	vmov s25;
	v36 =	vmul.f32 v36, v37  }
0x10d: {  	v38 =	vshll.u32 v60, $0x3  }
0x10e: {  	v38 =	vor.u32 v0, v38;
	v36 =	vsub.f32 $1.500000000e+00, v36;
	_ =	sdelay $0x1  }
0x10f: {  	v36 =	vmul.f32 v36, v37  }
0x110: {  	s11 =	simm.s32 $0x9280  }
0x111: {  	[tilespmem:s11+$0x0] =	vst v36  }
0x112: {  	v36 =	vld.idx.msk [tilespmem:v38+s14+$0x0], $0xffff;
	_ =	sdelay $0x4  }
0x113: {  	v36 =	vadd.f32 $1.000000000e+00, v36;
	_ =	sdelay $0x1  }
0x114: {  	v61 =	vshra.s32 v36, $0x1;
	v62 =	vmul.f32 $5.000000000e-01, v36  }
0x115: {  	v63 =	vsub.s32 $0x5F3759DF, v61  }
0x116: {  	v37 =	vmul.f32 v63, v62;
	_ =	sdelay $0x1  }
0x117: {  	v37 =	vmul.f32 v63, v37;
	_ =	sdelay $0x1  }
0x118: {  	v37 =	vsub.f32 $1.500000000e+00, v37;
	_ =	sdelay $0x1  }
0x119: {  	v36 =	vmul.f32 v63, v37;
	_ =	sdelay $0x1  }
0x11a: {  	v37 =	vmul.f32 v36, v62;
	_ =	sdelay $0x1  }
0x11b: {  	v37 =	vmul.f32 v37, v36;
	_ =	sdelay $0x1  }
0x11c: {  	v37 =	vsub.f32 $1.500000000e+00, v37;
	_ =	sdelay $0x1  }
0x11d: {  	v36 =	vmul.f32 v37, v36;
	_ =	sdelay $0x1  }
0x11e: {  	v37 =	vmul.f32 v36, v62  }
0x11f: {  	s26 =	simm.s32 $0x20  }
0x120: {  	s12 =	simm.s32 $0x30;
	v38 =	vmov s26;
	v37 =	vmul.f32 v37, v36  }
.LBB2_7:
0x121: {  	p1 =	sne.s32 s12, $0x60;
	v38 =	vshll.u32 v38, $0x3  }
0x122: {  	v38 =	vor.u32 v0, v38;
	v37 =	vsub.f32 $1.500000000e+00, v37;
	_ =	sdelay $0x1  }
0x123: {  	v36 =	vmul.f32 v37, v36  }
0x124: {  	s11 =	sadd.s32 $0x10, s11  }
0x125: {  	[tilespmem:s11+$0x0] =	vst v36  }
0x126: {  	v36 =	vld.idx.msk [tilespmem:v38+s14+$0x0], $0xffff;
	_ =	sdelay $0x5  }
0x127: {  	v36 =	vadd.f32 $1.000000000e+00, v36;
	_ =	sdelay $0x1  }
0x128: {  	v37 =	vshra.s32 v36, $0x1;
	v38 =	vmul.f32 $5.000000000e-01, v36  }
0x129: {  	v36 =	vsub.s32 $0x5F3759DF, v37  }
0x12a: {  	v37 =	vmul.f32 v36, v38;
	_ =	sdelay $0x1  }
0x12b: {  	v37 =	vmul.f32 v36, v37;
	_ =	sdelay $0x1  }
0x12c: {  	v37 =	vsub.f32 $1.500000000e+00, v37;
	_ =	sdelay $0x1  }
0x12d: {  	v36 =	vmul.f32 v36, v37;
	_ =	sdelay $0x1  }
0x12e: {  	v37 =	vmul.f32 v36, v38;
	_ =	sdelay $0x1  }
0x12f: {  	v37 =	vmul.f32 v37, v36;
	_ =	sdelay $0x1  }
0x130: {  	v37 =	vsub.f32 $1.500000000e+00, v37;
	_ =	sdelay $0x1  }
.Ltmp2:
0x131: {  	v36 =	vmul.f32 v37, v36;
	(pc) =	sbr.rel @p1 .LBB2_7-.Ltmp2, $3  }
0x132: {  	_ = 	snop  }
0x133: {  	v37 =	vmul.f32 v36, v38;
	_ =	sdelay $0x1  }
0x134: {  	v38 =	vmov s12;
	s12 =	sadd.s32 $0x10, s12;
	v37 =	vmul.f32 v37, v36  }
0x135: {  	v38 =	vshll.u32 v38, $0x3  }
0x136: {  	v38 =	vor.u32 v0, v38;
	v37 =	vsub.f32 $1.500000000e+00, v37;
	_ =	sdelay $0x1  }
0x137: {  	v36 =	vmul.f32 v37, v36  }
0x138: {  	s11 =	sadd.s32 $0x10, s11  }
0x139: {  	[tilespmem:s11+$0x0] =	vst v36  }
0x13a: {  	v36 =	vld.idx.msk [tilespmem:v38+s14+$0x0], $0xffff;
	_ =	sdelay $0x4  }
0x13b: {  	v36 =	vadd.f32 $1.000000000e+00, v36;
	_ =	sdelay $0x1  }
0x13c: {  	v60 =	vshra.s32 v36, $0x1;
	v36 =	vmul.f32 $5.000000000e-01, v36  }
0x13d: {  	v37 =	vsub.s32 $0x5F3759DF, v60  }
0x13e: {  	v61 =	vmul.f32 v37, v36;
	_ =	sdelay $0x1  }
0x13f: {  	v38 =	vmul.f32 v37, v61;
	_ =	sdelay $0x1  }
0x140: {  	v38 =	vsub.f32 $1.500000000e+00, v38;
	_ =	sdelay $0x1  }
0x141: {  	v37 =	vmul.f32 v37, v38;
	_ =	sdelay $0x1  }
0x142: {  	v38 =	vmul.f32 v37, v36;
	_ =	sdelay $0x1  }
0x143: {  	v38 =	vmul.f32 v38, v37;
	_ =	sdelay $0x1  }
0x144: {  	v38 =	vsub.f32 $1.500000000e+00, v38;
	_ =	sdelay $0x1  }
0x145: {  	v37 =	vmul.f32 v38, v37;
	_ =	sdelay $0x1  }
0x146: {  	v36 =	vmul.f32 v37, v36;
	_ =	sdelay $0x1  }
0x147: {  	v36 =	vmul.f32 v36, v37;
	_ =	sdelay $0x1  }
0x148: {  	v36 =	vsub.f32 $1.500000000e+00, v36;
	_ =	sdelay $0x1  }
0x149: {  	v36 =	vmul.f32 v36, v37  }
0x14a: {  	s11 =	sadd.s32 $0x10, s11  }
0x14b: {  	s12 =	sshrl.u32 @!p0 s20, $0x3;
	s18 =	simm.s32 $0x0;
	[tilespmem:s11+$0x0] =	vst v36;
	s11 =	rddreg [dreg:$0xd]  }
0x14c: {  	v62 =	vor.u32 s18, v34;
	s18 =	simm.s32 @!p0 $0x9280;
	s11 =	sadd.s32 @!p0 s11, s12;
	s12 =	simm.s32 @!p0 $0x0  }
0x14d: {  	v63 =	vshll.u32 v62, $0x3;
	[hbm4b:s11+s12] =	stream.linear.scatter @!p0 [tilespmem:s18], [sflag:$0x3], $0x70, $0x38;
	[tilespmem:$0xD030] =	vst v63  }
0x14e: {  	v36 =	vor.u32 v35, v63;
	s11 =	simm.s32 @!p0 $0x3  }
0x14f: {  	_ =	swait.ge @!p0 [sflag:s11], $0x70  }
0x150: {  	[sflag:s11] =	ssyncset.done @!p0 $0x0  }
0x151: {  	[sflag:s11] =	ssyncadd.s32 @!p0 $0xFFFFFF90  }
0x152: {  	v38 =	vld.idx.msk [tilespmem:v62+s30+$0x0], $0xffff  }
0x153: {  	v39 =	vld.idx.msk [tilespmem:v36+s29+$0x0], $0xffff  }
0x154: {  	s26 =	simm.s32 $0x4  }
0x155: {  	v37 =	vor.u32 s26, v34;
	s11 =	simm.s32 $0x8  }
.LBB2_9:
0x156: {  	p1 =	sne.s32 s11, $0x6C;
	v40 =	vshll.u32 v37, $0x3  }
0x157: {  	v40 =	vor.u32 v35, v40  }
0x158: {  	v38 =	vmul.f32 v38, v39;
	_ =	sdelay $0x1  }
0x159: {  	[tilespmem:v36+s31+$0x0] =	vst.idx.msk $0xffff, v38;
	v36 =	vmov v40  }
.Ltmp3:
0x15a: {  	v38 =	vld.idx.msk [tilespmem:v37+s30+$0x0], $0xffff;
	(pc) =	sbr.rel @p1 .LBB2_9-.Ltmp3, $2  }
0x15b: {  	v39 =	vld.idx.msk [tilespmem:v40+s29+$0x0], $0xffff;
	_ =	sdelay $0x2  }
0x15c: {  	v37 =	vor.u32 s11, v34;
	s11 =	sadd.s32 $0x4, s11  }
0x15d: {  	v40 =	vshll.u32 v37, $0x3  }
0x15e: {  	v40 =	vor.u32 v35, v40  }
0x15f: {  	v38 =	vmul.f32 v38, v39;
	_ =	sdelay $0x1  }
0x160: {  	[tilespmem:v36+s31+$0x0] =	vst.idx.msk $0xffff, v38  }
0x161: {  	v36 =	vld.idx.msk [tilespmem:v37+s30+$0x0], $0xffff  }
0x162: {  	v63 =	vld.idx.msk [tilespmem:v40+s29+$0x0], $0xffff;
	_ =	sdelay $0x4  }
0x163: {  	v36 =	vmul.f32 v36, v63;
	_ =	sdelay $0x1  }
0x164: {  	s11 =	sadd.s32 s20, s8;
	[tilespmem:v40+s31+$0x0] =	vst.idx.msk $0xffff, v36  }
0x165: {  	[hbm4b:s11+s3] =	stream.linear.scatter [tilespmem:s31], [sflag:$0x3], $0x380, $0x38;
	[tilespmem:$0xD030] =	vst v63  }
0x166: {  	s10 =	sadd.s32 $0x1, s10;
	_ =	swait.ge [sflag:s15], $0x380  }
0x167: {  	p1 =	sne.s32 s10, $0x1C;
	[sflag:s15] =	ssyncset.done $0x0  }
.Ltmp4:
0x168: {  	s26 =	sadd.s32 s16, s2;
	[sflag:s15] =	ssyncadd.s32 $0xFFFFFC80;
	(pc) =	sbr.rel @p1 .LBB2_6-.Ltmp4, $4  }
0x169: {  	[spmem:s26] =	stream.linear.scatter [tilespmem:s31], [sflag:$0x3], $0x380, $0x38;
	[tilespmem:$0xD030] =	vst v63  }
0x16a: {  	_ =	swait.ge [sflag:s15], $0x380  }
0x16b: {  	[sflag:s15] =	ssyncset.done $0x0  }
0x16c: {  	[sflag:s15] =	ssyncadd.s32 $0xFFFFFC80  }
0x16d: {  	[bflag:$0x0] =	sbarrier.arrive $0xFFFF  }
0x16e: {  	s10 =	rddreg [dreg:$0x5]  }
0x16f: {  	s10 =	sadd.s32 $0x0, s10  }
0x170: {  	[tilespmem:s4], [sflag:$0x3] =	stream.linear.gather [hbm4b:s10+s3], $0x1400, $0x38;
	[tilespmem:$0xD030] =	vst v63  }
0x171: {  	_ =	swait.ge [sflag:s15], $0x1400  }
0x172: {  	s24 =	rddreg [dreg:$0x4];
	[sflag:s15] =	ssyncset.done $0x0  }
0x173: {  	s16 =	simm.s32 $0x2780;
	[sflag:s15] =	ssyncadd.s32 $0xFFFFEC00;
	s10 =	sadd.s32 $0x0, s24  }
0x174: {  	[tilespmem:s16], [sflag:$0x3] =	stream.linear.gather [hbm4b:s10+s3], $0x1400, $0x38;
	[tilespmem:$0xD030] =	vst v63  }
0x175: {  	_ =	swait.ge [sflag:s15], $0x1400  }
0x176: {  	[sflag:s15] =	ssyncset.done $0x0  }
0x177: {  	s0 =	simm.s32 $0x3B80;
	[sflag:s15] =	ssyncadd.s32 $0xFFFFEC00  }
0x178: {  	[tilespmem:s0], [sflag:$0x1] =	stream.indirect.gather [hbm4b:s8+s17], $0x4, s4, s17, $0xb8;
	[tilespmem:$0xD030] =	vst v63  }
0x179: {  	s25 =	rddreg [dreg:$0x6]  }
0x17a: {  	[tilespmem:s9], [sflag:$0x1] =	stream.indirect.gather [hbm4b:s8+s17], $0x4, s25, s17, $0xb8;
	[tilespmem:$0xD030] =	vst v63  }
0x17b: {  	s11 =	rddreg [dreg:$0x7]  }
0x17c: {  	[tilespmem:s13], [sflag:$0x1] =	stream.indirect.gather [hbm4b:s8+s17], $0x4, s11, s17, $0xb8;
	[tilespmem:$0xD030] =	vst v63  }
0x17d: {  	s26 =	rddreg [dreg:$0x8]  }
0x17e: {  	[tilespmem:s5], [sflag:$0x1] =	stream.indirect.gather [hbm4b:s8+s17], $0x4, s26, s17, $0xb8;
	[tilespmem:$0xD030] =	vst v63  }
0x17f: {  	s12 =	rddreg [dreg:$0x9]  }
0x180: {  	[tilespmem:s7], [sflag:$0x1] =	stream.indirect.gather [hbm4b:s8+s17], $0x4, s12, s17, $0xb8;
	[tilespmem:$0xD030] =	vst v63  }
0x181: {  	_ =	swait.ge [sflag:s28], $0x800  }
0x182: {  	[sflag:s28] =	ssyncset.done $0x0  }
0x183: {  	[sflag:s28] =	ssyncadd.s32 $0xFFFFF800  }
0x184: {  	[spmem:s2] =	stream.indirect.scatter.add.f32 [tilespmem:s0], [sflag:$0x2], $0x4, s16, s17, $0xb8;
	[tilespmem:$0xD030] =	vst v63  }
0x185: {  	_ =	swait.ge [sflag:s28], $0x800  }
0x186: {  	[sflag:s28] =	ssyncset.done $0x0  }
0x187: {  	s20 =	simm.s32 $0x2980;
	[sflag:s28] =	ssyncadd.s32 $0xFFFFF800  }
0x188: {  	[spmem:s2] =	stream.indirect.scatter.add.f32 [tilespmem:s9], [sflag:$0x2], $0x4, s20, s17, $0xb8;
	[tilespmem:$0xD030] =	vst v63  }
0x189: {  	_ =	swait.ge [sflag:s28], $0x800  }
0x18a: {  	[sflag:s28] =	ssyncset.done $0x0  }
0x18b: {  	s21 =	simm.s32 $0x2B80;
	[sflag:s28] =	ssyncadd.s32 $0xFFFFF800  }
0x18c: {  	[spmem:s2] =	stream.indirect.scatter.add.f32 [tilespmem:s13], [sflag:$0x2], $0x4, s21, s17, $0xb8;
	[tilespmem:$0xD030] =	vst v63  }
0x18d: {  	_ =	swait.ge [sflag:s28], $0x800  }
0x18e: {  	[sflag:s28] =	ssyncset.done $0x0  }
0x18f: {  	s22 =	simm.s32 $0x2D80;
	[sflag:s28] =	ssyncadd.s32 $0xFFFFF800  }
0x190: {  	[spmem:s2] =	stream.indirect.scatter.add.f32 [tilespmem:s5], [sflag:$0x2], $0x4, s22, s17, $0xb8;
	[tilespmem:$0xD030] =	vst v63  }
0x191: {  	_ =	swait.ge [sflag:s28], $0x800  }
0x192: {  	[sflag:s28] =	ssyncset.done $0x0  }
0x193: {  	s23 =	simm.s32 $0x2F80;
	[sflag:s28] =	ssyncadd.s32 $0xFFFFF800  }
0x194: {  	[spmem:s2] =	stream.indirect.scatter.add.f32 [tilespmem:s7], [sflag:$0x2], $0x4, s23, s17, $0xb8;
	[tilespmem:$0xD030] =	vst v63  }
0x195: {  	_ =	swait.ge [sflag:s6], $0x800  }
0x196: {  	[sflag:s6] =	ssyncset.done $0x0  }
0x197: {  	[sflag:s6] =	ssyncadd.s32 $0xFFFFF800  }
0x198: {  	_ =	swait.ge [sflag:s6], $0x800  }
0x199: {  	[sflag:s6] =	ssyncset.done $0x0  }
0x19a: {  	[sflag:s6] =	ssyncadd.s32 $0xFFFFF800  }
0x19b: {  	_ =	swait.ge [sflag:s6], $0x800  }
0x19c: {  	[sflag:s6] =	ssyncset.done $0x0  }
0x19d: {  	[sflag:s6] =	ssyncadd.s32 $0xFFFFF800  }
0x19e: {  	_ =	swait.ge [sflag:s6], $0x800  }
0x19f: {  	[sflag:s6] =	ssyncset.done $0x0  }
0x1a0: {  	[sflag:s6] =	ssyncadd.s32 $0xFFFFF800  }
0x1a1: {  	_ =	swait.ge [sflag:s6], $0x800  }
0x1a2: {  	[sflag:s6] =	ssyncset.done $0x0  }
0x1a3: {  	s18 =	rddreg [dreg:$0xa];
	[sflag:s6] =	ssyncadd.s32 $0xFFFFF800  }
0x1a4: {  	[tilespmem:s0], [sflag:$0x1] =	stream.indirect.gather [hbm4b:s8+s17], $0x4, s18, s17, $0xb8;
	[tilespmem:$0xD030] =	vst v63  }
0x1a5: {  	s24 =	simm.s32 $0x1F80  }
0x1a6: {  	[tilespmem:s9], [sflag:$0x1] =	stream.indirect.gather [hbm4b:s8+s17], $0x4, s24, s17, $0xb8;
	[tilespmem:$0xD030] =	vst v63  }
0x1a7: {  	s25 =	simm.s32 $0x2180  }
0x1a8: {  	[tilespmem:s13], [sflag:$0x1] =	stream.indirect.gather [hbm4b:s8+s17], $0x4, s25, s17, $0xb8;
	[tilespmem:$0xD030] =	vst v63  }
0x1a9: {  	s26 =	simm.s32 $0x2380  }
0x1aa: {  	[tilespmem:s5], [sflag:$0x1] =	stream.indirect.gather [hbm4b:s8+s17], $0x4, s26, s17, $0xb8;
	[tilespmem:$0xD030] =	vst v63  }
0x1ab: {  	s11 =	simm.s32 $0x2580  }
0x1ac: {  	[tilespmem:s7], [sflag:$0x1] =	stream.indirect.gather [hbm4b:s8+s17], $0x4, s11, s17, $0xb8;
	[tilespmem:$0xD030] =	vst v63  }
0x1ad: {  	_ =	swait.ge [sflag:s28], $0x800  }
0x1ae: {  	[sflag:s28] =	ssyncset.done $0x0  }
0x1af: {  	s24 =	simm.s32 $0x3180;
	[sflag:s28] =	ssyncadd.s32 $0xFFFFF800  }
0x1b0: {  	[spmem:s2] =	stream.indirect.scatter.add.f32 [tilespmem:s0], [sflag:$0x2], $0x4, s24, s17, $0xb8;
	[tilespmem:$0xD030] =	vst v63  }
0x1b1: {  	_ =	swait.ge [sflag:s28], $0x800  }
0x1b2: {  	[sflag:s28] =	ssyncset.done $0x0  }
0x1b3: {  	s25 =	simm.s32 $0x3380;
	[sflag:s28] =	ssyncadd.s32 $0xFFFFF800  }
0x1b4: {  	[spmem:s2] =	stream.indirect.scatter.add.f32 [tilespmem:s9], [sflag:$0x2], $0x4, s25, s17, $0xb8;
	[tilespmem:$0xD030] =	vst v63  }
0x1b5: {  	_ =	swait.ge [sflag:s28], $0x800  }
0x1b6: {  	[sflag:s28] =	ssyncset.done $0x0  }
0x1b7: {  	s26 =	simm.s32 $0x3580;
	[sflag:s28] =	ssyncadd.s32 $0xFFFFF800  }
0x1b8: {  	[spmem:s2] =	stream.indirect.scatter.add.f32 [tilespmem:s13], [sflag:$0x2], $0x4, s26, s17, $0xb8;
	[tilespmem:$0xD030] =	vst v63  }
0x1b9: {  	_ =	swait.ge [sflag:s28], $0x800  }
0x1ba: {  	[sflag:s28] =	ssyncset.done $0x0  }
0x1bb: {  	s12 =	simm.s32 $0x3780;
	[sflag:s28] =	ssyncadd.s32 $0xFFFFF800  }
0x1bc: {  	[spmem:s2] =	stream.indirect.scatter.add.f32 [tilespmem:s5], [sflag:$0x2], $0x4, s12, s17, $0xb8;
	[tilespmem:$0xD030] =	vst v63  }
0x1bd: {  	_ =	swait.ge [sflag:s28], $0x800  }
0x1be: {  	[sflag:s28] =	ssyncset.done $0x0  }
0x1bf: {  	s18 =	simm.s32 $0x3980;
	[sflag:s28] =	ssyncadd.s32 $0xFFFFF800  }
0x1c0: {  	[spmem:s2] =	stream.indirect.scatter.add.f32 [tilespmem:s7], [sflag:$0x2], $0x4, s18, s17, $0xb8;
	[tilespmem:$0xD030] =	vst v63  }
0x1c1: {  	_ =	swait.ge [sflag:s6], $0x800  }
0x1c2: {  	[sflag:s6] =	ssyncset.done $0x0  }
0x1c3: {  	[sflag:s6] =	ssyncadd.s32 $0xFFFFF800  }
0x1c4: {  	_ =	swait.ge [sflag:s6], $0x800  }
0x1c5: {  	[sflag:s6] =	ssyncset.done $0x0  }
0x1c6: {  	[sflag:s6] =	ssyncadd.s32 $0xFFFFF800  }
0x1c7: {  	_ =	swait.ge [sflag:s6], $0x800  }
0x1c8: {  	[sflag:s6] =	ssyncset.done $0x0  }
0x1c9: {  	[sflag:s6] =	ssyncadd.s32 $0xFFFFF800  }
0x1ca: {  	_ =	swait.ge [sflag:s6], $0x800  }
0x1cb: {  	[sflag:s6] =	ssyncset.done $0x0  }
0x1cc: {  	[sflag:s6] =	ssyncadd.s32 $0xFFFFF800  }
0x1cd: {  	s10 =	simm.s32 $0x280;
	_ =	swait.ge [sflag:s6], $0x800  }
0x1ce: {  	s11 =	simm.s32 $0x500;
	s12 =	rddreg [dreg:$0x5];
	[sflag:s6] =	ssyncset.done $0x0  }
.LBB2_12:
0x1cf: {  	[sflag:s6] =	ssyncadd.s32 $0xFFFFF800;
	s12 =	sadd.s32 s10, s12  }
0x1d0: {  	[tilespmem:s4], [sflag:$0x3] =	stream.linear.gather [hbm4b:s12+s3], $0x1400, $0x38;
	[tilespmem:$0xD030] =	vst v63  }
0x1d1: {  	_ =	swait.ge [sflag:s15], $0x1400  }
0x1d2: {  	s12 =	rddreg [dreg:$0x4];
	[sflag:s15] =	ssyncset.done $0x0  }
0x1d3: {  	[sflag:s15] =	ssyncadd.s32 $0xFFFFEC00;
	s12 =	sadd.s32 s10, s12  }
0x1d4: {  	[tilespmem:s16], [sflag:$0x3] =	stream.linear.gather [hbm4b:s12+s3], $0x1400, $0x38;
	[tilespmem:$0xD030] =	vst v63  }
0x1d5: {  	_ =	swait.ge [sflag:s15], $0x1400  }
0x1d6: {  	[sflag:s15] =	ssyncset.done $0x0  }
0x1d7: {  	[sflag:s15] =	ssyncadd.s32 $0xFFFFEC00  }
0x1d8: {  	[tilespmem:s0], [sflag:$0x1] =	stream.indirect.gather [hbm4b:s8+s17], $0x4, s4, s17, $0xb8;
	[tilespmem:$0xD030] =	vst v63  }
0x1d9: {  	s18 =	smov.u32 s11;
	s12 =	rddreg [dreg:$0x6]  }
0x1da: {  	[tilespmem:s9], [sflag:$0x1] =	stream.indirect.gather [hbm4b:s8+s17], $0x4, s12, s17, $0xb8;
	[tilespmem:$0xD030] =	vst v63  }
0x1db: {  	s10 =	smov.u32 s18;
	s18 =	rddreg [dreg:$0x7]  }
0x1dc: {  	[tilespmem:s13], [sflag:$0x1] =	stream.indirect.gather [hbm4b:s8+s17], $0x4, s18, s17, $0xb8;
	[tilespmem:$0xD030] =	vst v63  }
0x1dd: {  	s12 =	rddreg [dreg:$0x8]  }
0x1de: {  	[tilespmem:s5], [sflag:$0x1] =	stream.indirect.gather [hbm4b:s8+s17], $0x4, s12, s17, $0xb8;
	[tilespmem:$0xD030] =	vst v63  }
0x1df: {  	s18 =	rddreg [dreg:$0x9]  }
0x1e0: {  	[tilespmem:s7], [sflag:$0x1] =	stream.indirect.gather [hbm4b:s8+s17], $0x4, s18, s17, $0xb8;
	[tilespmem:$0xD030] =	vst v63  }
0x1e1: {  	_ =	swait.ge [sflag:s28], $0x800  }
0x1e2: {  	[sflag:s28] =	ssyncset.done $0x0  }
0x1e3: {  	[sflag:s28] =	ssyncadd.s32 $0xFFFFF800  }
0x1e4: {  	[spmem:s2] =	stream.indirect.scatter.add.f32 [tilespmem:s0], [sflag:$0x2], $0x4, s16, s17, $0xb8;
	[tilespmem:$0xD030] =	vst v63  }
0x1e5: {  	_ =	swait.ge [sflag:s28], $0x800  }
0x1e6: {  	[sflag:s28] =	ssyncset.done $0x0  }
0x1e7: {  	[sflag:s28] =	ssyncadd.s32 $0xFFFFF800  }
0x1e8: {  	[spmem:s2] =	stream.indirect.scatter.add.f32 [tilespmem:s9], [sflag:$0x2], $0x4, s20, s17, $0xb8;
	[tilespmem:$0xD030] =	vst v63  }
0x1e9: {  	_ =	swait.ge [sflag:s28], $0x800  }
0x1ea: {  	[sflag:s28] =	ssyncset.done $0x0  }
0x1eb: {  	[sflag:s28] =	ssyncadd.s32 $0xFFFFF800  }
0x1ec: {  	[spmem:s2] =	stream.indirect.scatter.add.f32 [tilespmem:s13], [sflag:$0x2], $0x4, s21, s17, $0xb8;
	[tilespmem:$0xD030] =	vst v63  }
0x1ed: {  	_ =	swait.ge [sflag:s28], $0x800  }
0x1ee: {  	[sflag:s28] =	ssyncset.done $0x0  }
0x1ef: {  	[sflag:s28] =	ssyncadd.s32 $0xFFFFF800  }
0x1f0: {  	[spmem:s2] =	stream.indirect.scatter.add.f32 [tilespmem:s5], [sflag:$0x2], $0x4, s22, s17, $0xb8;
	[tilespmem:$0xD030] =	vst v63  }
0x1f1: {  	_ =	swait.ge [sflag:s28], $0x800  }
0x1f2: {  	[sflag:s28] =	ssyncset.done $0x0  }
0x1f3: {  	[sflag:s28] =	ssyncadd.s32 $0xFFFFF800  }
0x1f4: {  	[spmem:s2] =	stream.indirect.scatter.add.f32 [tilespmem:s7], [sflag:$0x2], $0x4, s23, s17, $0xb8;
	[tilespmem:$0xD030] =	vst v63  }
0x1f5: {  	_ =	swait.ge [sflag:s6], $0x800  }
0x1f6: {  	[sflag:s6] =	ssyncset.done $0x0  }
0x1f7: {  	[sflag:s6] =	ssyncadd.s32 $0xFFFFF800  }
0x1f8: {  	_ =	swait.ge [sflag:s6], $0x800  }
0x1f9: {  	[sflag:s6] =	ssyncset.done $0x0  }
0x1fa: {  	[sflag:s6] =	ssyncadd.s32 $0xFFFFF800  }
0x1fb: {  	_ =	swait.ge [sflag:s6], $0x800  }
0x1fc: {  	[sflag:s6] =	ssyncset.done $0x0  }
0x1fd: {  	[sflag:s6] =	ssyncadd.s32 $0xFFFFF800  }
0x1fe: {  	_ =	swait.ge [sflag:s6], $0x800  }
0x1ff: {  	[sflag:s6] =	ssyncset.done $0x0  }
0x200: {  	[sflag:s6] =	ssyncadd.s32 $0xFFFFF800  }
0x201: {  	_ =	swait.ge [sflag:s6], $0x800  }
0x202: {  	[sflag:s6] =	ssyncset.done $0x0  }
0x203: {  	s12 =	rddreg [dreg:$0xa];
	[sflag:s6] =	ssyncadd.s32 $0xFFFFF800  }
0x204: {  	[tilespmem:s0], [sflag:$0x1] =	stream.indirect.gather [hbm4b:s8+s17], $0x4, s12, s17, $0xb8;
	[tilespmem:$0xD030] =	vst v63  }
0x205: {  	s18 =	simm.s32 $0x1F80  }
0x206: {  	[tilespmem:s9], [sflag:$0x1] =	stream.indirect.gather [hbm4b:s8+s17], $0x4, s18, s17, $0xb8;
	[tilespmem:$0xD030] =	vst v63  }
0x207: {  	s12 =	simm.s32 $0x2180  }
0x208: {  	[tilespmem:s13], [sflag:$0x1] =	stream.indirect.gather [hbm4b:s8+s17], $0x4, s12, s17, $0xb8;
	[tilespmem:$0xD030] =	vst v63  }
0x209: {  	s12 =	simm.s32 $0x2380  }
0x20a: {  	[tilespmem:s5], [sflag:$0x1] =	stream.indirect.gather [hbm4b:s8+s17], $0x4, s12, s17, $0xb8;
	[tilespmem:$0xD030] =	vst v63  }
0x20b: {  	s12 =	simm.s32 $0x2580  }
0x20c: {  	[tilespmem:s7], [sflag:$0x1] =	stream.indirect.gather [hbm4b:s8+s17], $0x4, s12, s17, $0xb8;
	[tilespmem:$0xD030] =	vst v63  }
0x20d: {  	_ =	swait.ge [sflag:s28], $0x800  }
0x20e: {  	[sflag:s28] =	ssyncset.done $0x0  }
0x20f: {  	[sflag:s28] =	ssyncadd.s32 $0xFFFFF800  }
0x210: {  	[spmem:s2] =	stream.indirect.scatter.add.f32 [tilespmem:s0], [sflag:$0x2], $0x4, s24, s17, $0xb8;
	[tilespmem:$0xD030] =	vst v63  }
0x211: {  	_ =	swait.ge [sflag:s28], $0x800  }
0x212: {  	[sflag:s28] =	ssyncset.done $0x0  }
0x213: {  	[sflag:s28] =	ssyncadd.s32 $0xFFFFF800  }
0x214: {  	[spmem:s2] =	stream.indirect.scatter.add.f32 [tilespmem:s9], [sflag:$0x2], $0x4, s25, s17, $0xb8;
	[tilespmem:$0xD030] =	vst v63  }
0x215: {  	_ =	swait.ge [sflag:s28], $0x800  }
0x216: {  	[sflag:s28] =	ssyncset.done $0x0  }
0x217: {  	[sflag:s28] =	ssyncadd.s32 $0xFFFFF800  }
0x218: {  	[spmem:s2] =	stream.indirect.scatter.add.f32 [tilespmem:s13], [sflag:$0x2], $0x4, s26, s17, $0xb8;
	[tilespmem:$0xD030] =	vst v63  }
0x219: {  	_ =	swait.ge [sflag:s28], $0x800  }
0x21a: {  	[sflag:s28] =	ssyncset.done $0x0  }
0x21b: {  	s12 =	simm.s32 $0x3780;
	[sflag:s28] =	ssyncadd.s32 $0xFFFFF800  }
0x21c: {  	[spmem:s2] =	stream.indirect.scatter.add.f32 [tilespmem:s5], [sflag:$0x2], $0x4, s12, s17, $0xb8;
	[tilespmem:$0xD030] =	vst v63  }
0x21d: {  	_ =	swait.ge [sflag:s28], $0x800  }
0x21e: {  	[sflag:s28] =	ssyncset.done $0x0  }
0x21f: {  	s12 =	simm.s32 $0x3980;
	[sflag:s28] =	ssyncadd.s32 $0xFFFFF800  }
0x220: {  	[spmem:s2] =	stream.indirect.scatter.add.f32 [tilespmem:s7], [sflag:$0x2], $0x4, s12, s17, $0xb8;
	[tilespmem:$0xD030] =	vst v63  }
0x221: {  	_ =	swait.ge [sflag:s6], $0x800  }
0x222: {  	[sflag:s6] =	ssyncset.done $0x0  }
0x223: {  	[sflag:s6] =	ssyncadd.s32 $0xFFFFF800  }
0x224: {  	_ =	swait.ge [sflag:s6], $0x800  }
0x225: {  	[sflag:s6] =	ssyncset.done $0x0  }
0x226: {  	[sflag:s6] =	ssyncadd.s32 $0xFFFFF800  }
0x227: {  	_ =	swait.ge [sflag:s6], $0x800  }
0x228: {  	[sflag:s6] =	ssyncset.done $0x0  }
0x229: {  	p1 =	sne.s32 s11, $0xA00;
	[sflag:s6] =	ssyncadd.s32 $0xFFFFF800  }
.Ltmp5:
0x22a: {  	_ =	swait.ge [sflag:s6], $0x800;
	(pc) =	sbr.rel @p1 .LBB2_12-.Ltmp5, $4  }
0x22b: {  	[sflag:s6] =	ssyncset.done $0x0  }
0x22c: {  	[sflag:s6] =	ssyncadd.s32 $0xFFFFF800  }
0x22d: {  	_ =	swait.ge [sflag:s6], $0x800  }
0x22e: {  	s11 =	sadd.s32 $0x280, s11;
	s12 =	rddreg [dreg:$0x5];
	[sflag:s6] =	ssyncset.done $0x0  }
0x22f: {  	[sflag:s6] =	ssyncadd.s32 $0xFFFFF800;
	s11 =	sadd.s32 s10, s12  }
0x230: {  	[tilespmem:s4], [sflag:$0x3] =	stream.linear.gather [hbm4b:s11+s3], $0x1400, $0x38;
	[tilespmem:$0xD030] =	vst v63  }
0x231: {  	_ =	swait.ge [sflag:s15], $0x1400  }
0x232: {  	s12 =	rddreg [dreg:$0x4];
	[sflag:s15] =	ssyncset.done $0x0  }
0x233: {  	[sflag:s15] =	ssyncadd.s32 $0xFFFFEC00;
	s12 =	sadd.s32 s10, s12  }
0x234: {  	[tilespmem:s16], [sflag:$0x3] =	stream.linear.gather [hbm4b:s12+s3], $0x1400, $0x38;
	[tilespmem:$0xD030] =	vst v63  }
0x235: {  	_ =	swait.ge [sflag:s15], $0x1400  }
0x236: {  	[sflag:s15] =	ssyncset.done $0x0  }
0x237: {  	[sflag:s15] =	ssyncadd.s32 $0xFFFFEC00  }
0x238: {  	[tilespmem:s0], [sflag:$0x1] =	stream.indirect.gather [hbm4b:s8+s17], $0x4, s4, s17, $0xb8;
	[tilespmem:$0xD030] =	vst v63  }
0x239: {  	s11 =	rddreg [dreg:$0x6]  }
0x23a: {  	[tilespmem:s9], [sflag:$0x1] =	stream.indirect.gather [hbm4b:s8+s17], $0x4, s11, s17, $0xb8;
	[tilespmem:$0xD030] =	vst v63  }
0x23b: {  	s12 =	rddreg [dreg:$0x7]  }
0x23c: {  	[tilespmem:s13], [sflag:$0x1] =	stream.indirect.gather [hbm4b:s8+s17], $0x4, s12, s17, $0xb8;
	[tilespmem:$0xD030] =	vst v63  }
0x23d: {  	s4 =	rddreg [dreg:$0x8]  }
0x23e: {  	[tilespmem:s5], [sflag:$0x1] =	stream.indirect.gather [hbm4b:s8+s17], $0x4, s4, s17, $0xb8;
	[tilespmem:$0xD030] =	vst v63  }
0x23f: {  	s12 =	rddreg [dreg:$0x9]  }
0x240: {  	[tilespmem:s7], [sflag:$0x1] =	stream.indirect.gather [hbm4b:s8+s17], $0x4, s12, s17, $0xb8;
	[tilespmem:$0xD030] =	vst v63  }
0x241: {  	_ =	swait.ge [sflag:s28], $0x800  }
0x242: {  	[sflag:s28] =	ssyncset.done $0x0  }
0x243: {  	[sflag:s28] =	ssyncadd.s32 $0xFFFFF800  }
0x244: {  	[spmem:s2] =	stream.indirect.scatter.add.f32 [tilespmem:s0], [sflag:$0x2], $0x4, s16, s17, $0xb8;
	[tilespmem:$0xD030] =	vst v63  }
0x245: {  	_ =	swait.ge [sflag:s28], $0x800  }
0x246: {  	[sflag:s28] =	ssyncset.done $0x0  }
0x247: {  	[sflag:s28] =	ssyncadd.s32 $0xFFFFF800  }
0x248: {  	[spmem:s2] =	stream.indirect.scatter.add.f32 [tilespmem:s9], [sflag:$0x2], $0x4, s20, s17, $0xb8;
	[tilespmem:$0xD030] =	vst v63  }
0x249: {  	_ =	swait.ge [sflag:s28], $0x800  }
0x24a: {  	[sflag:s28] =	ssyncset.done $0x0  }
0x24b: {  	[sflag:s28] =	ssyncadd.s32 $0xFFFFF800  }
0x24c: {  	[spmem:s2] =	stream.indirect.scatter.add.f32 [tilespmem:s13], [sflag:$0x2], $0x4, s21, s17, $0xb8;
	[tilespmem:$0xD030] =	vst v63  }
0x24d: {  	_ =	swait.ge [sflag:s28], $0x800  }
0x24e: {  	[sflag:s28] =	ssyncset.done $0x0  }
0x24f: {  	[sflag:s28] =	ssyncadd.s32 $0xFFFFF800  }
0x250: {  	[spmem:s2] =	stream.indirect.scatter.add.f32 [tilespmem:s5], [sflag:$0x2], $0x4, s22, s17, $0xb8;
	[tilespmem:$0xD030] =	vst v63  }
0x251: {  	_ =	swait.ge [sflag:s28], $0x800  }
0x252: {  	[sflag:s28] =	ssyncset.done $0x0  }
0x253: {  	[sflag:s28] =	ssyncadd.s32 $0xFFFFF800  }
0x254: {  	[spmem:s2] =	stream.indirect.scatter.add.f32 [tilespmem:s7], [sflag:$0x2], $0x4, s23, s17, $0xb8;
	[tilespmem:$0xD030] =	vst v63  }
0x255: {  	_ =	swait.ge [sflag:s6], $0x800  }
0x256: {  	[sflag:s6] =	ssyncset.done $0x0  }
0x257: {  	[sflag:s6] =	ssyncadd.s32 $0xFFFFF800  }
0x258: {  	_ =	swait.ge [sflag:s6], $0x800  }
0x259: {  	[sflag:s6] =	ssyncset.done $0x0  }
0x25a: {  	[sflag:s6] =	ssyncadd.s32 $0xFFFFF800  }
0x25b: {  	_ =	swait.ge [sflag:s6], $0x800  }
0x25c: {  	[sflag:s6] =	ssyncset.done $0x0  }
0x25d: {  	[sflag:s6] =	ssyncadd.s32 $0xFFFFF800  }
0x25e: {  	_ =	swait.ge [sflag:s6], $0x800  }
0x25f: {  	[sflag:s6] =	ssyncset.done $0x0  }
0x260: {  	[sflag:s6] =	ssyncadd.s32 $0xFFFFF800  }
0x261: {  	_ =	swait.ge [sflag:s6], $0x800  }
0x262: {  	[sflag:s6] =	ssyncset.done $0x0  }
0x263: {  	s20 =	rddreg [dreg:$0xa];
	[sflag:s6] =	ssyncadd.s32 $0xFFFFF800  }
0x264: {  	[tilespmem:s0], [sflag:$0x1] =	stream.indirect.gather [hbm4b:s8+s17], $0x4, s20, s17, $0xb8;
	[tilespmem:$0xD030] =	vst v63  }
0x265: {  	_ = 	snop  }
0x266: {  	[tilespmem:s9], [sflag:$0x1] =	stream.indirect.gather [hbm4b:s8+s17], $0x4, s18, s17, $0xb8;
	[tilespmem:$0xD030] =	vst v63  }
0x267: {  	s21 =	simm.s32 $0x2180  }
0x268: {  	[tilespmem:s13], [sflag:$0x1] =	stream.indirect.gather [hbm4b:s8+s17], $0x4, s21, s17, $0xb8;
	[tilespmem:$0xD030] =	vst v63  }
0x269: {  	s22 =	simm.s32 $0x2380  }
0x26a: {  	[tilespmem:s5], [sflag:$0x1] =	stream.indirect.gather [hbm4b:s8+s17], $0x4, s22, s17, $0xb8;
	[tilespmem:$0xD030] =	vst v63  }
0x26b: {  	s23 =	simm.s32 $0x2580  }
0x26c: {  	[tilespmem:s7], [sflag:$0x1] =	stream.indirect.gather [hbm4b:s8+s17], $0x4, s23, s17, $0xb8;
	[tilespmem:$0xD030] =	vst v63  }
0x26d: {  	_ =	swait.ge [sflag:s28], $0x800  }
0x26e: {  	[sflag:s28] =	ssyncset.done $0x0  }
0x26f: {  	[sflag:s28] =	ssyncadd.s32 $0xFFFFF800  }
0x270: {  	[spmem:s2] =	stream.indirect.scatter.add.f32 [tilespmem:s0], [sflag:$0x2], $0x4, s24, s17, $0xb8;
	[tilespmem:$0xD030] =	vst v63  }
0x271: {  	_ =	swait.ge [sflag:s28], $0x800  }
0x272: {  	[sflag:s28] =	ssyncset.done $0x0  }
0x273: {  	[sflag:s28] =	ssyncadd.s32 $0xFFFFF800  }
0x274: {  	[spmem:s2] =	stream.indirect.scatter.add.f32 [tilespmem:s9], [sflag:$0x2], $0x4, s25, s17, $0xb8;
	[tilespmem:$0xD030] =	vst v63  }
0x275: {  	_ =	swait.ge [sflag:s28], $0x800  }
0x276: {  	[sflag:s28] =	ssyncset.done $0x0  }
0x277: {  	[sflag:s28] =	ssyncadd.s32 $0xFFFFF800  }
0x278: {  	[spmem:s2] =	stream.indirect.scatter.add.f32 [tilespmem:s13], [sflag:$0x2], $0x4, s26, s17, $0xb8;
	[tilespmem:$0xD030] =	vst v63  }
0x279: {  	_ =	swait.ge [sflag:s28], $0x800  }
0x27a: {  	[sflag:s28] =	ssyncset.done $0x0  }
0x27b: {  	s24 =	simm.s32 $0x3780;
	[sflag:s28] =	ssyncadd.s32 $0xFFFFF800  }
0x27c: {  	[spmem:s2] =	stream.indirect.scatter.add.f32 [tilespmem:s5], [sflag:$0x2], $0x4, s24, s17, $0xb8;
	[tilespmem:$0xD030] =	vst v63  }
0x27d: {  	_ =	swait.ge [sflag:s28], $0x800  }
0x27e: {  	[sflag:s28] =	ssyncset.done $0x0  }
0x27f: {  	s25 =	simm.s32 $0x3980;
	[sflag:s28] =	ssyncadd.s32 $0xFFFFF800  }
0x280: {  	[spmem:s2] =	stream.indirect.scatter.add.f32 [tilespmem:s7], [sflag:$0x2], $0x4, s25, s17, $0xb8;
	[tilespmem:$0xD030] =	vst v63  }
0x281: {  	_ =	swait.ge [sflag:s6], $0x800  }
0x282: {  	[sflag:s6] =	ssyncset.done $0x0  }
0x283: {  	[sflag:s6] =	ssyncadd.s32 $0xFFFFF800  }
0x284: {  	_ =	swait.ge [sflag:s6], $0x800  }
0x285: {  	[sflag:s6] =	ssyncset.done $0x0  }
0x286: {  	[sflag:s6] =	ssyncadd.s32 $0xFFFFF800  }
0x287: {  	_ =	swait.ge [sflag:s6], $0x800  }
0x288: {  	[sflag:s6] =	ssyncset.done $0x0  }
0x289: {  	[sflag:s6] =	ssyncadd.s32 $0xFFFFF800  }
0x28a: {  	_ =	swait.ge [sflag:s6], $0x800  }
0x28b: {  	[sflag:s6] =	ssyncset.done $0x0  }
0x28c: {  	[sflag:s6] =	ssyncadd.s32 $0xFFFFF800  }
0x28d: {  	_ =	swait.ge [sflag:s6], $0x800  }
0x28e: {  	[sflag:s6] =	ssyncset.done $0x0  }
0x28f: {  	[sflag:s6] =	ssyncadd.s32 $0xFFFFF800  }
0x290: {  	[bflag:$0x0] =	sbarrier.arrive $0xFFFF  }
0x291: {  	s10 =	simm.s32 $0x70;
	s11 =	rddreg [dreg:$0x11]  }
0x292: {  	[tilespmem:s31], [sflag:$0x3] =	stream.linear.gather [spmem:s11], $0x380, $0x38;
	[tilespmem:$0xD030] =	vst v63  }
0x293: {  	s20 =	simm.s32 $0x2B80;
	s21 =	simm.s32 $0x2D80;
	_ =	swait.ge [sflag:s15], $0x380  }
0x294: {  	s22 =	simm.s32 $0x2F80;
	[sflag:s15] =	ssyncset.done $0x0;
	s18 =	rddreg [dreg:$0x10]  }
0x295: {  	s23 =	simm.s32 $0x3180;
	[sflag:s15] =	ssyncadd.s32 $0xFFFFFC80;
	s26 =	sadd.s32 $0x0, s18  }
0x296: {  	[hbm4b:s26+s3] =	stream.linear.scatter [tilespmem:s31], [sflag:$0x3], $0x380, $0x38;
	[tilespmem:$0xD030] =	vst v63  }
0x297: {  	s0 =	simm.s32 $0x3780;
	s24 =	simm.s32 $0x3380;
	_ =	swait.ge [sflag:s15], $0x380  }
0x298: {  	s25 =	simm.s32 $0x3580;
	s26 =	simm.s32 $0x3980;
	[sflag:s15] =	ssyncset.done $0x0  }
.LBB2_14:
0x299: {  	p1 =	sne.s32 s10, $0xBD0;
	[sflag:s15] =	ssyncadd.s32 $0xFFFFFC80;
	s11 =	sadd.s32 $0x380, s11  }
0x29a: {  	[tilespmem:s31], [sflag:$0x3] =	stream.linear.gather [spmem:s11], $0x380, $0x38;
	[tilespmem:$0xD030] =	vst v63  }
0x29b: {  	s12 =	smov.u32 s10;
	s10 =	sadd.s32 $0x70, s10;
	_ =	swait.ge [sflag:s15], $0x380  }
.Ltmp6:
0x29c: {  	[sflag:s15] =	ssyncset.done $0x0;
	(pc) =	sbr.rel @p1 .LBB2_14-.Ltmp6, $4  }
0x29d: {  	s12 =	sadd.s32 s12, s18;
	[sflag:s15] =	ssyncadd.s32 $0xFFFFFC80  }
0x29e: {  	[hbm4b:s12+s3] =	stream.linear.scatter [tilespmem:s31], [sflag:$0x3], $0x380, $0x38;
	[tilespmem:$0xD030] =	vst v63  }
0x29f: {  	_ =	swait.ge [sflag:s15], $0x380  }
0x2a0: {  	[sflag:s15] =	ssyncset.done $0x0  }
0x2a1: {  	s4 =	rddreg [dreg:$0x12]  }
0x2a2: {  	s10 =	rddreg [dreg:$0xe];
	s4 =	sadd.s32 $0x1, s4  }
0x2a3: {  	p1 =	sne.s32 s4, s10  }
.Ltmp7:
0x2a4: {  	_ = 	snop;
	(pc) =	sbr.rel @p1 .LBB2_1-.Ltmp7, $3  }
0x2a5: {  	_ =	sdelay $0x1  }
0x2a6: {  	[sflag:s15] =	ssyncadd.s32 $0xFFFFFC80  }
0x2a7: {  	s12 =	rddreg [dreg:$0xf];
	s18 =	smov.u32 s19;
	s19 =	simm.s32 $0x2980  }
0x2a8: {  	_ =	sfence.sel $0x180000  }
0x2a9: {  	[bflag:$0x0] =	sbarrier.arrive $0xFFFF  }
0x2aa: {  	_ =	strace $0x90000047  }
0x2ab: {  	s0 =	stileid.u32;
	[bflag:$0x2] =	sbarrier.arrive $0xFFFF  }
0x2ac: {  	p0 =	sne.s32 s0, $0x0;
	s0 =	rddreg [dreg:$0x3]  }
0x2ad: {  	s0 =	sadd.s32 @!p0 $0x100000, s0  }
0x2ae: {  	[sflag:s0] =	ssyncadd.tile.s32 @!p0 $0x1;
	_ =	shalt  }
.Lfunc_end2:
_tile_overlayer_lowered:
.L_overlay_start_2:
0x2af: {  	(tag) =	ssettag $0x2  }
0x2b0: {  	s0 =	rddreg [dreg:$0x0];
	s2 =	stileid.u32  }
0x2b1: {  	s1 =	rddreg [dreg:$0x1];
	p0 =	sne.s32 s2, $0x0  }
0x2b2: {  	s3 =	rddreg [dreg:$0x2];
	[bflag:$0x3] =	sbarrier.arrive $0xFFFF;
	s2 =	simm.s32 @!p0 $0x1C03  }
0x2b3: {  	[timem:s3], [sflag:s2] =	dma.local @!p0 [hbm:s0], s1  }
0x2b4: {  	s0 =	simm.s32 @!p0 $0x3  }
0x2b5: {  	_ =	swait.ge @!p0 [sflag:s0], s1  }
0x2b6: {  	s1 =	ssub.s32 @!p0 $0x0, s1;
	[sflag:s0] =	ssyncset.done @!p0 $0x0  }
0x2b7: {  	[sflag:s0] =	ssyncadd.s32 @!p0 s1  }
0x2b8: {  	[bflag:$0x3] =	sbarrier.arrive $0xFFFF  }
0x2b9: {  	_ =	shalt  }

// kernel: kernel.9.cloned.1.call-start
scs
__scs_entry_jumppad:
0x0: {  	(pc) =	sbr.rel $0x88, $3  }
0x1: {  	(tag) =	ssettag $0x0;
	lr =	simm.s32 $0x1  }
0x2: {  	[smem:$0x3F99] =	sst lr;
	_ =	strace $0xD0000000  }
0x3: {  	_ = 	snop  }
0x4: {  	_ = 	snop  }
0x5: {  	_ = 	snop  }
0x6: {  	_ = 	snop  }
0x7: {  	_ = 	snop  }
__scs_overlays_trampoline_lowered:
0x8: {  	[smem:$0x3FA8] =	sst s0  }
0x9: {  	[smem:$0x3FA9] =	sst s1  }
0xa: {  	[smem:$0x3FAA] =	sst s2  }
0xb: {  	[smem:$0x3FAB] =	sst s3  }
0xc: {  	[smem:$0x3FAC] =	sst s4  }
0xd: {  	[smem:$0x3FAD] =	sst s5  }
0xe: {  	[smem:$0x3FAE] =	sst s6  }
0xf: {  	[smem:$0x3FAF] =	sst s7  }
0x10: {  	[smem:$0x3FB0] =	sst s8  }
0x11: {  	[smem:$0x3FB1] =	sst s9;
	s0 =	simm.s32 @!p0 $0x0  }
0x12: {  	s1 =	sld [smem:$0x3F97];
	s0 =	simm.s32 @p0 $0x1  }
0x13: {  	[smem:$0x3FB2] =	sst s0;
	s0 =	simm.s32 @!p1 $0x0  }
0x14: {  	s2 =	sld [smem:$0x3F96];
	s0 =	simm.s32 @p1 $0x1  }
0x15: {  	[smem:$0x3FB3] =	sst s0;
	s0 =	simm.s32 @!p2 $0x0  }
0x16: {  	s3 =	sld [smem:$0x3FDB];
	s0 =	simm.s32 @p2 $0x1  }
0x17: {  	s4 =	simm.s32 $0x1BF5;
	[smem:$0x3FB5] =	sst s0  }
0x18: {  	s0 =	sld [smem:$0x3F98];
	_ =	swait.ge [sflag:s4], $0x0  }
0x19: {  	s7 =	sld [smem:$0x3F99]  }
0x1a: {  	s8 =	sadd.s32 $0xFFFFE003, lr  }
0x1b: {  	s9 =	sadd.s32 $0xFFFFFEF7, lr;
	s5 =	simm.s32 $0xFFFFFFFF;
	p2 =	slt.u32 s8, $0xFFFFF086  }
0x1c: {  	p1 =	slt.u32 s9, $0xF7A;
	s5 =	simm.s32 @!p2 $0x0  }
0x1d: {  	s5 =	simm.s32 @p1 $0x1;
	p0 =	seq.s32 s7, s2  }
0x1e: {  	s7 =	smul.u32 @!p0 $0xF7A, s2;
	p2 =	seq.s32 @!p0 s5, $0x0  }
0x1f: {  	s9 =	smul.u32 $0xF7A, s1;
	s8 =	simm.s32 @!p0 $0x1BF5;
	p2 =	por !p2, p0  }
0x20: {  	[sflag:s8] =	ssyncset.s32 @!p0 $0xFFFFF086;
	s6 =	sadd.s32 @!p0 s3, s7;
	s7 =	simm.s32 @!p0 $0x108  }
0x21: {  	s3 =	sadd.s32 s3, s9;
	s6 =	sadd.s32 @!p0 $0x88, s6;
	s7 =	simm.s32 @p2 $0x1082  }
0x22: {  	[simem:s7], [sflag:s8] =	dma.local @!p0 [hbm:s6], $0xF7A  }
0x23: {  	s9 =	sor.u32 $0xD0000000, s2;
	s6 =	simm.s32 $0x108;
	_ =	swait.ge @!p0 [sflag:s8], $0x0  }
0x24: {  	s3 =	sadd.s32 $0x88, s3;
	s6 =	simm.s32 @!p1 $0x1082;
	[sflag:s4] =	ssyncset.s32 $0xFFFFF086  }
0x25: {  	[simem:s6], [sflag:s4] =	dma.local [hbm:s3], $0xF7A  }
0x26: {  	[smem:$0x3F99] =	sst s1;
	(tag) =	ssettag s2;
	_ =	strace s9  }
0x27: {  	s1 =	sld [smem:$0x3FA9]  }
0x28: {  	s2 =	sld [smem:$0x3FAA]  }
0x29: {  	s4 =	sld [smem:$0x3FAC]  }
0x2a: {  	p0 =	seq.s32 s5, $0x0;
	s5 =	sld [smem:$0x3FAD]  }
0x2b: {  	s6 =	sld [smem:$0x3FAE]  }
0x2c: {  	s7 =	sld [smem:$0x3FAF]  }
0x2d: {  	s3 =	simm.s32 $0x108;
	s8 =	sld [smem:$0x3FB0]  }
0x2e: {  	s3 =	simm.s32 @!p0 $0x1082;
	s9 =	sld [smem:$0x3FB1]  }
0x2f: {  	lr =	sadd.s32 s0, s3;
	s0 =	sld [smem:$0x3FA8]  }
0x30: {  	s3 =	sld [smem:$0x3FAB]  }
0x31: {  	[smem:$0x3FB4] =	sst s10  }
0x32: {  	s10 =	sld [smem:$0x3FB2];
	_ =	sdelay $0x3  }
0x33: {  	p0 =	seq.s32 s10, $0x1;
	s10 =	sld [smem:$0x3FB4];
	_ =	sdelay $0x3  }
0x34: {  	[smem:$0x3FB4] =	sst s10  }
0x35: {  	s10 =	sld [smem:$0x3FB3];
	_ =	sdelay $0x3  }
0x36: {  	p1 =	seq.s32 s10, $0x1;
	s10 =	sld [smem:$0x3FB4];
	_ =	sdelay $0x3  }
0x37: {  	[smem:$0x3FB4] =	sst s10  }
0x38: {  	s10 =	sld [smem:$0x3FB5]  }
0x39: {  	_ = 	snop;
	(pc) =	sbr.ind lr, $3  }
0x3a: {  	_ = 	snop  }
0x3b: {  	_ = 	snop  }
0x3c: {  	p2 =	seq.s32 s10, $0x1;
	s10 =	sld [smem:$0x3FB4]  }
0x3d: {  	_ =	shalt  }
0x3e: {  	_ =	shalt  }
0x3f: {  	_ =	shalt  }
0x40: {  	_ =	shalt  }
0x41: {  	_ =	shalt  }
0x42: {  	_ =	shalt  }
0x43: {  	_ =	shalt  }
0x44: {  	_ =	shalt  }
0x45: {  	_ =	shalt  }
0x46: {  	_ =	shalt  }
0x47: {  	_ =	shalt  }
0x48: {  	_ =	shalt  }
0x49: {  	_ =	shalt  }
0x4a: {  	_ =	shalt  }
0x4b: {  	_ =	shalt  }
0x4c: {  	_ =	shalt  }
0x4d: {  	_ =	shalt  }
0x4e: {  	_ =	shalt  }
0x4f: {  	_ =	shalt  }
0x50: {  	_ =	shalt  }
0x51: {  	_ =	shalt  }
0x52: {  	_ =	shalt  }
0x53: {  	_ =	shalt  }
0x54: {  	_ =	shalt  }
0x55: {  	_ =	shalt  }
0x56: {  	_ =	shalt  }
0x57: {  	_ =	shalt  }
0x58: {  	_ =	shalt  }
0x59: {  	_ =	shalt  }
0x5a: {  	_ =	shalt  }
0x5b: {  	_ =	shalt  }
0x5c: {  	_ =	shalt  }
0x5d: {  	_ =	shalt  }
0x5e: {  	_ =	shalt  }
0x5f: {  	_ =	shalt  }
0x60: {  	_ =	shalt  }
0x61: {  	_ =	shalt  }
0x62: {  	_ =	shalt  }
0x63: {  	_ =	shalt  }
0x64: {  	_ =	shalt  }
0x65: {  	_ =	shalt  }
0x66: {  	_ =	shalt  }
0x67: {  	_ =	shalt  }
0x68: {  	_ =	shalt  }
0x69: {  	_ =	shalt  }
0x6a: {  	_ =	shalt  }
0x6b: {  	_ =	shalt  }
0x6c: {  	_ =	shalt  }
0x6d: {  	_ =	shalt  }
0x6e: {  	_ =	shalt  }
0x6f: {  	_ =	shalt  }
0x70: {  	_ =	shalt  }
0x71: {  	_ =	shalt  }
0x72: {  	_ =	shalt  }
0x73: {  	_ =	shalt  }
0x74: {  	_ =	shalt  }
0x75: {  	_ =	shalt  }
0x76: {  	_ =	shalt  }
0x77: {  	_ =	shalt  }
0x78: {  	_ =	shalt  }
0x79: {  	_ =	shalt  }
0x7a: {  	_ =	shalt  }
0x7b: {  	_ =	shalt  }
0x7c: {  	_ =	shalt  }
0x7d: {  	_ =	shalt  }
0x7e: {  	_ =	shalt  }
0x7f: {  	_ =	shalt  }
0x80: {  	_ =	shalt  }
0x81: {  	_ =	shalt  }
0x82: {  	_ =	shalt  }
0x83: {  	_ =	shalt  }
0x84: {  	_ =	shalt  }
0x85: {  	_ =	shalt  }
0x86: {  	_ =	shalt  }
0x87: {  	_ =	shalt  }
.Lfunc_end0:
.L_simem_size_0:
called_computation.1_lowered:
.L_overlay_start_0:
0x88: {  	s2 =	sld [smem:$0x3FD9]  }
0x89: {  	s3 =	sld [smem:$0x3FFE];
	_ =	sdelay $0x1  }
0x8a: {  	s1 =	srdreg.scid  }
0x8b: {  	s0 =	sand.u32 $0x1, s1  }
0x8c: {  	s17 =	sshll.u32 s0, $0xA;
	s2 =	sadd.s32 s3, s2  }
0x8d: {  	s2 =	sadd.s32 s2, s17  }
0x8e: {  	[smem:$0x3FC0] =	sst s2  }
0x8f: {  	_ = 	snop  }
0x90: {  	s2 =	sld [smem:$0x3FC4]  }
0x91: {  	s18 =	sld [smem:$0x3FD0];
	(tm) =	ssettm $0x1  }
0x92: {  	s4 =	sld [smem:$0x3FFB];
	_ =	sdelay $0x3  }
0x93: {  	_ =	strace s4  }
0x94: {  	s4 =	sld [smem:$0x3FFC];
	_ =	sdelay $0x3  }
0x95: {  	_ =	strace s4  }
0x96: {  	s4 =	sld [smem:$0x3FFD];
	_ =	sdelay $0x3  }
0x97: {  	_ =	strace s4  }
0x98: {  	_ =	strace $0x8FFFFFFF  }
0x99: {  	s19 =	sld [smem:$0x3FDB];
	_ =	sdelay $0x1  }
0x9a: {  	s5 =	simm.s32 $_scs_section_size  }
0x9b: {  	s6 =	simm.s32 $_size__tile_overlayer_lowered;
	s7 =	simm.s32 $_tile_overlayer_lowered  }
0x9c: {  	s22 =	simm.s32 $0x1BFF;
	s21 =	sshll.u32 s7, $0x1;
	s4 =	sadd.s32 s5, s19  }
0x9d: {  	s8 =	simm.s32 $0x0;
	s20 =	sshll.u32 s6, $0x1;
	s6 =	sadd.s32 s21, s4  }
0x9e: {  	[timem:s8], [sflag:s22] =	dma.local [hbm:s6], s20  }
0x9f: {  	_ =	swait.ge [sflag:s22], s20  }
0xa0: {  	s5 =	ssub.s32 $0x0, s20;
	[sflag:s22] =	ssyncset.done $0x0  }
0xa1: {  	[sflag:s22] =	ssyncadd.s32 s5;
	_ =	sdelay $0x1  }
0xa2: {  	s23 =	simm.s32 $0x1B8B  }
0xa3: {  	_ =	swait.ge [sflag:s23], $0x1  }
0xa4: {  	[sflag:s23] =	ssyncset.done $0x0  }
0xa5: {  	s25 =	simm.s32 $0x1B8E;
	s24 =	sld [smem:$0x3FFE];
	[sflag:s23] =	ssyncadd.s32 $0xFFFFFFFF  }
0xa6: {  	s26 =	simm.s32 $execute0_lowered;
	[smem:$0x3FD2] =	sst s25  }
0xa7: {  	s6 =	sshll.u32 s26, $0x1;
	_ =	strace $0x80000049;
	[dreg:$0x1] =	wrdreg $0xFFFFFFFF  }
0xa8: {  	s28 =	simm.s32 $_size_execute0_lowered;
	s4 =	sadd.s32 s4, s6;
	[dreg:$0x0] =	wrdreg $0x0  }
0xa9: {  	s6 =	sshll.u32 s28, $0x1;
	[dreg:$0x2] =	wrdreg s4  }
0xaa: {  	[dreg:$0x3] =	wrdreg s6  }
0xab: {  	[dreg:$0x4] =	wrdreg $0xC0  }
0xac: {  	_ =	task [dreg:s8], $0x5FFFF  }
0xad: {  	[dreg:$0x1] =	wrdreg $0xFFFFFFFF  }
0xae: {  	[dreg:$0x0] =	wrdreg $0x60  }
0xaf: {  	[dreg:$0x2] =	wrdreg s24  }
0xb0: {  	[dreg:$0x3] =	wrdreg s2  }
0xb1: {  	[dreg:$0x4] =	wrdreg s18  }
0xb2: {  	[dreg:$0x5] =	wrdreg $0xD0800  }
0xb3: {  	[dreg:$0x6] =	wrdreg $0x194800  }
0xb4: {  	[dreg:$0x7] =	wrdreg $0x9  }
0xb5: {  	_ =	task.clear_ibuf [dreg:s8], $0x8FFFF;
	_ =	strace $0x90000049  }
0xb6: {  	s29 =	simm.s32 $0x9;
	_ =	strace $0x8000004B  }
0xb7: {  	_ =	swait.ge [sflag:s29], $0x1  }
0xb8: {  	[sflag:s29] =	ssyncadd.s32 $0xFFFFFFFF  }
0xb9: {  	_ =	strace $0x9000004B  }
0xba: {  	_ =	sfence  }
0xbb: {  	s30 =	sld [smem:$0x0];
	_ =	sdelay $0x2  }
0xbc: {  	s31 =	sshll.u32 s1, $0xD;
	s1 =	sshrl.u32 s1, $0x2  }
0xbd: {  	s3 =	sand.u32 $0x4000, s31;
	s1 =	sadd.s32 s1, s30  }
0xbe: {  	s0 =	sor.u32 s3, s0;
	s1 =	sshll.u32 s1, $0x11  }
0xbf: {  	s0 =	sor.u32 s1, s0  }
0xc0: {  	s0 =	sadd.s32 $0x8F2B, s0  }
0xc1: {  	[sflag:s0] =	ssyncadd.remote.s32 $0x1  }
0xc2: {  	_ =	sfence.sel $0xFFFF  }
0xc3: {  	[dreg:$0x0] =	wrdreg $0xFFFFFFFF;
	(pc) =	sbr.abs _section_cstart, $3  }
0xc4: {  	[dreg:$0x1] =	wrdreg $0xFFFFFFFF  }
0xc5: {  	_ =	task.clear_ibuf [dreg:s8], $0x2FFFF;
	_ =	strace $0x9FFFFFFF  }
0xc6: {  	(tm) =	ssettm $0x7FFFFFFF  }
0xc7: {  	_ =	shalt  }
tec
execute0_lowered:
.L_overlay_start_1:
0x0: {  	(tag) =	ssettag $0x1  }
0x1: {  	s0 =	rddreg [dreg:$0x0]  }
0x2: {  	s2 =	rddreg [dreg:$0x1]  }
0x3: {  	s4 =	rddreg [dreg:$0x2]  }
0x4: {  	s1 =	rddreg [dreg:$0x3]  }
0x5: {  	s11 =	rddreg [dreg:$0x4]  }
0x6: {  	s3 =	srdreg.scid;
	s7 =	stileid.u32  }
0x7: {  	s13 =	simm.s32 $0xC800;
	s14 =	simm.s32 $0x3;
	s30 =	simm.s32 $0xCF70  }
0x8: {  	s25 =	simm.s32 $0x400;
	s26 =	simm.s32 $0x600;
	s28 =	simm.s32 $0x800  }
0x9: {  	s31 =	simm.s32 $0x1600;
	s29 =	simm.s32 $0x2;
	s8 =	smul.u32 $0x1900, s7  }
0xa: {  	s15 =	simm.s32 $0x2000;
	s12 =	simm.s32 $0x2200;
	s17 =	smul.u32 $0xC40, s7  }
0xb: {  	s5 =	sand.u32 $0x1, s3;
	s3 =	simm.s32 $0x0;
	s18 =	smul.u32 $0x1880, s7  }
0xc: {  	s19 =	sshll.u32 s7, $0x4;
	s20 =	smul.u32 $0x31000, s7;
	p0 =	sne.s32 s7, $0x0  }
0xd: {  	s6 =	smul.u32 $0x18800, s5;
	[smem:$0x7FF] =	sst s3;
	s9 =	ssub.s32 $0x2, s5  }
0xe: {  	s5 =	sshll.u32 s5, $0x1;
	_ =	strace $0x8000004A;
	s8 =	sadd.s32 s8, s0  }
0xf: {  	s10 =	sshrl.u32 s9, $0x1;
	[dreg:$0xc] =	wrdreg s17;
	s2 =	sadd.s32 s2, s5  }
0x10: {  	s21 =	sadd.s32 s4, s5;
	s22 =	sshrl.u32 s20, $0x2;
	[dreg:$0x8] =	wrdreg s25  }
0x11: {  	s17 =	simm.s32 $0x200;
	s20 =	simm.s32 $0x6800;
	[dreg:$0x9] =	wrdreg s26  }
0x12: {  	[dreg:$0xa] =	wrdreg s28;
	s4 =	simm.s32 $0xCF00;
	s6 =	sadd.s32 s6, s0  }
0x13: {  	s0 =	sadd.s32 $0x64000, s0;
	s16 =	ssub.s32 s9, s10;
	[dreg:$0xd] =	wrdreg s2  }
0x14: {  	s2 =	sadd.s32 s19, s11;
	[dreg:$0xf] =	wrdreg s21;
	s23 =	sadd.s32 $0x1000, s8  }
0x15: {  	s24 =	sadd.s32 $0x1A000, s8;
	s19 =	simm.s32 $0x4800;
	[dreg:$0xb] =	wrdreg s0  }
0x16: {  	s21 =	simm.s32 $0x8800;
	s8 =	simm.s32 $0x1000;
	[dreg:$0xe] =	wrdreg s2  }
0x17: {  	s9 =	simm.s32 $0x1200;
	s10 =	simm.s32 $0x1E00;
	[dreg:$0x6] =	wrdreg s23  }
0x18: {  	s6 =	sadd.s32 $0x33000, s6;
	s0 =	smax.u32 s16, $0x1;
	[dreg:$0x7] =	wrdreg s24  }
0x19: {  	s16 =	simm.s32 $0x1400;
	s23 =	simm.s32 $0x1;
	s2 =	simm.s32 $0x0  }
0x1a: {  	[dreg:$0x10] =	wrdreg s0;
	s11 =	sadd.s32 s18, s6;
	s0 =	sadd.s32 s22, s1  }
0x1b: {  	s18 =	simm.s32 $0x2800;
	s22 =	simm.s32 $0xA800;
	[dreg:$0x11] =	wrdreg s0  }
.LBB2_1:
0x1c: {  	[dreg:$0x12] =	wrdreg s2;
	s5 =	sadd.s32 $0x0, s11  }
0x1d: {  	[tilespmem:s13], [sflag:$0x3] =	stream.linear.gather [hbm4b:s5+s3], $0x700, $0x38;
	[tilespmem:$0x19490] =	vst v63  }
0x1e: {  	_ =	swait.ge [sflag:s14], $0x700  }
0x1f: {  	[sflag:s14] =	ssyncset.done $0x0  }
0x20: {  	s0 =	rddreg [dreg:$0x11];
	[sflag:s14] =	ssyncadd.s32 $0xFFFFF900  }
0x21: {  	[spmem:s0] =	stream.linear.scatter [tilespmem:s13], [sflag:$0x3], $0x700, $0x38;
	[tilespmem:$0x19490] =	vst v63  }
0x22: {  	s24 =	simm.s32 $0xE0;
	_ =	swait.ge [sflag:s14], $0x700  }
0x23: {  	s25 =	simm.s32 $0x1C0;
	s5 =	sadd.s32 $0x700, s0;
	[sflag:s14] =	ssyncset.done $0x0  }
.LBB2_2:
0x24: {  	s26 =	sadd.s32 s24, s11  }
0x25: {  	[sflag:s14] =	ssyncadd.s32 $0xFFFFF900;
	s24 =	smov.u32 s25;
	s28 =	sadd.s32 $0xE0, s25  }
0x26: {  	[tilespmem:s13], [sflag:$0x3] =	stream.linear.gather [hbm4b:s26+s3], $0x700, $0x38;
	[tilespmem:$0x19490] =	vst v63  }
0x27: {  	p1 =	sne.s32 s25, $0x17A0;
	_ =	swait.ge [sflag:s14], $0x700  }
.Ltmp0:
0x28: {  	[sflag:s14] =	ssyncset.done $0x0;
	(pc) =	sbr.rel @p1 .LBB2_2-.Ltmp0, $4  }
0x29: {  	[sflag:s14] =	ssyncadd.s32 $0xFFFFF900  }
0x2a: {  	[spmem:s5] =	stream.linear.scatter [tilespmem:s13], [sflag:$0x3], $0x700, $0x38;
	[tilespmem:$0x19490] =	vst v63  }
0x2b: {  	_ =	swait.ge [sflag:s14], $0x700  }
0x2c: {  	s25 =	smov.u32 s28;
	s5 =	sadd.s32 $0x700, s5;
	[sflag:s14] =	ssyncset.done $0x0  }
0x2d: {  	s24 =	sadd.s32 s24, s11;
	[sflag:s14] =	ssyncadd.s32 $0xFFFFF900  }
0x2e: {  	[tilespmem:s13], [sflag:$0x3] =	stream.linear.gather [hbm4b:s24+s3], $0x700, $0x38;
	[tilespmem:$0x19490] =	vst v63  }
0x2f: {  	_ =	swait.ge [sflag:s14], $0x700  }
0x30: {  	[sflag:s14] =	ssyncset.done $0x0  }
0x31: {  	[sflag:s14] =	ssyncadd.s32 $0xFFFFF900  }
0x32: {  	[spmem:s5] =	stream.linear.scatter [tilespmem:s13], [sflag:$0x3], $0x700, $0x38;
	[tilespmem:$0x19490] =	vst v63  }
0x33: {  	_ =	swait.ge [sflag:s14], $0x700  }
0x34: {  	[sflag:s14] =	ssyncset.done $0x0  }
0x35: {  	s24 =	simm.s32 $0x0;
	s0 =	rddreg [dreg:$0xd];
	[sflag:s14] =	ssyncadd.s32 $0xFFFFF900  }
0x36: {  	[tilespmem:s30], [sflag:$0x3] =	stream.linear.gather [hbm4b:s0+s24], $0x10, $0x38;
	[tilespmem:$0x19490] =	vst v63  }
0x37: {  	_ =	swait.ge [sflag:s14], $0x10  }
0x38: {  	[sflag:s14] =	ssyncset.done $0x0  }
0x39: {  	[sflag:s14] =	ssyncadd.s32 $0xFFFFFFF0  }
0x3a: {  	[bflag:$0x0] =	sbarrier.arrive $0xFFFF  }
0x3b: {  	s25 =	rddreg [dreg:$0x7]  }
0x3c: {  	s5 =	sadd.s32 $0x0, s25  }
0x3d: {  	[tilespmem:s3], [sflag:$0x3] =	stream.linear.gather [hbm4b:s5+s3], $0x1400, $0x38;
	[tilespmem:$0x19490] =	vst v63  }
0x3e: {  	_ =	swait.ge [sflag:s14], $0x1400  }
0x3f: {  	s26 =	rddreg [dreg:$0x6];
	[sflag:s14] =	ssyncset.done $0x0  }
0x40: {  	[sflag:s14] =	ssyncadd.s32 $0xFFFFEC00;
	s5 =	sadd.s32 $0x0, s26  }
0x41: {  	[tilespmem:s16], [sflag:$0x3] =	stream.linear.gather [hbm4b:s5+s3], $0x1400, $0x38;
	[tilespmem:$0x19490] =	vst v63  }
0x42: {  	_ =	swait.ge [sflag:s14], $0x1400  }
0x43: {  	[sflag:s14] =	ssyncset.done $0x0  }
0x44: {  	[sflag:s14] =	ssyncadd.s32 $0xFFFFEC00  }
0x45: {  	[tilespmem:s18], [sflag:$0x1] =	stream.indirect.gather [hbm4b:s6+s17], $0x10, s3, s17, $0xb8;
	[tilespmem:$0x19490] =	vst v63  }
0x46: {  	_ = 	snop  }
0x47: {  	[tilespmem:s19], [sflag:$0x1] =	stream.indirect.gather [hbm4b:s6+s17], $0x10, s17, s17, $0xb8;
	[tilespmem:$0x19490] =	vst v63  }
0x48: {  	s0 =	rddreg [dreg:$0x8]  }
0x49: {  	[tilespmem:s20], [sflag:$0x1] =	stream.indirect.gather [hbm4b:s6+s17], $0x10, s0, s17, $0xb8;
	[tilespmem:$0x19490] =	vst v63  }
0x4a: {  	s2 =	rddreg [dreg:$0x9]  }
0x4b: {  	[tilespmem:s21], [sflag:$0x1] =	stream.indirect.gather [hbm4b:s6+s17], $0x10, s2, s17, $0xb8;
	[tilespmem:$0x19490] =	vst v63  }
0x4c: {  	s7 =	rddreg [dreg:$0xa]  }
0x4d: {  	[tilespmem:s22], [sflag:$0x1] =	stream.indirect.gather [hbm4b:s6+s17], $0x10, s7, s17, $0xb8;
	[tilespmem:$0x19490] =	vst v63  }
0x4e: {  	_ =	swait.ge [sflag:s23], $0x2000  }
0x4f: {  	[sflag:s23] =	ssyncset.done $0x0  }
0x50: {  	[sflag:s23] =	ssyncadd.s32 $0xFFFFE000  }
0x51: {  	[spmem:s1] =	stream.indirect.scatter.add.f32 [tilespmem:s18], [sflag:$0x2], $0x10, s16, s17, $0xb8;
	[tilespmem:$0x19490] =	vst v63  }
0x52: {  	_ =	swait.ge [sflag:s23], $0x2000  }
0x53: {  	[sflag:s23] =	ssyncset.done $0x0  }
0x54: {  	[sflag:s23] =	ssyncadd.s32 $0xFFFFE000  }
0x55: {  	[spmem:s1] =	stream.indirect.scatter.add.f32 [tilespmem:s19], [sflag:$0x2], $0x10, s31, s17, $0xb8;
	[tilespmem:$0x19490] =	vst v63  }
0x56: {  	_ =	swait.ge [sflag:s23], $0x2000  }
0x57: {  	[sflag:s23] =	ssyncset.done $0x0  }
0x58: {  	s0 =	simm.s32 $0x1800;
	[sflag:s23] =	ssyncadd.s32 $0xFFFFE000  }
0x59: {  	[spmem:s1] =	stream.indirect.scatter.add.f32 [tilespmem:s20], [sflag:$0x2], $0x10, s0, s17, $0xb8;
	[tilespmem:$0x19490] =	vst v63  }
0x5a: {  	_ =	swait.ge [sflag:s23], $0x2000  }
0x5b: {  	[sflag:s23] =	ssyncset.done $0x0  }
0x5c: {  	s28 =	simm.s32 $0x1A00;
	[sflag:s23] =	ssyncadd.s32 $0xFFFFE000  }
0x5d: {  	[spmem:s1] =	stream.indirect.scatter.add.f32 [tilespmem:s21], [sflag:$0x2], $0x10, s28, s17, $0xb8;
	[tilespmem:$0x19490] =	vst v63  }
0x5e: {  	_ =	swait.ge [sflag:s23], $0x2000  }
0x5f: {  	[sflag:s23] =	ssyncset.done $0x0  }
0x60: {  	s30 =	simm.s32 $0x1C00;
	[sflag:s23] =	ssyncadd.s32 $0xFFFFE000  }
0x61: {  	[spmem:s1] =	stream.indirect.scatter.add.f32 [tilespmem:s22], [sflag:$0x2], $0x10, s30, s17, $0xb8;
	[tilespmem:$0x19490] =	vst v63  }
0x62: {  	_ =	swait.ge [sflag:s29], $0x2000  }
0x63: {  	[sflag:s29] =	ssyncset.done $0x0  }
0x64: {  	[sflag:s29] =	ssyncadd.s32 $0xFFFFE000  }
0x65: {  	_ =	swait.ge [sflag:s29], $0x2000  }
0x66: {  	[sflag:s29] =	ssyncset.done $0x0  }
0x67: {  	[sflag:s29] =	ssyncadd.s32 $0xFFFFE000  }
0x68: {  	_ =	swait.ge [sflag:s29], $0x2000  }
0x69: {  	[sflag:s29] =	ssyncset.done $0x0  }
0x6a: {  	[sflag:s29] =	ssyncadd.s32 $0xFFFFE000  }
0x6b: {  	_ =	swait.ge [sflag:s29], $0x2000  }
0x6c: {  	[sflag:s29] =	ssyncset.done $0x0  }
0x6d: {  	[sflag:s29] =	ssyncadd.s32 $0xFFFFE000  }
0x6e: {  	_ =	swait.ge [sflag:s29], $0x2000  }
0x6f: {  	[sflag:s29] =	ssyncset.done $0x0  }
0x70: {  	s24 =	simm.s32 $0xA00;
	[sflag:s29] =	ssyncadd.s32 $0xFFFFE000  }
0x71: {  	[tilespmem:s18], [sflag:$0x1] =	stream.indirect.gather [hbm4b:s6+s17], $0x10, s24, s17, $0xb8;
	[tilespmem:$0x19490] =	vst v63  }
0x72: {  	s2 =	simm.s32 $0xC00  }
0x73: {  	[tilespmem:s19], [sflag:$0x1] =	stream.indirect.gather [hbm4b:s6+s17], $0x10, s2, s17, $0xb8;
	[tilespmem:$0x19490] =	vst v63  }
0x74: {  	s7 =	simm.s32 $0xE00  }
0x75: {  	[tilespmem:s20], [sflag:$0x1] =	stream.indirect.gather [hbm4b:s6+s17], $0x10, s7, s17, $0xb8;
	[tilespmem:$0x19490] =	vst v63  }
0x76: {  	_ = 	snop  }
0x77: {  	[tilespmem:s21], [sflag:$0x1] =	stream.indirect.gather [hbm4b:s6+s17], $0x10, s8, s17, $0xb8;
	[tilespmem:$0x19490] =	vst v63  }
0x78: {  	_ = 	snop  }
0x79: {  	[tilespmem:s22], [sflag:$0x1] =	stream.indirect.gather [hbm4b:s6+s17], $0x10, s9, s17, $0xb8;
	[tilespmem:$0x19490] =	vst v63  }
0x7a: {  	_ =	swait.ge [sflag:s23], $0x2000  }
0x7b: {  	[sflag:s23] =	ssyncset.done $0x0  }
0x7c: {  	[sflag:s23] =	ssyncadd.s32 $0xFFFFE000  }
0x7d: {  	[spmem:s1] =	stream.indirect.scatter.add.f32 [tilespmem:s18], [sflag:$0x2], $0x10, s10, s17, $0xb8;
	[tilespmem:$0x19490] =	vst v63  }
0x7e: {  	_ =	swait.ge [sflag:s23], $0x2000  }
0x7f: {  	[sflag:s23] =	ssyncset.done $0x0  }
0x80: {  	[sflag:s23] =	ssyncadd.s32 $0xFFFFE000  }
0x81: {  	[spmem:s1] =	stream.indirect.scatter.add.f32 [tilespmem:s19], [sflag:$0x2], $0x10, s15, s17, $0xb8;
	[tilespmem:$0x19490] =	vst v63  }
0x82: {  	_ =	swait.ge [sflag:s23], $0x2000  }
0x83: {  	[sflag:s23] =	ssyncset.done $0x0  }
0x84: {  	[sflag:s23] =	ssyncadd.s32 $0xFFFFE000  }
0x85: {  	[spmem:s1] =	stream.indirect.scatter.add.f32 [tilespmem:s20], [sflag:$0x2], $0x10, s12, s17, $0xb8;
	[tilespmem:$0x19490] =	vst v63  }
0x86: {  	_ =	swait.ge [sflag:s23], $0x2000  }
0x87: {  	[sflag:s23] =	ssyncset.done $0x0  }
0x88: {  	s25 =	simm.s32 $0x2400;
	[sflag:s23] =	ssyncadd.s32 $0xFFFFE000  }
0x89: {  	[spmem:s1] =	stream.indirect.scatter.add.f32 [tilespmem:s21], [sflag:$0x2], $0x10, s25, s17, $0xb8;
	[tilespmem:$0x19490] =	vst v63  }
0x8a: {  	_ =	swait.ge [sflag:s23], $0x2000  }
0x8b: {  	[sflag:s23] =	ssyncset.done $0x0  }
0x8c: {  	s26 =	simm.s32 $0x2600;
	[sflag:s23] =	ssyncadd.s32 $0xFFFFE000  }
0x8d: {  	[spmem:s1] =	stream.indirect.scatter.add.f32 [tilespmem:s22], [sflag:$0x2], $0x10, s26, s17, $0xb8;
	[tilespmem:$0x19490] =	vst v63  }
0x8e: {  	_ =	swait.ge [sflag:s29], $0x2000  }
0x8f: {  	[sflag:s29] =	ssyncset.done $0x0  }
0x90: {  	[sflag:s29] =	ssyncadd.s32 $0xFFFFE000  }
0x91: {  	_ =	swait.ge [sflag:s29], $0x2000  }
0x92: {  	[sflag:s29] =	ssyncset.done $0x0  }
0x93: {  	[sflag:s29] =	ssyncadd.s32 $0xFFFFE000  }
0x94: {  	_ =	swait.ge [sflag:s29], $0x2000  }
0x95: {  	[sflag:s29] =	ssyncset.done $0x0  }
0x96: {  	[sflag:s29] =	ssyncadd.s32 $0xFFFFE000  }
0x97: {  	_ =	swait.ge [sflag:s29], $0x2000  }
0x98: {  	[sflag:s29] =	ssyncset.done $0x0  }
0x99: {  	[sflag:s29] =	ssyncadd.s32 $0xFFFFE000  }
0x9a: {  	s5 =	simm.s32 $0x280;
	_ =	swait.ge [sflag:s29], $0x2000  }
0x9b: {  	s24 =	simm.s32 $0x500;
	s25 =	rddreg [dreg:$0x7];
	[sflag:s29] =	ssyncset.done $0x0  }
.LBB2_4:
0x9c: {  	[sflag:s29] =	ssyncadd.s32 $0xFFFFE000;
	s25 =	sadd.s32 s5, s25  }
0x9d: {  	[tilespmem:s3], [sflag:$0x3] =	stream.linear.gather [hbm4b:s25+s3], $0x1400, $0x38;
	[tilespmem:$0x19490] =	vst v63  }
0x9e: {  	_ =	swait.ge [sflag:s14], $0x1400  }
0x9f: {  	s25 =	rddreg [dreg:$0x6];
	[sflag:s14] =	ssyncset.done $0x0  }
0xa0: {  	[sflag:s14] =	ssyncadd.s32 $0xFFFFEC00;
	s25 =	sadd.s32 s5, s25  }
0xa1: {  	[tilespmem:s16], [sflag:$0x3] =	stream.linear.gather [hbm4b:s25+s3], $0x1400, $0x38;
	[tilespmem:$0x19490] =	vst v63  }
0xa2: {  	_ =	swait.ge [sflag:s14], $0x1400  }
0xa3: {  	[sflag:s14] =	ssyncset.done $0x0  }
0xa4: {  	[sflag:s14] =	ssyncadd.s32 $0xFFFFEC00  }
0xa5: {  	[tilespmem:s18], [sflag:$0x1] =	stream.indirect.gather [hbm4b:s6+s17], $0x10, s3, s17, $0xb8;
	[tilespmem:$0x19490] =	vst v63  }
0xa6: {  	_ = 	snop  }
0xa7: {  	[tilespmem:s19], [sflag:$0x1] =	stream.indirect.gather [hbm4b:s6+s17], $0x10, s17, s17, $0xb8;
	[tilespmem:$0x19490] =	vst v63  }
0xa8: {  	s26 =	smov.u32 s24;
	s25 =	rddreg [dreg:$0x8]  }
0xa9: {  	[tilespmem:s20], [sflag:$0x1] =	stream.indirect.gather [hbm4b:s6+s17], $0x10, s25, s17, $0xb8;
	[tilespmem:$0x19490] =	vst v63  }
0xaa: {  	s5 =	smov.u32 s26;
	s26 =	rddreg [dreg:$0x9]  }
0xab: {  	[tilespmem:s21], [sflag:$0x1] =	stream.indirect.gather [hbm4b:s6+s17], $0x10, s26, s17, $0xb8;
	[tilespmem:$0x19490] =	vst v63  }
0xac: {  	s25 =	rddreg [dreg:$0xa]  }
0xad: {  	[tilespmem:s22], [sflag:$0x1] =	stream.indirect.gather [hbm4b:s6+s17], $0x10, s25, s17, $0xb8;
	[tilespmem:$0x19490] =	vst v63  }
0xae: {  	_ =	swait.ge [sflag:s23], $0x2000  }
0xaf: {  	[sflag:s23] =	ssyncset.done $0x0  }
0xb0: {  	[sflag:s23] =	ssyncadd.s32 $0xFFFFE000  }
0xb1: {  	[spmem:s1] =	stream.indirect.scatter.add.f32 [tilespmem:s18], [sflag:$0x2], $0x10, s16, s17, $0xb8;
	[tilespmem:$0x19490] =	vst v63  }
0xb2: {  	_ =	swait.ge [sflag:s23], $0x2000  }
0xb3: {  	[sflag:s23] =	ssyncset.done $0x0  }
0xb4: {  	[sflag:s23] =	ssyncadd.s32 $0xFFFFE000  }
0xb5: {  	[spmem:s1] =	stream.indirect.scatter.add.f32 [tilespmem:s19], [sflag:$0x2], $0x10, s31, s17, $0xb8;
	[tilespmem:$0x19490] =	vst v63  }
0xb6: {  	_ =	swait.ge [sflag:s23], $0x2000  }
0xb7: {  	[sflag:s23] =	ssyncset.done $0x0  }
0xb8: {  	[sflag:s23] =	ssyncadd.s32 $0xFFFFE000  }
0xb9: {  	[spmem:s1] =	stream.indirect.scatter.add.f32 [tilespmem:s20], [sflag:$0x2], $0x10, s0, s17, $0xb8;
	[tilespmem:$0x19490] =	vst v63  }
0xba: {  	_ =	swait.ge [sflag:s23], $0x2000  }
0xbb: {  	[sflag:s23] =	ssyncset.done $0x0  }
0xbc: {  	[sflag:s23] =	ssyncadd.s32 $0xFFFFE000  }
0xbd: {  	[spmem:s1] =	stream.indirect.scatter.add.f32 [tilespmem:s21], [sflag:$0x2], $0x10, s28, s17, $0xb8;
	[tilespmem:$0x19490] =	vst v63  }
0xbe: {  	_ =	swait.ge [sflag:s23], $0x2000  }
0xbf: {  	[sflag:s23] =	ssyncset.done $0x0  }
0xc0: {  	[sflag:s23] =	ssyncadd.s32 $0xFFFFE000  }
0xc1: {  	[spmem:s1] =	stream.indirect.scatter.add.f32 [tilespmem:s22], [sflag:$0x2], $0x10, s30, s17, $0xb8;
	[tilespmem:$0x19490] =	vst v63  }
0xc2: {  	_ =	swait.ge [sflag:s29], $0x2000  }
0xc3: {  	[sflag:s29] =	ssyncset.done $0x0  }
0xc4: {  	[sflag:s29] =	ssyncadd.s32 $0xFFFFE000  }
0xc5: {  	_ =	swait.ge [sflag:s29], $0x2000  }
0xc6: {  	[sflag:s29] =	ssyncset.done $0x0  }
0xc7: {  	[sflag:s29] =	ssyncadd.s32 $0xFFFFE000  }
0xc8: {  	_ =	swait.ge [sflag:s29], $0x2000  }
0xc9: {  	[sflag:s29] =	ssyncset.done $0x0  }
0xca: {  	[sflag:s29] =	ssyncadd.s32 $0xFFFFE000  }
0xcb: {  	_ =	swait.ge [sflag:s29], $0x2000  }
0xcc: {  	[sflag:s29] =	ssyncset.done $0x0  }
0xcd: {  	[sflag:s29] =	ssyncadd.s32 $0xFFFFE000  }
0xce: {  	_ =	swait.ge [sflag:s29], $0x2000  }
0xcf: {  	[sflag:s29] =	ssyncset.done $0x0  }
0xd0: {  	s26 =	simm.s32 $0xA00;
	[sflag:s29] =	ssyncadd.s32 $0xFFFFE000  }
0xd1: {  	[tilespmem:s18], [sflag:$0x1] =	stream.indirect.gather [hbm4b:s6+s17], $0x10, s26, s17, $0xb8;
	[tilespmem:$0x19490] =	vst v63  }
0xd2: {  	_ = 	snop  }
0xd3: {  	[tilespmem:s19], [sflag:$0x1] =	stream.indirect.gather [hbm4b:s6+s17], $0x10, s2, s17, $0xb8;
	[tilespmem:$0x19490] =	vst v63  }
0xd4: {  	_ = 	snop  }
0xd5: {  	[tilespmem:s20], [sflag:$0x1] =	stream.indirect.gather [hbm4b:s6+s17], $0x10, s7, s17, $0xb8;
	[tilespmem:$0x19490] =	vst v63  }
0xd6: {  	_ = 	snop  }
0xd7: {  	[tilespmem:s21], [sflag:$0x1] =	stream.indirect.gather [hbm4b:s6+s17], $0x10, s8, s17, $0xb8;
	[tilespmem:$0x19490] =	vst v63  }
0xd8: {  	_ = 	snop  }
0xd9: {  	[tilespmem:s22], [sflag:$0x1] =	stream.indirect.gather [hbm4b:s6+s17], $0x10, s9, s17, $0xb8;
	[tilespmem:$0x19490] =	vst v63  }
0xda: {  	_ =	swait.ge [sflag:s23], $0x2000  }
0xdb: {  	[sflag:s23] =	ssyncset.done $0x0  }
0xdc: {  	[sflag:s23] =	ssyncadd.s32 $0xFFFFE000  }
0xdd: {  	[spmem:s1] =	stream.indirect.scatter.add.f32 [tilespmem:s18], [sflag:$0x2], $0x10, s10, s17, $0xb8;
	[tilespmem:$0x19490] =	vst v63  }
0xde: {  	_ =	swait.ge [sflag:s23], $0x2000  }
0xdf: {  	[sflag:s23] =	ssyncset.done $0x0  }
0xe0: {  	[sflag:s23] =	ssyncadd.s32 $0xFFFFE000  }
0xe1: {  	[spmem:s1] =	stream.indirect.scatter.add.f32 [tilespmem:s19], [sflag:$0x2], $0x10, s15, s17, $0xb8;
	[tilespmem:$0x19490] =	vst v63  }
0xe2: {  	_ =	swait.ge [sflag:s23], $0x2000  }
0xe3: {  	[sflag:s23] =	ssyncset.done $0x0  }
0xe4: {  	[sflag:s23] =	ssyncadd.s32 $0xFFFFE000  }
0xe5: {  	[spmem:s1] =	stream.indirect.scatter.add.f32 [tilespmem:s20], [sflag:$0x2], $0x10, s12, s17, $0xb8;
	[tilespmem:$0x19490] =	vst v63  }
0xe6: {  	_ =	swait.ge [sflag:s23], $0x2000  }
0xe7: {  	[sflag:s23] =	ssyncset.done $0x0  }
0xe8: {  	s25 =	simm.s32 $0x2400;
	[sflag:s23] =	ssyncadd.s32 $0xFFFFE000  }
0xe9: {  	[spmem:s1] =	stream.indirect.scatter.add.f32 [tilespmem:s21], [sflag:$0x2], $0x10, s25, s17, $0xb8;
	[tilespmem:$0x19490] =	vst v63  }
0xea: {  	_ =	swait.ge [sflag:s23], $0x2000  }
0xeb: {  	[sflag:s23] =	ssyncset.done $0x0  }
0xec: {  	s25 =	simm.s32 $0x2600;
	[sflag:s23] =	ssyncadd.s32 $0xFFFFE000  }
0xed: {  	[spmem:s1] =	stream.indirect.scatter.add.f32 [tilespmem:s22], [sflag:$0x2], $0x10, s25, s17, $0xb8;
	[tilespmem:$0x19490] =	vst v63  }
0xee: {  	_ =	swait.ge [sflag:s29], $0x2000  }
0xef: {  	[sflag:s29] =	ssyncset.done $0x0  }
0xf0: {  	[sflag:s29] =	ssyncadd.s32 $0xFFFFE000  }
0xf1: {  	_ =	swait.ge [sflag:s29], $0x2000  }
0xf2: {  	[sflag:s29] =	ssyncset.done $0x0  }
0xf3: {  	[sflag:s29] =	ssyncadd.s32 $0xFFFFE000  }
0xf4: {  	_ =	swait.ge [sflag:s29], $0x2000  }
0xf5: {  	[sflag:s29] =	ssyncset.done $0x0  }
0xf6: {  	p1 =	sne.s32 s24, $0x1680;
	[sflag:s29] =	ssyncadd.s32 $0xFFFFE000  }
.Ltmp1:
0xf7: {  	_ =	swait.ge [sflag:s29], $0x2000;
	(pc) =	sbr.rel @p1 .LBB2_4-.Ltmp1, $4  }
0xf8: {  	[sflag:s29] =	ssyncset.done $0x0  }
0xf9: {  	[sflag:s29] =	ssyncadd.s32 $0xFFFFE000  }
0xfa: {  	_ =	swait.ge [sflag:s29], $0x2000  }
0xfb: {  	s24 =	sadd.s32 $0x280, s24;
	s25 =	rddreg [dreg:$0x7];
	[sflag:s29] =	ssyncset.done $0x0  }
0xfc: {  	[sflag:s29] =	ssyncadd.s32 $0xFFFFE000;
	s24 =	sadd.s32 s5, s25  }
0xfd: {  	[tilespmem:s3], [sflag:$0x3] =	stream.linear.gather [hbm4b:s24+s3], $0x1400, $0x38;
	[tilespmem:$0x19490] =	vst v63  }
0xfe: {  	_ =	swait.ge [sflag:s14], $0x1400  }
0xff: {  	s25 =	rddreg [dreg:$0x6];
	[sflag:s14] =	ssyncset.done $0x0  }
0x100: {  	[sflag:s14] =	ssyncadd.s32 $0xFFFFEC00;
	s24 =	sadd.s32 s5, s25  }
0x101: {  	[tilespmem:s16], [sflag:$0x3] =	stream.linear.gather [hbm4b:s24+s3], $0x1400, $0x38;
	[tilespmem:$0x19490] =	vst v63  }
0x102: {  	_ =	swait.ge [sflag:s14], $0x1400  }
0x103: {  	[sflag:s14] =	ssyncset.done $0x0  }
0x104: {  	[sflag:s14] =	ssyncadd.s32 $0xFFFFEC00  }
0x105: {  	[tilespmem:s18], [sflag:$0x1] =	stream.indirect.gather [hbm4b:s6+s17], $0x10, s3, s17, $0xb8;
	[tilespmem:$0x19490] =	vst v63  }
0x106: {  	_ = 	snop  }
0x107: {  	[tilespmem:s19], [sflag:$0x1] =	stream.indirect.gather [hbm4b:s6+s17], $0x10, s17, s17, $0xb8;
	[tilespmem:$0x19490] =	vst v63  }
0x108: {  	s25 =	rddreg [dreg:$0x8]  }
0x109: {  	[tilespmem:s20], [sflag:$0x1] =	stream.indirect.gather [hbm4b:s6+s17], $0x10, s25, s17, $0xb8;
	[tilespmem:$0x19490] =	vst v63  }
0x10a: {  	s24 =	rddreg [dreg:$0x9]  }
0x10b: {  	[tilespmem:s21], [sflag:$0x1] =	stream.indirect.gather [hbm4b:s6+s17], $0x10, s24, s17, $0xb8;
	[tilespmem:$0x19490] =	vst v63  }
0x10c: {  	s25 =	rddreg [dreg:$0xa]  }
0x10d: {  	[tilespmem:s22], [sflag:$0x1] =	stream.indirect.gather [hbm4b:s6+s17], $0x10, s25, s17, $0xb8;
	[tilespmem:$0x19490] =	vst v63  }
0x10e: {  	_ =	swait.ge [sflag:s23], $0x2000  }
0x10f: {  	[sflag:s23] =	ssyncset.done $0x0  }
0x110: {  	[sflag:s23] =	ssyncadd.s32 $0xFFFFE000  }
0x111: {  	[spmem:s1] =	stream.indirect.scatter.add.f32 [tilespmem:s18], [sflag:$0x2], $0x10, s16, s17, $0xb8;
	[tilespmem:$0x19490] =	vst v63  }
0x112: {  	_ =	swait.ge [sflag:s23], $0x2000  }
0x113: {  	[sflag:s23] =	ssyncset.done $0x0  }
0x114: {  	[sflag:s23] =	ssyncadd.s32 $0xFFFFE000  }
0x115: {  	[spmem:s1] =	stream.indirect.scatter.add.f32 [tilespmem:s19], [sflag:$0x2], $0x10, s31, s17, $0xb8;
	[tilespmem:$0x19490] =	vst v63  }
0x116: {  	_ =	swait.ge [sflag:s23], $0x2000  }
0x117: {  	[sflag:s23] =	ssyncset.done $0x0  }
0x118: {  	[sflag:s23] =	ssyncadd.s32 $0xFFFFE000  }
0x119: {  	[spmem:s1] =	stream.indirect.scatter.add.f32 [tilespmem:s20], [sflag:$0x2], $0x10, s0, s17, $0xb8;
	[tilespmem:$0x19490] =	vst v63  }
0x11a: {  	_ =	swait.ge [sflag:s23], $0x2000  }
0x11b: {  	[sflag:s23] =	ssyncset.done $0x0  }
0x11c: {  	[sflag:s23] =	ssyncadd.s32 $0xFFFFE000  }
0x11d: {  	[spmem:s1] =	stream.indirect.scatter.add.f32 [tilespmem:s21], [sflag:$0x2], $0x10, s28, s17, $0xb8;
	[tilespmem:$0x19490] =	vst v63  }
0x11e: {  	_ =	swait.ge [sflag:s23], $0x2000  }
0x11f: {  	[sflag:s23] =	ssyncset.done $0x0  }
0x120: {  	[sflag:s23] =	ssyncadd.s32 $0xFFFFE000  }
0x121: {  	[spmem:s1] =	stream.indirect.scatter.add.f32 [tilespmem:s22], [sflag:$0x2], $0x10, s30, s17, $0xb8;
	[tilespmem:$0x19490] =	vst v63  }
0x122: {  	_ =	swait.ge [sflag:s29], $0x2000  }
0x123: {  	[sflag:s29] =	ssyncset.done $0x0  }
0x124: {  	[sflag:s29] =	ssyncadd.s32 $0xFFFFE000  }
0x125: {  	_ =	swait.ge [sflag:s29], $0x2000  }
0x126: {  	[sflag:s29] =	ssyncset.done $0x0  }
0x127: {  	[sflag:s29] =	ssyncadd.s32 $0xFFFFE000  }
0x128: {  	_ =	swait.ge [sflag:s29], $0x2000  }
0x129: {  	[sflag:s29] =	ssyncset.done $0x0  }
0x12a: {  	[sflag:s29] =	ssyncadd.s32 $0xFFFFE000  }
0x12b: {  	_ =	swait.ge [sflag:s29], $0x2000  }
0x12c: {  	[sflag:s29] =	ssyncset.done $0x0  }
0x12d: {  	[sflag:s29] =	ssyncadd.s32 $0xFFFFE000  }
0x12e: {  	_ =	swait.ge [sflag:s29], $0x2000  }
0x12f: {  	[sflag:s29] =	ssyncset.done $0x0  }
0x130: {  	[sflag:s29] =	ssyncadd.s32 $0xFFFFE000  }
0x131: {  	[tilespmem:s18], [sflag:$0x1] =	stream.indirect.gather [hbm4b:s6+s17], $0x10, s26, s17, $0xb8;
	[tilespmem:$0x19490] =	vst v63  }
0x132: {  	_ = 	snop  }
0x133: {  	[tilespmem:s19], [sflag:$0x1] =	stream.indirect.gather [hbm4b:s6+s17], $0x10, s2, s17, $0xb8;
	[tilespmem:$0x19490] =	vst v63  }
0x134: {  	_ = 	snop  }
0x135: {  	[tilespmem:s20], [sflag:$0x1] =	stream.indirect.gather [hbm4b:s6+s17], $0x10, s7, s17, $0xb8;
	[tilespmem:$0x19490] =	vst v63  }
0x136: {  	_ = 	snop  }
0x137: {  	[tilespmem:s21], [sflag:$0x1] =	stream.indirect.gather [hbm4b:s6+s17], $0x10, s8, s17, $0xb8;
	[tilespmem:$0x19490] =	vst v63  }
0x138: {  	_ = 	snop  }
0x139: {  	[tilespmem:s22], [sflag:$0x1] =	stream.indirect.gather [hbm4b:s6+s17], $0x10, s9, s17, $0xb8;
	[tilespmem:$0x19490] =	vst v63  }
0x13a: {  	_ =	swait.ge [sflag:s23], $0x2000  }
0x13b: {  	[sflag:s23] =	ssyncset.done $0x0  }
0x13c: {  	[sflag:s23] =	ssyncadd.s32 $0xFFFFE000  }
0x13d: {  	[spmem:s1] =	stream.indirect.scatter.add.f32 [tilespmem:s18], [sflag:$0x2], $0x10, s10, s17, $0xb8;
	[tilespmem:$0x19490] =	vst v63  }
0x13e: {  	_ =	swait.ge [sflag:s23], $0x2000  }
0x13f: {  	[sflag:s23] =	ssyncset.done $0x0  }
0x140: {  	[sflag:s23] =	ssyncadd.s32 $0xFFFFE000  }
0x141: {  	[spmem:s1] =	stream.indirect.scatter.add.f32 [tilespmem:s19], [sflag:$0x2], $0x10, s15, s17, $0xb8;
	[tilespmem:$0x19490] =	vst v63  }
0x142: {  	_ =	swait.ge [sflag:s23], $0x2000  }
0x143: {  	[sflag:s23] =	ssyncset.done $0x0  }
0x144: {  	[sflag:s23] =	ssyncadd.s32 $0xFFFFE000  }
0x145: {  	[spmem:s1] =	stream.indirect.scatter.add.f32 [tilespmem:s20], [sflag:$0x2], $0x10, s12, s17, $0xb8;
	[tilespmem:$0x19490] =	vst v63  }
0x146: {  	_ =	swait.ge [sflag:s23], $0x2000  }
0x147: {  	[sflag:s23] =	ssyncset.done $0x0  }
0x148: {  	s30 =	simm.s32 $0x2400;
	[sflag:s23] =	ssyncadd.s32 $0xFFFFE000  }
0x149: {  	[spmem:s1] =	stream.indirect.scatter.add.f32 [tilespmem:s21], [sflag:$0x2], $0x10, s30, s17, $0xb8;
	[tilespmem:$0x19490] =	vst v63  }
0x14a: {  	_ =	swait.ge [sflag:s23], $0x2000  }
0x14b: {  	[sflag:s23] =	ssyncset.done $0x0  }
0x14c: {  	s31 =	simm.s32 $0x2600;
	[sflag:s23] =	ssyncadd.s32 $0xFFFFE000  }
0x14d: {  	[spmem:s1] =	stream.indirect.scatter.add.f32 [tilespmem:s22], [sflag:$0x2], $0x10, s31, s17, $0xb8;
	[tilespmem:$0x19490] =	vst v63  }
0x14e: {  	_ =	swait.ge [sflag:s29], $0x2000  }
0x14f: {  	[sflag:s29] =	ssyncset.done $0x0  }
0x150: {  	[sflag:s29] =	ssyncadd.s32 $0xFFFFE000  }
0x151: {  	_ =	swait.ge [sflag:s29], $0x2000  }
0x152: {  	[sflag:s29] =	ssyncset.done $0x0  }
0x153: {  	[sflag:s29] =	ssyncadd.s32 $0xFFFFE000  }
0x154: {  	_ =	swait.ge [sflag:s29], $0x2000  }
0x155: {  	[sflag:s29] =	ssyncset.done $0x0  }
0x156: {  	[sflag:s29] =	ssyncadd.s32 $0xFFFFE000  }
0x157: {  	_ =	swait.ge [sflag:s29], $0x2000  }
0x158: {  	[sflag:s29] =	ssyncset.done $0x0  }
0x159: {  	[sflag:s29] =	ssyncadd.s32 $0xFFFFE000  }
0x15a: {  	_ =	swait.ge [sflag:s29], $0x2000  }
0x15b: {  	[sflag:s29] =	ssyncset.done $0x0  }
0x15c: {  	[sflag:s29] =	ssyncadd.s32 $0xFFFFE000  }
0x15d: {  	[bflag:$0x0] =	sbarrier.arrive $0xFFFF  }
0x15e: {  	v0 =	vld [tilespmem:$0xCF70];
	_ =	sdelay $0x1  }
0x15f: {  	s24 =	rddreg [dreg:$0xc]  }
0x160: {  	v1 =	vimm.f32 $0.0e+00;
	s5 =	simm.s32 $0x0;
	s7 =	simm.s32 $0x0;
	s2 =	rddreg [dreg:$0x12]  }
.LBB2_6:
0x161: {  	s25 =	smul.u32 $0x70, s5  }
0x162: {  	s0 =	rddreg [dreg:$0xc]  }
0x163: {  	s25 =	sadd.s32 s0, s25  }
0x164: {  	s26 =	sshll.u32 s25, $0x4  }
0x165: {  	s26 =	sand.u32 $0x3FFFFFF0, s26  }
0x166: {  	s28 =	simm.s32 $0xC800;
	s26 =	sadd.s32 s26, s1  }
0x167: {  	[tilespmem:s28], [sflag:$0x3] =	stream.linear.gather [spmem:s26], $0x700, $0x38;
	[tilespmem:$0x19490] =	vst v63  }
0x168: {  	_ =	swait.ge [sflag:s14], $0x700  }
0x169: {  	s25 =	sshrl.u32 s25, $0x3;
	[sflag:s14] =	ssyncset.done $0x0;
	s31 =	rddreg [dreg:$0xb]  }
0x16a: {  	v2 =	vmov s7;
	[sflag:s14] =	ssyncadd.s32 $0xFFFFF900;
	s25 =	sadd.s32 s31, s25  }
0x16b: {  	[tilespmem:s4], [sflag:$0x3] =	stream.linear.gather [hbm4b:s25+s7], $0x70, $0x38;
	[tilespmem:$0x19490] =	vst v63  }
0x16c: {  	_ =	swait.ge [sflag:s14], $0x70  }
0x16d: {  	[sflag:s14] =	ssyncset.done $0x0  }
0x16e: {  	[sflag:s14] =	ssyncadd.s32 $0xFFFFFF90  }
0x16f: {  	s25 =	simm.s32 $0x1;
	v3 =	vld.idx.msk [tilespmem:v2+s4+$0x0], $0xffff  }
0x170: {  	v2 =	vmov s25;
	v4 =	vld [tilespmem:s28+$0x0];
	_ =	sdelay $0x4  }
0x171: {  	s30 =	simm.s32 $0xC810;
	s26 =	simm.s32 $0x2;
	s28 =	simm.s32 $0x0;
	v2 =	vld.idx.msk [tilespmem:v2+s4+$0x0], $0xffff;
	v3 =	vmul.f32 v3, v4  }
.LBB2_7:
0x172: {  	v4 =	vmov s26;
	p1 =	sne.s32 s26, $0x6F;
	v5 =	vld [tilespmem:s30+$0x0];
	s31 =	smov.u32 s26;
	s26 =	sadd.s32 $0x1, s26  }
.Ltmp2:
0x173: {  	v3 =	vadd.f32 v3, v0;
	(pc) =	sbr.rel @p1 .LBB2_7-.Ltmp2, $4  }
0x174: {  	s0 =	sadd.s32 s28, s24;
	s28 =	smov.u32 s25;
	s25 =	smov.u32 s31  }
0x175: {  	p2 =	slt.u32 s0, $0xC350;
	v3 =	vmax.f32 v3, $0.0e+00  }
0x176: {  	v6 =	vpsel !p2, $0x0, v3  }
0x177: {  	s30 =	sadd.s32 $0x10, s30;
	v3 =	vmul.f32 v2, v5;
	v2 =	vld.idx.msk [tilespmem:v4+s4+$0x0], $0xffff;
	v1 =	vadd.f32 v6, v1  }
0x178: {  	v4 =	vld [tilespmem:s30+$0x0];
	_ =	sdelay $0x2  }
0x179: {  	v3 =	vadd.f32 v3, v0  }
0x17a: {  	s0 =	sadd.s32 s28, s24  }
0x17b: {  	s5 =	sadd.s32 $0x1, s5;
	p1 =	slt.u32 s0, $0xC350;
	v3 =	vmax.f32 v3, $0.0e+00;
	v2 =	vmul.f32 v2, v4  }
0x17c: {  	v3 =	vpsel !p1, $0x0, v3;
	p1 =	sne.s32 s5, $0x1C  }
.Ltmp3:
0x17d: {  	v2 =	vadd.f32 v2, v0;
	(pc) =	sbr.rel @p1 .LBB2_6-.Ltmp3, $4  }
0x17e: {  	s31 =	sadd.s32 s25, s24  }
0x17f: {  	p6 =	slt.u32 s31, $0xC350;
	v1 =	vadd.f32 v3, v1;
	v2 =	vmax.f32 v2, $0.0e+00  }
0x180: {  	v2 =	vpsel !p6, $0x0, v2  }
0x181: {  	s24 =	sadd.s32 $0x70, s24;
	v1 =	vadd.f32 v2, v1  }
0x182: {  	_ = 	snop  }
0x183: {  	s0 =	rddreg [dreg:$0xe];
	s30 =	simm.s32 $0xCF70;
	[tilespmem:$0xCF70] =	vst v1  }
0x184: {  	[spmem:s0] =	stream.linear.scatter [tilespmem:s30], [sflag:$0x3], $0x10, $0x38;
	[tilespmem:$0x19490] =	vst v63  }
0x185: {  	_ =	swait.ge [sflag:s14], $0x10  }
0x186: {  	[sflag:s14] =	ssyncset.done $0x0  }
0x187: {  	[sflag:s14] =	ssyncadd.s32 $0xFFFFFFF0  }
0x188: {  	[bflag:$0x0] =	sbarrier.arrive $0xFFFF  }
0x189: {  	s0 =	simm.s32 @!p0 $0xCF80;
	s5 =	rddreg [dreg:$0x4]  }
0x18a: {  	[tilespmem:s0], [sflag:$0x3] =	stream.linear.gather @!p0 [spmem:s5], $0x100, $0x38;
	[tilespmem:$0x19490] =	vst v63  }
0x18b: {  	s0 =	simm.s32 @!p0 $0x3  }
0x18c: {  	_ =	swait.ge @!p0 [sflag:s0], $0x100  }
0x18d: {  	[sflag:s0] =	ssyncset.done @!p0 $0x0  }
0x18e: {  	[sflag:s0] =	ssyncadd.s32 @!p0 $0xFFFFFF00  }
0x18f: {  	v0 =	vld @!p0 [tilespmem:$0xCF80]  }
0x190: {  	v1 =	vld @!p0 [tilespmem:$0xCF90];
	_ =	sdelay $0x1  }
0x191: {  	v2 =	vld @!p0 [tilespmem:$0xCFA0];
	_ =	sdelay $0x1  }
0x192: {  	v3 =	vld @!p0 [tilespmem:$0xCFB0]  }
0x193: {  	v0 =	vadd.f32 @!p0 v1, v0  }
0x194: {  	v1 =	vld @!p0 [tilespmem:$0xCFC0]  }
0x195: {  	v0 =	vadd.f32 @!p0 v2, v0  }
0x196: {  	v2 =	vld @!p0 [tilespmem:$0xCFD0]  }
0x197: {  	v0 =	vadd.f32 @!p0 v3, v0  }
0x198: {  	v3 =	vld @!p0 [tilespmem:$0xCFE0]  }
0x199: {  	v0 =	vadd.f32 @!p0 v1, v0  }
0x19a: {  	v1 =	vld @!p0 [tilespmem:$0xCFF0]  }
0x19b: {  	v0 =	vadd.f32 @!p0 v2, v0  }
0x19c: {  	v2 =	vld @!p0 [tilespmem:$0xD000]  }
0x19d: {  	v0 =	vadd.f32 @!p0 v3, v0  }
0x19e: {  	v3 =	vld @!p0 [tilespmem:$0xD010]  }
0x19f: {  	v0 =	vadd.f32 @!p0 v1, v0  }
0x1a0: {  	v1 =	vld @!p0 [tilespmem:$0xD020]  }
0x1a1: {  	v0 =	vadd.f32 @!p0 v2, v0  }
0x1a2: {  	v2 =	vld @!p0 [tilespmem:$0xD030]  }
0x1a3: {  	v0 =	vadd.f32 @!p0 v3, v0  }
0x1a4: {  	v3 =	vld @!p0 [tilespmem:$0xD040]  }
0x1a5: {  	v0 =	vadd.f32 @!p0 v1, v0  }
0x1a6: {  	v1 =	vld @!p0 [tilespmem:$0xD050]  }
0x1a7: {  	v0 =	vadd.f32 @!p0 v2, v0  }
0x1a8: {  	v2 =	vld @!p0 [tilespmem:$0xD060]  }
0x1a9: {  	v0 =	vadd.f32 @!p0 v3, v0  }
0x1aa: {  	v3 =	vld @!p0 [tilespmem:$0xD070]  }
0x1ab: {  	v0 =	vadd.f32 @!p0 v1, v0;
	_ =	sdelay $0x1  }
0x1ac: {  	v0 =	vadd.f32 @!p0 v2, v0;
	_ =	sdelay $0x1  }
0x1ad: {  	v0 =	vadd.f32 @!p0 v3, v0;
	_ =	sdelay $0x1  }
0x1ae: {  	s24 =	simm.s32 @!p0 $0xCF70;
	s5 =	simm.s32 @!p0 $0x0;
	s25 =	rddreg [dreg:$0xf];
	[tilespmem:$0xCF70] =	vst @!p0 v0  }
0x1af: {  	[hbm4b:s25+s5] =	stream.linear.scatter @!p0 [tilespmem:s24], [sflag:$0x3], $0x10, $0x38;
	[tilespmem:$0x19490] =	vst v63  }
0x1b0: {  	_ =	swait.ge @!p0 [sflag:s0], $0x10  }
0x1b1: {  	s2 =	sadd.s32 $0x1, s2;
	s28 =	rddreg [dreg:$0x10]  }
0x1b2: {  	p1 =	sne.s32 s2, s28  }
.Ltmp4:
0x1b3: {  	_ = 	snop;
	(pc) =	sbr.rel @p1 .LBB2_1-.Ltmp4, $3  }
0x1b4: {  	_ =	sdelay $0x1  }
0x1b5: {  	[sflag:s0] =	ssyncset.done @!p0 $0x0  }
0x1b6: {  	s31 =	simm.s32 $0x1600;
	[sflag:s0] =	ssyncadd.s32 @!p0 $0xFFFFFFF0  }
0x1b7: {  	_ =	sfence.sel $0x180000  }
0x1b8: {  	[bflag:$0x0] =	sbarrier.arrive $0xFFFF  }
0x1b9: {  	_ =	strace $0x9000004A  }
0x1ba: {  	[bflag:$0x2] =	sbarrier.arrive $0xFFFF  }
0x1bb: {  	s0 =	rddreg [dreg:$0x5]  }
0x1bc: {  	s0 =	sadd.s32 @!p0 $0x100000, s0  }
0x1bd: {  	[sflag:s0] =	ssyncadd.tile.s32 @!p0 $0x1;
	_ =	shalt  }
.Lfunc_end2:
_tile_overlayer_lowered:
.L_overlay_start_2:
0x1be: {  	(tag) =	ssettag $0x2  }
0x1bf: {  	s0 =	rddreg [dreg:$0x0];
	s2 =	stileid.u32  }
0x1c0: {  	s1 =	rddreg [dreg:$0x1];
	p0 =	sne.s32 s2, $0x0  }
0x1c1: {  	s3 =	rddreg [dreg:$0x2];
	[bflag:$0x3] =	sbarrier.arrive $0xFFFF;
	s2 =	simm.s32 @!p0 $0x1C03  }
0x1c2: {  	[timem:s3], [sflag:s2] =	dma.local @!p0 [hbm:s0], s1  }
0x1c3: {  	s0 =	simm.s32 @!p0 $0x3  }
0x1c4: {  	_ =	swait.ge @!p0 [sflag:s0], s1  }
0x1c5: {  	s1 =	ssub.s32 @!p0 $0x0, s1;
	[sflag:s0] =	ssyncset.done @!p0 $0x0  }
0x1c6: {  	[sflag:s0] =	ssyncadd.s32 @!p0 s1  }
0x1c7: {  	[bflag:$0x3] =	sbarrier.arrive $0xFFFF  }
0x1c8: {  	_ =	shalt  }

</sc_bundles>
